<compile_context>
chip_gen: v7x
topology: tpu7x:2x2x1
jax: 0.10.2.dev20260603
libtpu: 0.0.44.dev20260713+nightly
codegen_flags: <defaults>
</compile_context>

<pallas_src>
import functools

import jax
import jax.numpy as jnp
import numpy as np
from jax import lax
from jax.experimental import pallas as pl
from jax.experimental.pallas import tpu as pltpu
from jax.experimental.pallas import tpu_sc as plsc

N_NODES = 10000
N_HEDGES = 5000
N_INC = 320000
FEAT = 128
DIM = 128
HEADS = 4
HID = DIM // HEADS
NCLS = 40
NLAYERS = 2

WID = DIM + 16
NW = 32
CHUNK = 80
ZROWS = 640

_S_np = np.zeros((DIM, HEADS), np.float32)
for _h in range(HEADS):
    _S_np[_h * HID:(_h + 1) * HID, _h] = 1.0


def _ln(o, g, b):
    m = jnp.mean(o, axis=-1, keepdims=True)
    c = o - m
    v = jnp.mean(c * c, axis=-1, keepdims=True)
    return c * jax.lax.rsqrt(v + 1e-5) * g + b


def _elu(o):
    return jnp.where(o > 0, o, jnp.exp(jnp.minimum(o, 0.0)) - 1.0)


def _pre_block(x, Wk, Wv, att, S, ST):
    Kx = jnp.dot(x, Wk, preferred_element_type=jnp.float32)
    alpha = jnp.dot(Kx * att, S, preferred_element_type=jnp.float32)
    gmax = jnp.max(alpha, axis=0, keepdims=True)
    ea = jnp.exp(alpha - gmax)
    Vx = jnp.dot(x, Wv, preferred_element_type=jnp.float32)
    eaexp = jnp.dot(ea, ST, preferred_element_type=jnp.float32)
    pad = jnp.zeros((x.shape[0], WID - DIM - HEADS), jnp.float32)
    return jnp.concatenate([Vx * eaexp, ea, pad], axis=1)


def _post_block(raw0, raw1, att, ST, ln0_g, ln0_b, Wff, bff, ln1_g, ln1_b):
    raw = raw0 + raw1
    s = jnp.dot(raw[:, DIM:DIM + HEADS], ST,
                preferred_element_type=jnp.float32) + 1e-16
    o = raw[:, :DIM] / s + att
    o = _ln(o, ln0_g, ln0_b)
    o = o + jax.nn.relu(jnp.dot(o, Wff, preferred_element_type=jnp.float32) + bff)
    o = _ln(o, ln1_g, ln1_b)
    return _elu(o)



def _t0_body(x_ref, bng, bnb, bnm, bnv, Wk, Wv, att, S, ST, u_ref):
    x = (x_ref[...] - bnm[...]) * jax.lax.rsqrt(bnv[...] + 1e-5) * bng[...] + bnb[...]
    u_ref[...] = _pre_block(x, Wk[...], Wv[...], att[...], S[...], ST[...])


def _tmid_body(r0, r1, att_a, g0, b0, Wff, bff, g1, b1,
               Wk, Wv, att_b, S, ST, u_ref, x_ref):
    x = _post_block(r0[...], r1[...], att_a[...], ST[...], g0[...], b0[...],
                    Wff[...], bff[...], g1[...], b1[...])
    x_ref[...] = x
    u_ref[...] = _pre_block(x, Wk[...], Wv[...], att_b[...], S[...], ST[...])


def _t4_body(r0, r1, att_a, g0, b0, Wff, bff, g1, b1, ST,
             x1_ref, Wc1, Wc2, bc, out_ref):
    x2 = _post_block(r0[...], r1[...], att_a[...], ST[...], g0[...], b0[...],
                     Wff[...], bff[...], g1[...], b1[...])
    logits = (jnp.dot(x1_ref[...], Wc1[...], preferred_element_type=jnp.float32)
              + jnp.dot(x2, Wc2[...], preferred_element_type=jnp.float32)
              + bc[...])
    z = logits - jnp.max(logits, axis=-1, keepdims=True)
    out_ref[...] = z - jnp.log(jnp.sum(jnp.exp(z), axis=-1, keepdims=True))


def _tc(body, out_shape, *args):
    return pl.pallas_call(body, out_shape=out_shape)(*args)



@functools.lru_cache(maxsize=None)
def _make_sc_segsum(nseg, n_rows):
    chunk = 128 if nseg <= 5000 else 64
    nseg_pad = ((nseg + 127) // 128) * 128
    rpt = nseg_pad // 16
    nsup = -(-N_INC // (NW * chunk))
    nsup += nsup % 2
    crows = nsup
    inc_pad = NW * crows * chunk

    mesh = plsc.VectorSubcoreMesh(core_axis_name="c", subcore_axis_name="s")

    @functools.partial(
        pl.kernel,
        mesh=mesh,
        compiler_params=pltpu.CompilerParams(use_tc_tiling_on_sc=False),
        out_type=jax.ShapeDtypeStruct((2 * nseg_pad, WID), jnp.float32),
        scratch_types=[
            pltpu.VMEM((crows, chunk), jnp.int32),
            pltpu.VMEM((crows, chunk), jnp.int32),
            [pltpu.VMEM((chunk, WID), jnp.float32)] * 2,
            pltpu.VMEM_SHARED((nseg_pad, WID), jnp.float32),
            [pltpu.SemaphoreType.DMA] * 2,
        ],
    )
    def segsum(u_hbm, src_hbm, dst_hbm, zeros_hbm, out_hbm,
               src_v, dst_v, bufs, acc, sems):
        c = lax.axis_index("c")
        s = lax.axis_index("s")
        w = c * 16 + s

        pltpu.sync_copy(src_hbm.at[pl.ds(w * crows, crows)], src_v)
        pltpu.sync_copy(dst_hbm.at[pl.ds(w * crows, crows)], dst_v)
        pltpu.sync_copy(zeros_hbm.at[pl.ds(0, rpt)], acc.at[pl.ds(s * rpt, rpt)])
        plsc.subcore_barrier()

        def fire_g(sup, bk):
            pltpu.async_copy(u_hbm.at[src_v.at[sup]], bufs[bk], sems[bk])

        def drain_g(sup, bk):
            pltpu.make_async_copy(u_hbm.at[src_v.at[sup]], bufs[bk],
                                  sems[bk]).wait()

        def scat(sup, bk):
            pltpu.sync_copy(bufs[bk], acc.at[dst_v.at[sup]], add=True)

        fire_g(0, 0)

        def body(t, carry):
            s1 = 2 * t - 1
            fire_g(s1, 1)
            drain_g(s1 - 1, 0)
            scat(s1 - 1, 0)
            fire_g(s1 + 1, 0)
            drain_g(s1, 1)
            scat(s1, 1)
            return carry

        lax.fori_loop(1, nsup // 2, body, 0)

        fire_g(nsup - 1, 1)
        drain_g(nsup - 2, 0)
        scat(nsup - 2, 0)
        drain_g(nsup - 1, 1)
        scat(nsup - 1, 1)
        plsc.subcore_barrier()

        row0 = c * nseg_pad + s * rpt
        pltpu.sync_copy(acc.at[pl.ds(s * rpt, rpt)], out_hbm.at[pl.ds(row0, rpt)])

    return segsum, nseg_pad, inc_pad, chunk


def _sc_segsum(U, src, dst, nseg, zeros):
    fn, nseg_pad, inc_pad, chunk = _make_sc_segsum(nseg, U.shape[0])
    pad = inc_pad - N_INC
    ar = jnp.arange(pad, dtype=dst.dtype)
    dump = nseg + ar % (nseg_pad - nseg)
    filler = ar % jnp.int32(U.shape[0])
    srcr = jnp.concatenate([src, filler]).reshape(-1, chunk)
    dstr = jnp.concatenate([dst, dump]).reshape(-1, chunk)
    out = fn(U, srcr, dstr, zeros)
    return out[:nseg], out[nseg_pad:nseg_pad + nseg]



def kernel(node_x, n2e_nodes_map, n2e_batch, e2n_edges_map, e2n_batch, params):
    S = jnp.asarray(_S_np)
    ST = jnp.asarray(_S_np.T)
    zeros = jnp.zeros((ZROWS, WID), jnp.float32)

    def row(v):
        return jnp.reshape(v, (1, -1)).astype(jnp.float32)

    def pre_args(p):
        return (p['Wk'], p['Wv'], row(p['att_r']), S, ST)

    def post_args(p):
        return (row(p['att_r']), row(p['ln0_g']), row(p['ln0_b']),
                p['Wff'], row(p['bff']), row(p['ln1_g']), row(p['ln1_b']))

    n2e0, n2e1 = params['n2e']
    e2n0, e2n1 = params['e2n']

    U_a = _tc(_t0_body, jax.ShapeDtypeStruct((N_NODES, WID), jnp.float32),
              node_x, row(params['bn_g']), row(params['bn_b']),
              row(params['bn_m']), row(params['bn_v']), *pre_args(n2e0))
    ra0, ra1 = _sc_segsum(U_a, n2e_nodes_map, n2e_batch, N_HEDGES, zeros)

    U_b, _ = _tc(_tmid_body,
                 (jax.ShapeDtypeStruct((N_HEDGES, WID), jnp.float32),
                  jax.ShapeDtypeStruct((N_HEDGES, DIM), jnp.float32)),
                 ra0, ra1, *post_args(n2e0), *pre_args(e2n0))
    rb0, rb1 = _sc_segsum(U_b, e2n_edges_map, e2n_batch, N_NODES, zeros)

    U_c, x1 = _tc(_tmid_body,
                  (jax.ShapeDtypeStruct((N_NODES, WID), jnp.float32),
                   jax.ShapeDtypeStruct((N_NODES, DIM), jnp.float32)),
                  rb0, rb1, *post_args(e2n0), *pre_args(n2e1))
    rc0, rc1 = _sc_segsum(U_c, n2e_nodes_map, n2e_batch, N_HEDGES, zeros)

    U_d, _ = _tc(_tmid_body,
                 (jax.ShapeDtypeStruct((N_HEDGES, WID), jnp.float32),
                  jax.ShapeDtypeStruct((N_HEDGES, DIM), jnp.float32)),
                 rc0, rc1, *post_args(n2e1), *pre_args(e2n1))
    rd0, rd1 = _sc_segsum(U_d, e2n_edges_map, e2n_batch, N_NODES, zeros)

    out = _tc(_t4_body, jax.ShapeDtypeStruct((N_NODES, NCLS), jnp.float32),
              rd0, rd1, *post_args(e2n1), ST, x1,
              params['W_cls'][:DIM], params['W_cls'][DIM:], row(params['b_cls']))
    return out

# --- scband reference (transcript-rebuilt; emitter-appended) ---
"""Pipeline reference for scband-shgnn-4398046511526 (READ-ONLY COPY).

The authoritative reference and input builder live on the scoring server;
editing this copy changes nothing except your own understanding.
"""

import jax, jax.numpy as jnp
import numpy as np

N_NODES = 10000
N_HEDGES = 5000
N_INC = 320000
FEAT = 128
DIM = 128
HEADS = 4
HID = DIM // HEADS
NCLS = 40
NLAYERS = 2


def _glorot(key, shape):
    lim = float(np.sqrt(6.0 / (shape[0] + shape[-1])))
    return jax.random.uniform(key, shape, jnp.float32, -lim, lim)


def _ln(x, g, b):
    m = x.mean(-1, keepdims=True)
    v = x.var(-1, keepdims=True)
    return (x - m) / jnp.sqrt(v + 1e-5) * g + b


def _segment_softmax(alpha, seg, num):
    m = jax.ops.segment_max(alpha, seg, num_segments=num)
    m = jnp.where(jnp.isfinite(m), m, 0.0)
    a = jnp.exp(alpha - m[seg])
    s = jax.ops.segment_sum(a, seg, num_segments=num)
    return a / (s[seg] + 1e-16)


def _pma(p, x, src, dst, num_seg):
    # PMA (pooling by multihead attention, AllSet-style) over incidence map
    K = (x[src] @ p['Wk']).reshape(-1, HEADS, HID)
    V = (x[src] @ p['Wv']).reshape(-1, HEADS, HID)
    alpha = (K * p['att_r'][None]).sum(-1)  # [I, H]
    alpha = _segment_softmax(alpha, dst, num_seg)
    out = jax.ops.segment_sum(alpha[..., None] * V, dst, num_segments=num_seg)
    out = out + p['att_r'][None]
    out = out.reshape(num_seg, HEADS * HID)
    out = _ln(out, p['ln0_g'], p['ln0_b'])
    out = out + jax.nn.relu(out @ p['Wff'] + p['bff'])
    out = _ln(out, p['ln1_g'], p['ln1_b'])
    return out


def _forward(node_x, n2e_src, n2e_dst, e2n_src, e2n_dst, params):
    # in_emb: BatchNorm (inference form) + Dropout (p applied as identity at eval)
    x = (node_x - params['bn_m']) / jnp.sqrt(params['bn_v'] + 1e-5) * params['bn_g'] + params['bn_b']
    res = []
    for l in range(NLAYERS):
        ex = _pma(params['n2e'][l], x, n2e_src, n2e_dst, N_HEDGES)
        ex = jax.nn.elu(ex)  # EdgeUpdate
        x = _pma(params['e2n'][l], ex, e2n_src, e2n_dst, N_NODES)
        x = jax.nn.elu(x)  # NodeUpdate
        res.append(x)
    h = jnp.concatenate(res, axis=1)
    logits = h @ params['W_cls'] + params['b_cls']
    return jax.nn.log_softmax(logits, axis=-1)


def _pma_params(key, in_dim):
    k = jax.random.split(key, 4)
    return {'Wk': _glorot(k[0], (in_dim, DIM)), 'Wv': _glorot(k[1], (in_dim, DIM)),
            'att_r': _glorot(k[2], (HEADS, HID)),
            'ln0_g': jnp.ones(DIM), 'ln0_b': jnp.zeros(DIM),
            'Wff': _glorot(k[3], (DIM, DIM)), 'bff': jnp.zeros(DIM),
            'ln1_g': jnp.ones(DIM), 'ln1_b': jnp.zeros(DIM)}


def setup_inputs(seed: int = 0):
    key = jax.random.key(seed)
    ks = jax.random.split(key, 16)
    node_x = jax.random.normal(ks[0], (N_NODES, FEAT), jnp.float32)
    n2e_nodes_map = jax.random.randint(ks[1], (N_INC,), 0, N_NODES)
    n2e_batch = jnp.sort(jax.random.randint(ks[2], (N_INC,), 0, N_HEDGES))
    e2n_edges_map = jax.random.randint(ks[3], (N_INC,), 0, N_HEDGES)
    e2n_batch = jnp.sort(jax.random.randint(ks[4], (N_INC,), 0, N_NODES))
    params = {'bn_g': jnp.ones(FEAT), 'bn_b': jnp.zeros(FEAT),
              'bn_m': jnp.zeros(FEAT), 'bn_v': jnp.ones(FEAT),
              'n2e': [_pma_params(ks[5 + l], FEAT if l == 0 else DIM) for l in range(NLAYERS)],
              'e2n': [_pma_params(ks[8 + l], DIM) for l in range(NLAYERS)],
              'W_cls': _glorot(ks[12], (NLAYERS * DIM, NCLS)), 'b_cls': jnp.zeros(NCLS)}
    return {'node_x': node_x, 'n2e_nodes_map': n2e_nodes_map, 'n2e_batch': n2e_batch,
            'e2n_edges_map': e2n_edges_map, 'e2n_batch': e2n_batch, 'params': params}


def reference(node_x, n2e_nodes_map, n2e_batch, e2n_edges_map, e2n_batch, params):
    return _forward(node_x, n2e_nodes_map, n2e_batch, e2n_edges_map, e2n_batch, params)

if __name__ == "__main__":
    import jax
    _d = setup_inputs()
    print(jax.jit(kernel)(*tuple(_d.values())))

</pallas_src>

<mosaic_0001>
#map = affine_map<(d0, d1) -> (0, 0)>
module attributes {stable_mosaic.version = 14 : i64} {
  func.func @segsum(%arg0: i32, %arg1: i32, %arg2: memref<10000x144xf32, #tpu.memory_space<hbm>>, %arg3: memref<2560x128xi32, #tpu.memory_space<hbm>>, %arg4: memref<2560x128xi32, #tpu.memory_space<hbm>>, %arg5: memref<640x144xf32, #tpu.memory_space<hbm>>, %arg6: memref<10240x144xf32, #tpu.memory_space<hbm>>, %arg7: memref<80x128xi32, #tpu.memory_space<vmem>>, %arg8: memref<80x128xi32, #tpu.memory_space<vmem>>, %arg9: memref<128x144xf32, #tpu.memory_space<vmem>>, %arg10: memref<128x144xf32, #tpu.memory_space<vmem>>, %arg11: memref<5120x144xf32, #tpu.memory_space<vmem_shared>>, %arg12: memref<!tpu.dma_semaphore, #tpu.memory_space<semaphore_mem>>, %arg13: memref<!tpu.dma_semaphore, #tpu.memory_space<semaphore_mem>>) attributes {dimension_semantics = [#tpu.dimension_semantics<core_parallel>, #tpu.dimension_semantics<subcore_parallel>], iteration_bounds = array<i64: 2, 16>, scalar_prefetch = 0 : i64, scratch_operands = 7 : i64, tpu.core_type = #tpu.core_type<sc_vector_subcore>, window_params = [{transform_indices = #map}, {transform_indices = #map}, {transform_indices = #map}, {transform_indices = #map}, {transform_indices = #map}]} {
    %mul3A = arith.constant 16 : i32
    %mul3A_0 = arith.muli %arg0, %mul3A : i32
    %add3A = arith.addi %mul3A_0, %arg1 : i32
    %mul3A_1 = arith.constant 80 : i32
    %mul3A_2 = arith.muli %add3A, %mul3A_1 : i32
    "tpu.region"() ({
      %run_scoped3A_47 = tpu.sem_alloc : memref<!tpu.dma_semaphore, #tpu.memory_space<semaphore_mem>>
      %dma_start3A_48 = arith.constant 0 : i32
      %dma_start3A_49 = tpu.memref_slice %arg3[%mul3A_2, %dma_start3A_48] : memref<2560x128xi32, #tpu.memory_space<hbm>> -> memref<80x128xi32, #tpu.memory_space<hbm>>
      %dma_start3A_50 = arith.constant 0 : i32
      %dma_start3A_51 = tpu.memref_slice %arg3[%mul3A_2, %dma_start3A_50] : memref<2560x128xi32, #tpu.memory_space<hbm>> -> memref<80x128xi32, #tpu.memory_space<hbm>>
      tpu.enqueue_dma source(%dma_start3A_51 : memref<80x128xi32, #tpu.memory_space<hbm>>) target(%arg7 : memref<80x128xi32, #tpu.memory_space<vmem>>) target_semaphore(%run_scoped3A_47 : memref<!tpu.dma_semaphore, #tpu.memory_space<semaphore_mem>>)
      %dma_wait3A_52 = arith.constant 0 : i32
      %dma_wait3A_53 = tpu.memref_slice %arg3[%mul3A_2, %dma_wait3A_52] : memref<2560x128xi32, #tpu.memory_space<hbm>> -> memref<80x128xi32, #tpu.memory_space<hbm>>
      %dma_wait3A_54 = arith.constant 0 : i32
      %dma_wait3A_55 = tpu.memref_slice %arg3[%mul3A_2, %dma_wait3A_54] : memref<2560x128xi32, #tpu.memory_space<hbm>> -> memref<80x128xi32, #tpu.memory_space<hbm>>
      tpu.wait_dma2 semaphore(%run_scoped3A_47 : memref<!tpu.dma_semaphore, #tpu.memory_space<semaphore_mem>>) src(%dma_wait3A_55 : memref<80x128xi32, #tpu.memory_space<hbm>>) dst(%arg7 : memref<80x128xi32, #tpu.memory_space<vmem>>)
      tpu.yield
    }) : () -> ()
    %mul3A_3 = arith.constant 80 : i32
    %mul3A_4 = arith.muli %add3A, %mul3A_3 : i32
    "tpu.region"() ({
      %run_scoped3A_47 = tpu.sem_alloc : memref<!tpu.dma_semaphore, #tpu.memory_space<semaphore_mem>>
      %dma_start3A_48 = arith.constant 0 : i32
      %dma_start3A_49 = tpu.memref_slice %arg4[%mul3A_4, %dma_start3A_48] : memref<2560x128xi32, #tpu.memory_space<hbm>> -> memref<80x128xi32, #tpu.memory_space<hbm>>
      %dma_start3A_50 = arith.constant 0 : i32
      %dma_start3A_51 = tpu.memref_slice %arg4[%mul3A_4, %dma_start3A_50] : memref<2560x128xi32, #tpu.memory_space<hbm>> -> memref<80x128xi32, #tpu.memory_space<hbm>>
      tpu.enqueue_dma source(%dma_start3A_51 : memref<80x128xi32, #tpu.memory_space<hbm>>) target(%arg8 : memref<80x128xi32, #tpu.memory_space<vmem>>) target_semaphore(%run_scoped3A_47 : memref<!tpu.dma_semaphore, #tpu.memory_space<semaphore_mem>>)
      %dma_wait3A_52 = arith.constant 0 : i32
      %dma_wait3A_53 = tpu.memref_slice %arg4[%mul3A_4, %dma_wait3A_52] : memref<2560x128xi32, #tpu.memory_space<hbm>> -> memref<80x128xi32, #tpu.memory_space<hbm>>
      %dma_wait3A_54 = arith.constant 0 : i32
      %dma_wait3A_55 = tpu.memref_slice %arg4[%mul3A_4, %dma_wait3A_54] : memref<2560x128xi32, #tpu.memory_space<hbm>> -> memref<80x128xi32, #tpu.memory_space<hbm>>
      tpu.wait_dma2 semaphore(%run_scoped3A_47 : memref<!tpu.dma_semaphore, #tpu.memory_space<semaphore_mem>>) src(%dma_wait3A_55 : memref<80x128xi32, #tpu.memory_space<hbm>>) dst(%arg8 : memref<80x128xi32, #tpu.memory_space<vmem>>)
      tpu.yield
    }) : () -> ()
    %mul3A_5 = arith.constant 320 : i32
    %mul3A_6 = arith.muli %arg1, %mul3A_5 : i32
    "tpu.region"() ({
      %run_scoped3A_47 = tpu.sem_alloc : memref<!tpu.dma_semaphore, #tpu.memory_space<semaphore_mem>>
      %dma_start3A_48 = arith.constant 0 : i32
      %dma_start3A_49 = tpu.memref_slice %arg11[%mul3A_6, %dma_start3A_48] : memref<5120x144xf32, #tpu.memory_space<vmem_shared>> -> memref<320x144xf32, #tpu.memory_space<vmem_shared>>
      %dma_start3A_50 = arith.constant 0 : i32
      %dma_start3A_51 = arith.constant 0 : i32
      %dma_start3A_52 = tpu.memref_slice %arg5[%dma_start3A_50, %dma_start3A_51] : memref<640x144xf32, #tpu.memory_space<hbm>> -> memref<320x144xf32, #tpu.memory_space<hbm>>
      tpu.enqueue_dma source(%dma_start3A_52 : memref<320x144xf32, #tpu.memory_space<hbm>>) target(%dma_start3A_49 : memref<320x144xf32, #tpu.memory_space<vmem_shared>>) target_semaphore(%run_scoped3A_47 : memref<!tpu.dma_semaphore, #tpu.memory_space<semaphore_mem>>)
      %dma_wait3A_53 = arith.constant 0 : i32
      %dma_wait3A_54 = tpu.memref_slice %arg11[%mul3A_6, %dma_wait3A_53] : memref<5120x144xf32, #tpu.memory_space<vmem_shared>> -> memref<320x144xf32, #tpu.memory_space<vmem_shared>>
      %dma_wait3A_55 = arith.constant 0 : i32
      %dma_wait3A_56 = arith.constant 0 : i32
      %dma_wait3A_57 = tpu.memref_slice %arg5[%dma_wait3A_55, %dma_wait3A_56] : memref<640x144xf32, #tpu.memory_space<hbm>> -> memref<320x144xf32, #tpu.memory_space<hbm>>
      tpu.wait_dma2 semaphore(%run_scoped3A_47 : memref<!tpu.dma_semaphore, #tpu.memory_space<semaphore_mem>>) src(%dma_wait3A_57 : memref<320x144xf32, #tpu.memory_space<hbm>>) dst(%dma_wait3A_54 : memref<320x144xf32, #tpu.memory_space<vmem_shared>>)
      tpu.yield
    }) : () -> ()
    %barrier3A = arith.constant 0 : index
    tpu.barrier barrier_id(%barrier3A)
    %dma_start3A = arith.constant 0 : i32
    %dma_start3A_7 = arith.constant 0 : i32
    %dma_start3A_8 = tpu.memref_slice %arg7[%dma_start3A, %dma_start3A_7] : memref<80x128xi32, #tpu.memory_space<vmem>> -> memref<1x128xi32, #tpu.memory_space<vmem>>
    %dma_start3A_9 = tpu.memref_squeeze %dma_start3A_8 : memref<1x128xi32, #tpu.memory_space<vmem>> -> memref<128xi32, #tpu.memory_space<vmem>>
    %dma_start3A_10 = arith.constant 0 : i32
    %dma_start3A_11 = arith.constant 0 : i32
    %dma_start3A_12 = tpu.memref_slice %arg2[%dma_start3A_10, %dma_start3A_11] : memref<10000x144xf32, #tpu.memory_space<hbm>> -> memref<10000x144xf32, #tpu.memory_space<hbm>>
    tpu.enqueue_indirect_dma source(%dma_start3A_12 : memref<10000x144xf32, #tpu.memory_space<hbm>>) target(%arg9 : memref<128x144xf32, #tpu.memory_space<vmem>>) offsets(%dma_start3A_9 : memref<128xi32, #tpu.memory_space<vmem>>) semaphore(%arg12 : memref<!tpu.dma_semaphore, #tpu.memory_space<semaphore_mem>>)
    %scan3A = arith.constant 0 : i32
    %scan3A_13 = arith.constant 1 : i32
    %scan3A_14 = arith.constant 39 : i32
    %scan3A_15 = arith.addi %scan3A_13, %scan3A_14 : i32
    %scan3A_16 = arith.constant 1 : i32
    scf.for %scan3A_47 = %scan3A_13 to %scan3A_15 step %scan3A_16  : i32 {
      %mul3A_48 = arith.constant 2 : i32
      %mul3A_49 = arith.muli %mul3A_48, %scan3A_47 : i32
      %sub3A = arith.constant 1 : i32
      %sub3A_50 = arith.subi %mul3A_49, %sub3A : i32
      %dma_start3A_51 = arith.constant 0 : i32
      %dma_start3A_52 = tpu.memref_slice %arg7[%sub3A_50, %dma_start3A_51] : memref<80x128xi32, #tpu.memory_space<vmem>> -> memref<1x128xi32, #tpu.memory_space<vmem>>
      %dma_start3A_53 = tpu.memref_squeeze %dma_start3A_52 : memref<1x128xi32, #tpu.memory_space<vmem>> -> memref<128xi32, #tpu.memory_space<vmem>>
      %dma_start3A_54 = arith.constant 0 : i32
      %dma_start3A_55 = arith.constant 0 : i32
      %dma_start3A_56 = tpu.memref_slice %arg2[%dma_start3A_54, %dma_start3A_55] : memref<10000x144xf32, #tpu.memory_space<hbm>> -> memref<10000x144xf32, #tpu.memory_space<hbm>>
      tpu.enqueue_indirect_dma source(%dma_start3A_56 : memref<10000x144xf32, #tpu.memory_space<hbm>>) target(%arg10 : memref<128x144xf32, #tpu.memory_space<vmem>>) offsets(%dma_start3A_53 : memref<128xi32, #tpu.memory_space<vmem>>) semaphore(%arg13 : memref<!tpu.dma_semaphore, #tpu.memory_space<semaphore_mem>>)
      %sub3A_57 = arith.constant 1 : i32
      %sub3A_58 = arith.subi %sub3A_50, %sub3A_57 : i32
      %dma_wait3A_59 = arith.constant 0 : i32
      %dma_wait3A_60 = tpu.memref_slice %arg7[%sub3A_58, %dma_wait3A_59] : memref<80x128xi32, #tpu.memory_space<vmem>> -> memref<1x128xi32, #tpu.memory_space<vmem>>
      %dma_wait3A_61 = tpu.memref_squeeze %dma_wait3A_60 : memref<1x128xi32, #tpu.memory_space<vmem>> -> memref<128xi32, #tpu.memory_space<vmem>>
      %dma_wait3A_62 = arith.constant 0 : i32
      %dma_wait3A_63 = arith.constant 0 : i32
      %dma_wait3A_64 = tpu.memref_slice %arg2[%dma_wait3A_62, %dma_wait3A_63] : memref<10000x144xf32, #tpu.memory_space<hbm>> -> memref<10000x144xf32, #tpu.memory_space<hbm>>
      tpu.wait_indirect_dma semaphore(%arg12 : memref<!tpu.dma_semaphore, #tpu.memory_space<semaphore_mem>>) src(%dma_wait3A_64 : memref<10000x144xf32, #tpu.memory_space<hbm>>) dst(%arg9 : memref<128x144xf32, #tpu.memory_space<vmem>>)
      %sub3A_65 = arith.constant 1 : i32
      %sub3A_66 = arith.subi %sub3A_50, %sub3A_65 : i32
      "tpu.region"() ({
        %run_scoped3A_81 = tpu.sem_alloc : memref<!tpu.dma_semaphore, #tpu.memory_space<semaphore_mem>>
        %dma_start3A_82 = arith.constant 0 : i32
        %dma_start3A_83 = tpu.memref_slice %arg8[%sub3A_66, %dma_start3A_82] : memref<80x128xi32, #tpu.memory_space<vmem>> -> memref<1x128xi32, #tpu.memory_space<vmem>>
        %dma_start3A_84 = tpu.memref_squeeze %dma_start3A_83 : memref<1x128xi32, #tpu.memory_space<vmem>> -> memref<128xi32, #tpu.memory_space<vmem>>
        %dma_start3A_85 = arith.constant 0 : i32
        %dma_start3A_86 = arith.constant 0 : i32
        %dma_start3A_87 = tpu.memref_slice %arg11[%dma_start3A_85, %dma_start3A_86] : memref<5120x144xf32, #tpu.memory_space<vmem_shared>> -> memref<5120x144xf32, #tpu.memory_space<vmem_shared>>
        tpu.enqueue_indirect_dma source(%arg9 : memref<128x144xf32, #tpu.memory_space<vmem>>) target(%dma_start3A_87 : memref<5120x144xf32, #tpu.memory_space<vmem_shared>>) offsets(%dma_start3A_84 : memref<128xi32, #tpu.memory_space<vmem>>) semaphore(%run_scoped3A_81 : memref<!tpu.dma_semaphore, #tpu.memory_space<semaphore_mem>>) {add = true}
        %dma_wait3A_88 = arith.constant 0 : i32
        %dma_wait3A_89 = tpu.memref_slice %arg8[%sub3A_66, %dma_wait3A_88] : memref<80x128xi32, #tpu.memory_space<vmem>> -> memref<1x128xi32, #tpu.memory_space<vmem>>
        %dma_wait3A_90 = tpu.memref_squeeze %dma_wait3A_89 : memref<1x128xi32, #tpu.memory_space<vmem>> -> memref<128xi32, #tpu.memory_space<vmem>>
        %dma_wait3A_91 = arith.constant 0 : i32
        %dma_wait3A_92 = arith.constant 0 : i32
        %dma_wait3A_93 = tpu.memref_slice %arg11[%dma_wait3A_91, %dma_wait3A_92] : memref<5120x144xf32, #tpu.memory_space<vmem_shared>> -> memref<5120x144xf32, #tpu.memory_space<vmem_shared>>
        tpu.wait_indirect_dma semaphore(%run_scoped3A_81 : memref<!tpu.dma_semaphore, #tpu.memory_space<semaphore_mem>>) src(%arg9 : memref<128x144xf32, #tpu.memory_space<vmem>>) dst(%dma_wait3A_93 : memref<5120x144xf32, #tpu.memory_space<vmem_shared>>)
        tpu.yield
      }) : () -> ()
      %add3A_67 = arith.constant 1 : i32
      %add3A_68 = arith.addi %sub3A_50, %add3A_67 : i32
      %dma_start3A_69 = arith.constant 0 : i32
      %dma_start3A_70 = tpu.memref_slice %arg7[%add3A_68, %dma_start3A_69] : memref<80x128xi32, #tpu.memory_space<vmem>> -> memref<1x128xi32, #tpu.memory_space<vmem>>
      %dma_start3A_71 = tpu.memref_squeeze %dma_start3A_70 : memref<1x128xi32, #tpu.memory_space<vmem>> -> memref<128xi32, #tpu.memory_space<vmem>>
      %dma_start3A_72 = arith.constant 0 : i32
      %dma_start3A_73 = arith.constant 0 : i32
      %dma_start3A_74 = tpu.memref_slice %arg2[%dma_start3A_72, %dma_start3A_73] : memref<10000x144xf32, #tpu.memory_space<hbm>> -> memref<10000x144xf32, #tpu.memory_space<hbm>>
      tpu.enqueue_indirect_dma source(%dma_start3A_74 : memref<10000x144xf32, #tpu.memory_space<hbm>>) target(%arg9 : memref<128x144xf32, #tpu.memory_space<vmem>>) offsets(%dma_start3A_71 : memref<128xi32, #tpu.memory_space<vmem>>) semaphore(%arg12 : memref<!tpu.dma_semaphore, #tpu.memory_space<semaphore_mem>>)
      %dma_wait3A_75 = arith.constant 0 : i32
      %dma_wait3A_76 = tpu.memref_slice %arg7[%sub3A_50, %dma_wait3A_75] : memref<80x128xi32, #tpu.memory_space<vmem>> -> memref<1x128xi32, #tpu.memory_space<vmem>>
      %dma_wait3A_77 = tpu.memref_squeeze %dma_wait3A_76 : memref<1x128xi32, #tpu.memory_space<vmem>> -> memref<128xi32, #tpu.memory_space<vmem>>
      %dma_wait3A_78 = arith.constant 0 : i32
      %dma_wait3A_79 = arith.constant 0 : i32
      %dma_wait3A_80 = tpu.memref_slice %arg2[%dma_wait3A_78, %dma_wait3A_79] : memref<10000x144xf32, #tpu.memory_space<hbm>> -> memref<10000x144xf32, #tpu.memory_space<hbm>>
      tpu.wait_indirect_dma semaphore(%arg13 : memref<!tpu.dma_semaphore, #tpu.memory_space<semaphore_mem>>) src(%dma_wait3A_80 : memref<10000x144xf32, #tpu.memory_space<hbm>>) dst(%arg10 : memref<128x144xf32, #tpu.memory_space<vmem>>)
      "tpu.region"() ({
        %run_scoped3A_81 = tpu.sem_alloc : memref<!tpu.dma_semaphore, #tpu.memory_space<semaphore_mem>>
        %dma_start3A_82 = arith.constant 0 : i32
        %dma_start3A_83 = tpu.memref_slice %arg8[%sub3A_50, %dma_start3A_82] : memref<80x128xi32, #tpu.memory_space<vmem>> -> memref<1x128xi32, #tpu.memory_space<vmem>>
        %dma_start3A_84 = tpu.memref_squeeze %dma_start3A_83 : memref<1x128xi32, #tpu.memory_space<vmem>> -> memref<128xi32, #tpu.memory_space<vmem>>
        %dma_start3A_85 = arith.constant 0 : i32
        %dma_start3A_86 = arith.constant 0 : i32
        %dma_start3A_87 = tpu.memref_slice %arg11[%dma_start3A_85, %dma_start3A_86] : memref<5120x144xf32, #tpu.memory_space<vmem_shared>> -> memref<5120x144xf32, #tpu.memory_space<vmem_shared>>
        tpu.enqueue_indirect_dma source(%arg10 : memref<128x144xf32, #tpu.memory_space<vmem>>) target(%dma_start3A_87 : memref<5120x144xf32, #tpu.memory_space<vmem_shared>>) offsets(%dma_start3A_84 : memref<128xi32, #tpu.memory_space<vmem>>) semaphore(%run_scoped3A_81 : memref<!tpu.dma_semaphore, #tpu.memory_space<semaphore_mem>>) {add = true}
        %dma_wait3A_88 = arith.constant 0 : i32
        %dma_wait3A_89 = tpu.memref_slice %arg8[%sub3A_50, %dma_wait3A_88] : memref<80x128xi32, #tpu.memory_space<vmem>> -> memref<1x128xi32, #tpu.memory_space<vmem>>
        %dma_wait3A_90 = tpu.memref_squeeze %dma_wait3A_89 : memref<1x128xi32, #tpu.memory_space<vmem>> -> memref<128xi32, #tpu.memory_space<vmem>>
        %dma_wait3A_91 = arith.constant 0 : i32
        %dma_wait3A_92 = arith.constant 0 : i32
        %dma_wait3A_93 = tpu.memref_slice %arg11[%dma_wait3A_91, %dma_wait3A_92] : memref<5120x144xf32, #tpu.memory_space<vmem_shared>> -> memref<5120x144xf32, #tpu.memory_space<vmem_shared>>
        tpu.wait_indirect_dma semaphore(%run_scoped3A_81 : memref<!tpu.dma_semaphore, #tpu.memory_space<semaphore_mem>>) src(%arg10 : memref<128x144xf32, #tpu.memory_space<vmem>>) dst(%dma_wait3A_93 : memref<5120x144xf32, #tpu.memory_space<vmem_shared>>)
        tpu.yield
      }) : () -> ()
    }
    %scan3A_17 = arith.constant 39 : i32
    %dma_start3A_18 = arith.constant 79 : i32
    %dma_start3A_19 = arith.constant 0 : i32
    %dma_start3A_20 = tpu.memref_slice %arg7[%dma_start3A_18, %dma_start3A_19] : memref<80x128xi32, #tpu.memory_space<vmem>> -> memref<1x128xi32, #tpu.memory_space<vmem>>
    %dma_start3A_21 = tpu.memref_squeeze %dma_start3A_20 : memref<1x128xi32, #tpu.memory_space<vmem>> -> memref<128xi32, #tpu.memory_space<vmem>>
    %dma_start3A_22 = arith.constant 0 : i32
    %dma_start3A_23 = arith.constant 0 : i32
    %dma_start3A_24 = tpu.memref_slice %arg2[%dma_start3A_22, %dma_start3A_23] : memref<10000x144xf32, #tpu.memory_space<hbm>> -> memref<10000x144xf32, #tpu.memory_space<hbm>>
    tpu.enqueue_indirect_dma source(%dma_start3A_24 : memref<10000x144xf32, #tpu.memory_space<hbm>>) target(%arg10 : memref<128x144xf32, #tpu.memory_space<vmem>>) offsets(%dma_start3A_21 : memref<128xi32, #tpu.memory_space<vmem>>) semaphore(%arg13 : memref<!tpu.dma_semaphore, #tpu.memory_space<semaphore_mem>>)
    %dma_wait3A = arith.constant 78 : i32
    %dma_wait3A_25 = arith.constant 0 : i32
    %dma_wait3A_26 = tpu.memref_slice %arg7[%dma_wait3A, %dma_wait3A_25] : memref<80x128xi32, #tpu.memory_space<vmem>> -> memref<1x128xi32, #tpu.memory_space<vmem>>
    %dma_wait3A_27 = tpu.memref_squeeze %dma_wait3A_26 : memref<1x128xi32, #tpu.memory_space<vmem>> -> memref<128xi32, #tpu.memory_space<vmem>>
    %dma_wait3A_28 = arith.constant 0 : i32
    %dma_wait3A_29 = arith.constant 0 : i32
    %dma_wait3A_30 = tpu.memref_slice %arg2[%dma_wait3A_28, %dma_wait3A_29] : memref<10000x144xf32, #tpu.memory_space<hbm>> -> memref<10000x144xf32, #tpu.memory_space<hbm>>
    tpu.wait_indirect_dma semaphore(%arg12 : memref<!tpu.dma_semaphore, #tpu.memory_space<semaphore_mem>>) src(%dma_wait3A_30 : memref<10000x144xf32, #tpu.memory_space<hbm>>) dst(%arg9 : memref<128x144xf32, #tpu.memory_space<vmem>>)
    %run_scoped3A = arith.constant 78 : i32
    "tpu.region"() ({
      %run_scoped3A_47 = tpu.sem_alloc : memref<!tpu.dma_semaphore, #tpu.memory_space<semaphore_mem>>
      %dma_start3A_48 = arith.constant 0 : i32
      %dma_start3A_49 = tpu.memref_slice %arg8[%run_scoped3A, %dma_start3A_48] : memref<80x128xi32, #tpu.memory_space<vmem>> -> memref<1x128xi32, #tpu.memory_space<vmem>>
      %dma_start3A_50 = tpu.memref_squeeze %dma_start3A_49 : memref<1x128xi32, #tpu.memory_space<vmem>> -> memref<128xi32, #tpu.memory_space<vmem>>
      %dma_start3A_51 = arith.constant 0 : i32
      %dma_start3A_52 = arith.constant 0 : i32
      %dma_start3A_53 = tpu.memref_slice %arg11[%dma_start3A_51, %dma_start3A_52] : memref<5120x144xf32, #tpu.memory_space<vmem_shared>> -> memref<5120x144xf32, #tpu.memory_space<vmem_shared>>
      tpu.enqueue_indirect_dma source(%arg9 : memref<128x144xf32, #tpu.memory_space<vmem>>) target(%dma_start3A_53 : memref<5120x144xf32, #tpu.memory_space<vmem_shared>>) offsets(%dma_start3A_50 : memref<128xi32, #tpu.memory_space<vmem>>) semaphore(%run_scoped3A_47 : memref<!tpu.dma_semaphore, #tpu.memory_space<semaphore_mem>>) {add = true}
      %dma_wait3A_54 = arith.constant 0 : i32
      %dma_wait3A_55 = tpu.memref_slice %arg8[%run_scoped3A, %dma_wait3A_54] : memref<80x128xi32, #tpu.memory_space<vmem>> -> memref<1x128xi32, #tpu.memory_space<vmem>>
      %dma_wait3A_56 = tpu.memref_squeeze %dma_wait3A_55 : memref<1x128xi32, #tpu.memory_space<vmem>> -> memref<128xi32, #tpu.memory_space<vmem>>
      %dma_wait3A_57 = arith.constant 0 : i32
      %dma_wait3A_58 = arith.constant 0 : i32
      %dma_wait3A_59 = tpu.memref_slice %arg11[%dma_wait3A_57, %dma_wait3A_58] : memref<5120x144xf32, #tpu.memory_space<vmem_shared>> -> memref<5120x144xf32, #tpu.memory_space<vmem_shared>>
      tpu.wait_indirect_dma semaphore(%run_scoped3A_47 : memref<!tpu.dma_semaphore, #tpu.memory_space<semaphore_mem>>) src(%arg9 : memref<128x144xf32, #tpu.memory_space<vmem>>) dst(%dma_wait3A_59 : memref<5120x144xf32, #tpu.memory_space<vmem_shared>>)
      tpu.yield
    }) : () -> ()
    %dma_wait3A_31 = arith.constant 79 : i32
    %dma_wait3A_32 = arith.constant 0 : i32
    %dma_wait3A_33 = tpu.memref_slice %arg7[%dma_wait3A_31, %dma_wait3A_32] : memref<80x128xi32, #tpu.memory_space<vmem>> -> memref<1x128xi32, #tpu.memory_space<vmem>>
    %dma_wait3A_34 = tpu.memref_squeeze %dma_wait3A_33 : memref<1x128xi32, #tpu.memory_space<vmem>> -> memref<128xi32, #tpu.memory_space<vmem>>
    %dma_wait3A_35 = arith.constant 0 : i32
    %dma_wait3A_36 = arith.constant 0 : i32
    %dma_wait3A_37 = tpu.memref_slice %arg2[%dma_wait3A_35, %dma_wait3A_36] : memref<10000x144xf32, #tpu.memory_space<hbm>> -> memref<10000x144xf32, #tpu.memory_space<hbm>>
    tpu.wait_indirect_dma semaphore(%arg13 : memref<!tpu.dma_semaphore, #tpu.memory_space<semaphore_mem>>) src(%dma_wait3A_37 : memref<10000x144xf32, #tpu.memory_space<hbm>>) dst(%arg10 : memref<128x144xf32, #tpu.memory_space<vmem>>)
    %run_scoped3A_38 = arith.constant 79 : i32
    "tpu.region"() ({
      %run_scoped3A_47 = tpu.sem_alloc : memref<!tpu.dma_semaphore, #tpu.memory_space<semaphore_mem>>
      %dma_start3A_48 = arith.constant 0 : i32
      %dma_start3A_49 = tpu.memref_slice %arg8[%run_scoped3A_38, %dma_start3A_48] : memref<80x128xi32, #tpu.memory_space<vmem>> -> memref<1x128xi32, #tpu.memory_space<vmem>>
      %dma_start3A_50 = tpu.memref_squeeze %dma_start3A_49 : memref<1x128xi32, #tpu.memory_space<vmem>> -> memref<128xi32, #tpu.memory_space<vmem>>
      %dma_start3A_51 = arith.constant 0 : i32
      %dma_start3A_52 = arith.constant 0 : i32
      %dma_start3A_53 = tpu.memref_slice %arg11[%dma_start3A_51, %dma_start3A_52] : memref<5120x144xf32, #tpu.memory_space<vmem_shared>> -> memref<5120x144xf32, #tpu.memory_space<vmem_shared>>
      tpu.enqueue_indirect_dma source(%arg10 : memref<128x144xf32, #tpu.memory_space<vmem>>) target(%dma_start3A_53 : memref<5120x144xf32, #tpu.memory_space<vmem_shared>>) offsets(%dma_start3A_50 : memref<128xi32, #tpu.memory_space<vmem>>) semaphore(%run_scoped3A_47 : memref<!tpu.dma_semaphore, #tpu.memory_space<semaphore_mem>>) {add = true}
      %dma_wait3A_54 = arith.constant 0 : i32
      %dma_wait3A_55 = tpu.memref_slice %arg8[%run_scoped3A_38, %dma_wait3A_54] : memref<80x128xi32, #tpu.memory_space<vmem>> -> memref<1x128xi32, #tpu.memory_space<vmem>>
      %dma_wait3A_56 = tpu.memref_squeeze %dma_wait3A_55 : memref<1x128xi32, #tpu.memory_space<vmem>> -> memref<128xi32, #tpu.memory_space<vmem>>
      %dma_wait3A_57 = arith.constant 0 : i32
      %dma_wait3A_58 = arith.constant 0 : i32
      %dma_wait3A_59 = tpu.memref_slice %arg11[%dma_wait3A_57, %dma_wait3A_58] : memref<5120x144xf32, #tpu.memory_space<vmem_shared>> -> memref<5120x144xf32, #tpu.memory_space<vmem_shared>>
      tpu.wait_indirect_dma semaphore(%run_scoped3A_47 : memref<!tpu.dma_semaphore, #tpu.memory_space<semaphore_mem>>) src(%arg10 : memref<128x144xf32, #tpu.memory_space<vmem>>) dst(%dma_wait3A_59 : memref<5120x144xf32, #tpu.memory_space<vmem_shared>>)
      tpu.yield
    }) : () -> ()
    %barrier3A_39 = arith.constant 0 : index
    tpu.barrier barrier_id(%barrier3A_39)
    %mul3A_40 = arith.constant 5120 : i32
    %mul3A_41 = arith.muli %arg0, %mul3A_40 : i32
    %mul3A_42 = arith.constant 320 : i32
    %mul3A_43 = arith.muli %arg1, %mul3A_42 : i32
    %add3A_44 = arith.addi %mul3A_41, %mul3A_43 : i32
    %mul3A_45 = arith.constant 320 : i32
    %mul3A_46 = arith.muli %arg1, %mul3A_45 : i32
    "tpu.region"() ({
      %run_scoped3A_47 = tpu.sem_alloc : memref<!tpu.dma_semaphore, #tpu.memory_space<semaphore_mem>>
      %dma_start3A_48 = arith.constant 0 : i32
      %dma_start3A_49 = tpu.memref_slice %arg6[%add3A_44, %dma_start3A_48] : memref<10240x144xf32, #tpu.memory_space<hbm>> -> memref<320x144xf32, #tpu.memory_space<hbm>>
      %dma_start3A_50 = arith.constant 0 : i32
      %dma_start3A_51 = tpu.memref_slice %arg11[%mul3A_46, %dma_start3A_50] : memref<5120x144xf32, #tpu.memory_space<vmem_shared>> -> memref<320x144xf32, #tpu.memory_space<vmem_shared>>
      tpu.enqueue_dma source(%dma_start3A_51 : memref<320x144xf32, #tpu.memory_space<vmem_shared>>) target(%dma_start3A_49 : memref<320x144xf32, #tpu.memory_space<hbm>>) target_semaphore(%run_scoped3A_47 : memref<!tpu.dma_semaphore, #tpu.memory_space<semaphore_mem>>)
      %dma_wait3A_52 = arith.constant 0 : i32
      %dma_wait3A_53 = tpu.memref_slice %arg6[%add3A_44, %dma_wait3A_52] : memref<10240x144xf32, #tpu.memory_space<hbm>> -> memref<320x144xf32, #tpu.memory_space<hbm>>
      %dma_wait3A_54 = arith.constant 0 : i32
      %dma_wait3A_55 = tpu.memref_slice %arg11[%mul3A_46, %dma_wait3A_54] : memref<5120x144xf32, #tpu.memory_space<vmem_shared>> -> memref<320x144xf32, #tpu.memory_space<vmem_shared>>
      tpu.wait_dma2 semaphore(%run_scoped3A_47 : memref<!tpu.dma_semaphore, #tpu.memory_space<semaphore_mem>>) src(%dma_wait3A_55 : memref<320x144xf32, #tpu.memory_space<vmem_shared>>) dst(%dma_wait3A_53 : memref<320x144xf32, #tpu.memory_space<hbm>>)
      tpu.yield
    }) : () -> ()
    return
  }
}

#map = affine_map<(d0, d1) -> (0, 0)>
module attributes {stable_mosaic.version = 14 : i64} {
  func.func @segsum(%arg0: i32, %arg1: i32, %arg2: memref<10000x144xf32, #tpu.memory_space<hbm>>, %arg3: memref<2560x128xi32, #tpu.memory_space<hbm>>, %arg4: memref<2560x128xi32, #tpu.memory_space<hbm>>, %arg5: memref<640x144xf32, #tpu.memory_space<hbm>>, %arg6: memref<10240x144xf32, #tpu.memory_space<hbm>>, %arg7: memref<80x128xi32, #tpu.memory_space<vmem>>, %arg8: memref<80x128xi32, #tpu.memory_space<vmem>>, %arg9: memref<128x144xf32, #tpu.memory_space<vmem>>, %arg10: memref<128x144xf32, #tpu.memory_space<vmem>>, %arg11: memref<5120x144xf32, #tpu.memory_space<vmem_shared>>, %arg12: memref<!tpu.dma_semaphore, #tpu.memory_space<semaphore_mem>>, %arg13: memref<!tpu.dma_semaphore, #tpu.memory_space<semaphore_mem>>) attributes {dimension_semantics = [#tpu.dimension_semantics<core_parallel>, #tpu.dimension_semantics<subcore_parallel>], iteration_bounds = array<i64: 2, 16>, scalar_prefetch = 0 : i64, scratch_operands = 7 : i64, tpu.core_type = #tpu.core_type<sc_vector_subcore>, window_params = [{transform_indices = #map}, {transform_indices = #map}, {transform_indices = #map}, {transform_indices = #map}, {transform_indices = #map}]} {
    %mul3A = arith.constant 16 : i32
    %mul3A_0 = arith.muli %arg0, %mul3A : i32
    %add3A = arith.addi %mul3A_0, %arg1 : i32
    %mul3A_1 = arith.constant 80 : i32
    %mul3A_2 = arith.muli %add3A, %mul3A_1 : i32
    "tpu.region"() ({
      %run_scoped3A_47 = tpu.sem_alloc : memref<!tpu.dma_semaphore, #tpu.memory_space<semaphore_mem>>
      %dma_start3A_48 = arith.constant 0 : i32
      %dma_start3A_49 = tpu.memref_slice %arg3[%mul3A_2, %dma_start3A_48] : memref<2560x128xi32, #tpu.memory_space<hbm>> -> memref<80x128xi32, #tpu.memory_space<hbm>>
      %dma_start3A_50 = arith.constant 0 : i32
      %dma_start3A_51 = tpu.memref_slice %arg3[%mul3A_2, %dma_start3A_50] : memref<2560x128xi32, #tpu.memory_space<hbm>> -> memref<80x128xi32, #tpu.memory_space<hbm>>
      tpu.enqueue_dma source(%dma_start3A_51 : memref<80x128xi32, #tpu.memory_space<hbm>>) target(%arg7 : memref<80x128xi32, #tpu.memory_space<vmem>>) target_semaphore(%run_scoped3A_47 : memref<!tpu.dma_semaphore, #tpu.memory_space<semaphore_mem>>)
      %dma_wait3A_52 = arith.constant 0 : i32
      %dma_wait3A_53 = tpu.memref_slice %arg3[%mul3A_2, %dma_wait3A_52] : memref<2560x128xi32, #tpu.memory_space<hbm>> -> memref<80x128xi32, #tpu.memory_space<hbm>>
      %dma_wait3A_54 = arith.constant 0 : i32
      %dma_wait3A_55 = tpu.memref_slice %arg3[%mul3A_2, %dma_wait3A_54] : memref<2560x128xi32, #tpu.memory_space<hbm>> -> memref<80x128xi32, #tpu.memory_space<hbm>>
      tpu.wait_dma2 semaphore(%run_scoped3A_47 : memref<!tpu.dma_semaphore, #tpu.memory_space<semaphore_mem>>) src(%dma_wait3A_55 : memref<80x128xi32, #tpu.memory_space<hbm>>) dst(%arg7 : memref<80x128xi32, #tpu.memory_space<vmem>>)
      tpu.yield
    }) : () -> ()
    %mul3A_3 = arith.constant 80 : i32
    %mul3A_4 = arith.muli %add3A, %mul3A_3 : i32
    "tpu.region"() ({
      %run_scoped3A_47 = tpu.sem_alloc : memref<!tpu.dma_semaphore, #tpu.memory_space<semaphore_mem>>
      %dma_start3A_48 = arith.constant 0 : i32
      %dma_start3A_49 = tpu.memref_slice %arg4[%mul3A_4, %dma_start3A_48] : memref<2560x128xi32, #tpu.memory_space<hbm>> -> memref<80x128xi32, #tpu.memory_space<hbm>>
      %dma_start3A_50 = arith.constant 0 : i32
      %dma_start3A_51 = tpu.memref_slice %arg4[%mul3A_4, %dma_start3A_50] : memref<2560x128xi32, #tpu.memory_space<hbm>> -> memref<80x128xi32, #tpu.memory_space<hbm>>
      tpu.enqueue_dma source(%dma_start3A_51 : memref<80x128xi32, #tpu.memory_space<hbm>>) target(%arg8 : memref<80x128xi32, #tpu.memory_space<vmem>>) target_semaphore(%run_scoped3A_47 : memref<!tpu.dma_semaphore, #tpu.memory_space<semaphore_mem>>)
      %dma_wait3A_52 = arith.constant 0 : i32
      %dma_wait3A_53 = tpu.memref_slice %arg4[%mul3A_4, %dma_wait3A_52] : memref<2560x128xi32, #tpu.memory_space<hbm>> -> memref<80x128xi32, #tpu.memory_space<hbm>>
      %dma_wait3A_54 = arith.constant 0 : i32
      %dma_wait3A_55 = tpu.memref_slice %arg4[%mul3A_4, %dma_wait3A_54] : memref<2560x128xi32, #tpu.memory_space<hbm>> -> memref<80x128xi32, #tpu.memory_space<hbm>>
      tpu.wait_dma2 semaphore(%run_scoped3A_47 : memref<!tpu.dma_semaphore, #tpu.memory_space<semaphore_mem>>) src(%dma_wait3A_55 : memref<80x128xi32, #tpu.memory_space<hbm>>) dst(%arg8 : memref<80x128xi32, #tpu.memory_space<vmem>>)
      tpu.yield
    }) : () -> ()
    %mul3A_5 = arith.constant 320 : i32
    %mul3A_6 = arith.muli %arg1, %mul3A_5 : i32
    "tpu.region"() ({
      %run_scoped3A_47 = tpu.sem_alloc : memref<!tpu.dma_semaphore, #tpu.memory_space<semaphore_mem>>
      %dma_start3A_48 = arith.constant 0 : i32
      %dma_start3A_49 = tpu.memref_slice %arg11[%mul3A_6, %dma_start3A_48] : memref<5120x144xf32, #tpu.memory_space<vmem_shared>> -> memref<320x144xf32, #tpu.memory_space<vmem_shared>>
      %dma_start3A_50 = arith.constant 0 : i32
      %dma_start3A_51 = arith.constant 0 : i32
      %dma_start3A_52 = tpu.memref_slice %arg5[%dma_start3A_50, %dma_start3A_51] : memref<640x144xf32, #tpu.memory_space<hbm>> -> memref<320x144xf32, #tpu.memory_space<hbm>>
      tpu.enqueue_dma source(%dma_start3A_52 : memref<320x144xf32, #tpu.memory_space<hbm>>) target(%dma_start3A_49 : memref<320x144xf32, #tpu.memory_space<vmem_shared>>) target_semaphore(%run_scoped3A_47 : memref<!tpu.dma_semaphore, #tpu.memory_space<semaphore_mem>>)
      %dma_wait3A_53 = arith.constant 0 : i32
      %dma_wait3A_54 = tpu.memref_slice %arg11[%mul3A_6, %dma_wait3A_53] : memref<5120x144xf32, #tpu.memory_space<vmem_shared>> -> memref<320x144xf32, #tpu.memory_space<vmem_shared>>
      %dma_wait3A_55 = arith.constant 0 : i32
      %dma_wait3A_56 = arith.constant 0 : i32
      %dma_wait3A_57 = tpu.memref_slice %arg5[%dma_wait3A_55, %dma_wait3A_56] : memref<640x144xf32, #tpu.memory_space<hbm>> -> memref<320x144xf32, #tpu.memory_space<hbm>>
      tpu.wait_dma2 semaphore(%run_scoped3A_47 : memref<!tpu.dma_semaphore, #tpu.memory_space<semaphore_mem>>) src(%dma_wait3A_57 : memref<320x144xf32, #tpu.memory_space<hbm>>) dst(%dma_wait3A_54 : memref<320x144xf32, #tpu.memory_space<vmem_shared>>)
      tpu.yield
    }) : () -> ()
    %barrier3A = arith.constant 0 : index
    tpu.barrier barrier_id(%barrier3A)
    %dma_start3A = arith.constant 0 : i32
    %dma_start3A_7 = arith.constant 0 : i32
    %dma_start3A_8 = tpu.memref_slice %arg7[%dma_start3A, %dma_start3A_7] : memref<80x128xi32, #tpu.memory_space<vmem>> -> memref<1x128xi32, #tpu.memory_space<vmem>>
    %dma_start3A_9 = tpu.memref_squeeze %dma_start3A_8 : memref<1x128xi32, #tpu.memory_space<vmem>> -> memref<128xi32, #tpu.memory_space<vmem>>
    %dma_start3A_10 = arith.constant 0 : i32
    %dma_start3A_11 = arith.constant 0 : i32
    %dma_start3A_12 = tpu.memref_slice %arg2[%dma_start3A_10, %dma_start3A_11] : memref<10000x144xf32, #tpu.memory_space<hbm>> -> memref<10000x144xf32, #tpu.memory_space<hbm>>
    tpu.enqueue_indirect_dma source(%dma_start3A_12 : memref<10000x144xf32, #tpu.memory_space<hbm>>) target(%arg9 : memref<128x144xf32, #tpu.memory_space<vmem>>) offsets(%dma_start3A_9 : memref<128xi32, #tpu.memory_space<vmem>>) semaphore(%arg12 : memref<!tpu.dma_semaphore, #tpu.memory_space<semaphore_mem>>)
    %scan3A = arith.constant 0 : i32
    %scan3A_13 = arith.constant 1 : i32
    %scan3A_14 = arith.constant 39 : i32
    %scan3A_15 = arith.addi %scan3A_13, %scan3A_14 : i32
    %scan3A_16 = arith.constant 1 : i32
    scf.for %scan3A_47 = %scan3A_13 to %scan3A_15 step %scan3A_16  : i32 {
      %mul3A_48 = arith.constant 2 : i32
      %mul3A_49 = arith.muli %mul3A_48, %scan3A_47 : i32
      %sub3A = arith.constant 1 : i32
      %sub3A_50 = arith.subi %mul3A_49, %sub3A : i32
      %dma_start3A_51 = arith.constant 0 : i32
      %dma_start3A_52 = tpu.memref_slice %arg7[%sub3A_50, %dma_start3A_51] : memref<80x128xi32, #tpu.memory_space<vmem>> -> memref<1x128xi32, #tpu.memory_space<vmem>>
      %dma_start3A_53 = tpu.memref_squeeze %dma_start3A_52 : memref<1x128xi32, #tpu.memory_space<vmem>> -> memref<128xi32, #tpu.memory_space<vmem>>
      %dma_start3A_54 = arith.constant 0 : i32
      %dma_start3A_55 = arith.constant 0 : i32
      %dma_start3A_56 = tpu.memref_slice %arg2[%dma_start3A_54, %dma_start3A_55] : memref<10000x144xf32, #tpu.memory_space<hbm>> -> memref<10000x144xf32, #tpu.memory_space<hbm>>
      tpu.enqueue_indirect_dma source(%dma_start3A_56 : memref<10000x144xf32, #tpu.memory_space<hbm>>) target(%arg10 : memref<128x144xf32, #tpu.memory_space<vmem>>) offsets(%dma_start3A_53 : memref<128xi32, #tpu.memory_space<vmem>>) semaphore(%arg13 : memref<!tpu.dma_semaphore, #tpu.memory_space<semaphore_mem>>)
      %sub3A_57 = arith.constant 1 : i32
      %sub3A_58 = arith.subi %sub3A_50, %sub3A_57 : i32
      %dma_wait3A_59 = arith.constant 0 : i32
      %dma_wait3A_60 = tpu.memref_slice %arg7[%sub3A_58, %dma_wait3A_59] : memref<80x128xi32, #tpu.memory_space<vmem>> -> memref<1x128xi32, #tpu.memory_space<vmem>>
      %dma_wait3A_61 = tpu.memref_squeeze %dma_wait3A_60 : memref<1x128xi32, #tpu.memory_space<vmem>> -> memref<128xi32, #tpu.memory_space<vmem>>
      %dma_wait3A_62 = arith.constant 0 : i32
      %dma_wait3A_63 = arith.constant 0 : i32
      %dma_wait3A_64 = tpu.memref_slice %arg2[%dma_wait3A_62, %dma_wait3A_63] : memref<10000x144xf32, #tpu.memory_space<hbm>> -> memref<10000x144xf32, #tpu.memory_space<hbm>>
      tpu.wait_indirect_dma semaphore(%arg12 : memref<!tpu.dma_semaphore, #tpu.memory_space<semaphore_mem>>) src(%dma_wait3A_64 : memref<10000x144xf32, #tpu.memory_space<hbm>>) dst(%arg9 : memref<128x144xf32, #tpu.memory_space<vmem>>)
      %sub3A_65 = arith.constant 1 : i32
      %sub3A_66 = arith.subi %sub3A_50, %sub3A_65 : i32
      "tpu.region"() ({
        %run_scoped3A_81 = tpu.sem_alloc : memref<!tpu.dma_semaphore, #tpu.memory_space<semaphore_mem>>
        %dma_start3A_82 = arith.constant 0 : i32
        %dma_start3A_83 = tpu.memref_slice %arg8[%sub3A_66, %dma_start3A_82] : memref<80x128xi32, #tpu.memory_space<vmem>> -> memref<1x128xi32, #tpu.memory_space<vmem>>
        %dma_start3A_84 = tpu.memref_squeeze %dma_start3A_83 : memref<1x128xi32, #tpu.memory_space<vmem>> -> memref<128xi32, #tpu.memory_space<vmem>>
        %dma_start3A_85 = arith.constant 0 : i32
        %dma_start3A_86 = arith.constant 0 : i32
        %dma_start3A_87 = tpu.memref_slice %arg11[%dma_start3A_85, %dma_start3A_86] : memref<5120x144xf32, #tpu.memory_space<vmem_shared>> -> memref<5120x144xf32, #tpu.memory_space<vmem_shared>>
        tpu.enqueue_indirect_dma source(%arg9 : memref<128x144xf32, #tpu.memory_space<vmem>>) target(%dma_start3A_87 : memref<5120x144xf32, #tpu.memory_space<vmem_shared>>) offsets(%dma_start3A_84 : memref<128xi32, #tpu.memory_space<vmem>>) semaphore(%run_scoped3A_81 : memref<!tpu.dma_semaphore, #tpu.memory_space<semaphore_mem>>) {add = true}
        %dma_wait3A_88 = arith.constant 0 : i32
        %dma_wait3A_89 = tpu.memref_slice %arg8[%sub3A_66, %dma_wait3A_88] : memref<80x128xi32, #tpu.memory_space<vmem>> -> memref<1x128xi32, #tpu.memory_space<vmem>>
        %dma_wait3A_90 = tpu.memref_squeeze %dma_wait3A_89 : memref<1x128xi32, #tpu.memory_space<vmem>> -> memref<128xi32, #tpu.memory_space<vmem>>
        %dma_wait3A_91 = arith.constant 0 : i32
        %dma_wait3A_92 = arith.constant 0 : i32
        %dma_wait3A_93 = tpu.memref_slice %arg11[%dma_wait3A_91, %dma_wait3A_92] : memref<5120x144xf32, #tpu.memory_space<vmem_shared>> -> memref<5120x144xf32, #tpu.memory_space<vmem_shared>>
        tpu.wait_indirect_dma semaphore(%run_scoped3A_81 : memref<!tpu.dma_semaphore, #tpu.memory_space<semaphore_mem>>) src(%arg9 : memref<128x144xf32, #tpu.memory_space<vmem>>) dst(%dma_wait3A_93 : memref<5120x144xf32, #tpu.memory_space<vmem_shared>>)
        tpu.yield
      }) : () -> ()
      %add3A_67 = arith.constant 1 : i32
      %add3A_68 = arith.addi %sub3A_50, %add3A_67 : i32
      %dma_start3A_69 = arith.constant 0 : i32
      %dma_start3A_70 = tpu.memref_slice %arg7[%add3A_68, %dma_start3A_69] : memref<80x128xi32, #tpu.memory_space<vmem>> -> memref<1x128xi32, #tpu.memory_space<vmem>>
      %dma_start3A_71 = tpu.memref_squeeze %dma_start3A_70 : memref<1x128xi32, #tpu.memory_space<vmem>> -> memref<128xi32, #tpu.memory_space<vmem>>
      %dma_start3A_72 = arith.constant 0 : i32
      %dma_start3A_73 = arith.constant 0 : i32
      %dma_start3A_74 = tpu.memref_slice %arg2[%dma_start3A_72, %dma_start3A_73] : memref<10000x144xf32, #tpu.memory_space<hbm>> -> memref<10000x144xf32, #tpu.memory_space<hbm>>
      tpu.enqueue_indirect_dma source(%dma_start3A_74 : memref<10000x144xf32, #tpu.memory_space<hbm>>) target(%arg9 : memref<128x144xf32, #tpu.memory_space<vmem>>) offsets(%dma_start3A_71 : memref<128xi32, #tpu.memory_space<vmem>>) semaphore(%arg12 : memref<!tpu.dma_semaphore, #tpu.memory_space<semaphore_mem>>)
      %dma_wait3A_75 = arith.constant 0 : i32
      %dma_wait3A_76 = tpu.memref_slice %arg7[%sub3A_50, %dma_wait3A_75] : memref<80x128xi32, #tpu.memory_space<vmem>> -> memref<1x128xi32, #tpu.memory_space<vmem>>
      %dma_wait3A_77 = tpu.memref_squeeze %dma_wait3A_76 : memref<1x128xi32, #tpu.memory_space<vmem>> -> memref<128xi32, #tpu.memory_space<vmem>>
      %dma_wait3A_78 = arith.constant 0 : i32
      %dma_wait3A_79 = arith.constant 0 : i32
      %dma_wait3A_80 = tpu.memref_slice %arg2[%dma_wait3A_78, %dma_wait3A_79] : memref<10000x144xf32, #tpu.memory_space<hbm>> -> memref<10000x144xf32, #tpu.memory_space<hbm>>
      tpu.wait_indirect_dma semaphore(%arg13 : memref<!tpu.dma_semaphore, #tpu.memory_space<semaphore_mem>>) src(%dma_wait3A_80 : memref<10000x144xf32, #tpu.memory_space<hbm>>) dst(%arg10 : memref<128x144xf32, #tpu.memory_space<vmem>>)
      "tpu.region"() ({
        %run_scoped3A_81 = tpu.sem_alloc : memref<!tpu.dma_semaphore, #tpu.memory_space<semaphore_mem>>
        %dma_start3A_82 = arith.constant 0 : i32
        %dma_start3A_83 = tpu.memref_slice %arg8[%sub3A_50, %dma_start3A_82] : memref<80x128xi32, #tpu.memory_space<vmem>> -> memref<1x128xi32, #tpu.memory_space<vmem>>
        %dma_start3A_84 = tpu.memref_squeeze %dma_start3A_83 : memref<1x128xi32, #tpu.memory_space<vmem>> -> memref<128xi32, #tpu.memory_space<vmem>>
        %dma_start3A_85 = arith.constant 0 : i32
        %dma_start3A_86 = arith.constant 0 : i32
        %dma_start3A_87 = tpu.memref_slice %arg11[%dma_start3A_85, %dma_start3A_86] : memref<5120x144xf32, #tpu.memory_space<vmem_shared>> -> memref<5120x144xf32, #tpu.memory_space<vmem_shared>>
        tpu.enqueue_indirect_dma source(%arg10 : memref<128x144xf32, #tpu.memory_space<vmem>>) target(%dma_start3A_87 : memref<5120x144xf32, #tpu.memory_space<vmem_shared>>) offsets(%dma_start3A_84 : memref<128xi32, #tpu.memory_space<vmem>>) semaphore(%run_scoped3A_81 : memref<!tpu.dma_semaphore, #tpu.memory_space<semaphore_mem>>) {add = true}
        %dma_wait3A_88 = arith.constant 0 : i32
        %dma_wait3A_89 = tpu.memref_slice %arg8[%sub3A_50, %dma_wait3A_88] : memref<80x128xi32, #tpu.memory_space<vmem>> -> memref<1x128xi32, #tpu.memory_space<vmem>>
        %dma_wait3A_90 = tpu.memref_squeeze %dma_wait3A_89 : memref<1x128xi32, #tpu.memory_space<vmem>> -> memref<128xi32, #tpu.memory_space<vmem>>
        %dma_wait3A_91 = arith.constant 0 : i32
        %dma_wait3A_92 = arith.constant 0 : i32
        %dma_wait3A_93 = tpu.memref_slice %arg11[%dma_wait3A_91, %dma_wait3A_92] : memref<5120x144xf32, #tpu.memory_space<vmem_shared>> -> memref<5120x144xf32, #tpu.memory_space<vmem_shared>>
        tpu.wait_indirect_dma semaphore(%run_scoped3A_81 : memref<!tpu.dma_semaphore, #tpu.memory_space<semaphore_mem>>) src(%arg10 : memref<128x144xf32, #tpu.memory_space<vmem>>) dst(%dma_wait3A_93 : memref<5120x144xf32, #tpu.memory_space<vmem_shared>>)
        tpu.yield
      }) : () -> ()
    }
    %scan3A_17 = arith.constant 39 : i32
    %dma_start3A_18 = arith.constant 79 : i32
    %dma_start3A_19 = arith.constant 0 : i32
    %dma_start3A_20 = tpu.memref_slice %arg7[%dma_start3A_18, %dma_start3A_19] : memref<80x128xi32, #tpu.memory_space<vmem>> -> memref<1x128xi32, #tpu.memory_space<vmem>>
    %dma_start3A_21 = tpu.memref_squeeze %dma_start3A_20 : memref<1x128xi32, #tpu.memory_space<vmem>> -> memref<128xi32, #tpu.memory_space<vmem>>
    %dma_start3A_22 = arith.constant 0 : i32
    %dma_start3A_23 = arith.constant 0 : i32
    %dma_start3A_24 = tpu.memref_slice %arg2[%dma_start3A_22, %dma_start3A_23] : memref<10000x144xf32, #tpu.memory_space<hbm>> -> memref<10000x144xf32, #tpu.memory_space<hbm>>
    tpu.enqueue_indirect_dma source(%dma_start3A_24 : memref<10000x144xf32, #tpu.memory_space<hbm>>) target(%arg10 : memref<128x144xf32, #tpu.memory_space<vmem>>) offsets(%dma_start3A_21 : memref<128xi32, #tpu.memory_space<vmem>>) semaphore(%arg13 : memref<!tpu.dma_semaphore, #tpu.memory_space<semaphore_mem>>)
    %dma_wait3A = arith.constant 78 : i32
    %dma_wait3A_25 = arith.constant 0 : i32
    %dma_wait3A_26 = tpu.memref_slice %arg7[%dma_wait3A, %dma_wait3A_25] : memref<80x128xi32, #tpu.memory_space<vmem>> -> memref<1x128xi32, #tpu.memory_space<vmem>>
    %dma_wait3A_27 = tpu.memref_squeeze %dma_wait3A_26 : memref<1x128xi32, #tpu.memory_space<vmem>> -> memref<128xi32, #tpu.memory_space<vmem>>
    %dma_wait3A_28 = arith.constant 0 : i32
    %dma_wait3A_29 = arith.constant 0 : i32
    %dma_wait3A_30 = tpu.memref_slice %arg2[%dma_wait3A_28, %dma_wait3A_29] : memref<10000x144xf32, #tpu.memory_space<hbm>> -> memref<10000x144xf32, #tpu.memory_space<hbm>>
    tpu.wait_indirect_dma semaphore(%arg12 : memref<!tpu.dma_semaphore, #tpu.memory_space<semaphore_mem>>) src(%dma_wait3A_30 : memref<10000x144xf32, #tpu.memory_space<hbm>>) dst(%arg9 : memref<128x144xf32, #tpu.memory_space<vmem>>)
    %run_scoped3A = arith.constant 78 : i32
    "tpu.region"() ({
      %run_scoped3A_47 = tpu.sem_alloc : memref<!tpu.dma_semaphore, #tpu.memory_space<semaphore_mem>>
      %dma_start3A_48 = arith.constant 0 : i32
      %dma_start3A_49 = tpu.memref_slice %arg8[%run_scoped3A, %dma_start3A_48] : memref<80x128xi32, #tpu.memory_space<vmem>> -> memref<1x128xi32, #tpu.memory_space<vmem>>
      %dma_start3A_50 = tpu.memref_squeeze %dma_start3A_49 : memref<1x128xi32, #tpu.memory_space<vmem>> -> memref<128xi32, #tpu.memory_space<vmem>>
      %dma_start3A_51 = arith.constant 0 : i32
      %dma_start3A_52 = arith.constant 0 : i32
      %dma_start3A_53 = tpu.memref_slice %arg11[%dma_start3A_51, %dma_start3A_52] : memref<5120x144xf32, #tpu.memory_space<vmem_shared>> -> memref<5120x144xf32, #tpu.memory_space<vmem_shared>>
      tpu.enqueue_indirect_dma source(%arg9 : memref<128x144xf32, #tpu.memory_space<vmem>>) target(%dma_start3A_53 : memref<5120x144xf32, #tpu.memory_space<vmem_shared>>) offsets(%dma_start3A_50 : memref<128xi32, #tpu.memory_space<vmem>>) semaphore(%run_scoped3A_47 : memref<!tpu.dma_semaphore, #tpu.memory_space<semaphore_mem>>) {add = true}
      %dma_wait3A_54 = arith.constant 0 : i32
      %dma_wait3A_55 = tpu.memref_slice %arg8[%run_scoped3A, %dma_wait3A_54] : memref<80x128xi32, #tpu.memory_space<vmem>> -> memref<1x128xi32, #tpu.memory_space<vmem>>
      %dma_wait3A_56 = tpu.memref_squeeze %dma_wait3A_55 : memref<1x128xi32, #tpu.memory_space<vmem>> -> memref<128xi32, #tpu.memory_space<vmem>>
      %dma_wait3A_57 = arith.constant 0 : i32
      %dma_wait3A_58 = arith.constant 0 : i32
      %dma_wait3A_59 = tpu.memref_slice %arg11[%dma_wait3A_57, %dma_wait3A_58] : memref<5120x144xf32, #tpu.memory_space<vmem_shared>> -> memref<5120x144xf32, #tpu.memory_space<vmem_shared>>
      tpu.wait_indirect_dma semaphore(%run_scoped3A_47 : memref<!tpu.dma_semaphore, #tpu.memory_space<semaphore_mem>>) src(%arg9 : memref<128x144xf32, #tpu.memory_space<vmem>>) dst(%dma_wait3A_59 : memref<5120x144xf32, #tpu.memory_space<vmem_shared>>)
      tpu.yield
    }) : () -> ()
    %dma_wait3A_31 = arith.constant 79 : i32
    %dma_wait3A_32 = arith.constant 0 : i32
    %dma_wait3A_33 = tpu.memref_slice %arg7[%dma_wait3A_31, %dma_wait3A_32] : memref<80x128xi32, #tpu.memory_space<vmem>> -> memref<1x128xi32, #tpu.memory_space<vmem>>
    %dma_wait3A_34 = tpu.memref_squeeze %dma_wait3A_33 : memref<1x128xi32, #tpu.memory_space<vmem>> -> memref<128xi32, #tpu.memory_space<vmem>>
    %dma_wait3A_35 = arith.constant 0 : i32
    %dma_wait3A_36 = arith.constant 0 : i32
    %dma_wait3A_37 = tpu.memref_slice %arg2[%dma_wait3A_35, %dma_wait3A_36] : memref<10000x144xf32, #tpu.memory_space<hbm>> -> memref<10000x144xf32, #tpu.memory_space<hbm>>
    tpu.wait_indirect_dma semaphore(%arg13 : memref<!tpu.dma_semaphore, #tpu.memory_space<semaphore_mem>>) src(%dma_wait3A_37 : memref<10000x144xf32, #tpu.memory_space<hbm>>) dst(%arg10 : memref<128x144xf32, #tpu.memory_space<vmem>>)
    %run_scoped3A_38 = arith.constant 79 : i32
    "tpu.region"() ({
      %run_scoped3A_47 = tpu.sem_alloc : memref<!tpu.dma_semaphore, #tpu.memory_space<semaphore_mem>>
      %dma_start3A_48 = arith.constant 0 : i32
      %dma_start3A_49 = tpu.memref_slice %arg8[%run_scoped3A_38, %dma_start3A_48] : memref<80x128xi32, #tpu.memory_space<vmem>> -> memref<1x128xi32, #tpu.memory_space<vmem>>
      %dma_start3A_50 = tpu.memref_squeeze %dma_start3A_49 : memref<1x128xi32, #tpu.memory_space<vmem>> -> memref<128xi32, #tpu.memory_space<vmem>>
      %dma_start3A_51 = arith.constant 0 : i32
      %dma_start3A_52 = arith.constant 0 : i32
      %dma_start3A_53 = tpu.memref_slice %arg11[%dma_start3A_51, %dma_start3A_52] : memref<5120x144xf32, #tpu.memory_space<vmem_shared>> -> memref<5120x144xf32, #tpu.memory_space<vmem_shared>>
      tpu.enqueue_indirect_dma source(%arg10 : memref<128x144xf32, #tpu.memory_space<vmem>>) target(%dma_start3A_53 : memref<5120x144xf32, #tpu.memory_space<vmem_shared>>) offsets(%dma_start3A_50 : memref<128xi32, #tpu.memory_space<vmem>>) semaphore(%run_scoped3A_47 : memref<!tpu.dma_semaphore, #tpu.memory_space<semaphore_mem>>) {add = true}
      %dma_wait3A_54 = arith.constant 0 : i32
      %dma_wait3A_55 = tpu.memref_slice %arg8[%run_scoped3A_38, %dma_wait3A_54] : memref<80x128xi32, #tpu.memory_space<vmem>> -> memref<1x128xi32, #tpu.memory_space<vmem>>
      %dma_wait3A_56 = tpu.memref_squeeze %dma_wait3A_55 : memref<1x128xi32, #tpu.memory_space<vmem>> -> memref<128xi32, #tpu.memory_space<vmem>>
      %dma_wait3A_57 = arith.constant 0 : i32
      %dma_wait3A_58 = arith.constant 0 : i32
      %dma_wait3A_59 = tpu.memref_slice %arg11[%dma_wait3A_57, %dma_wait3A_58] : memref<5120x144xf32, #tpu.memory_space<vmem_shared>> -> memref<5120x144xf32, #tpu.memory_space<vmem_shared>>
      tpu.wait_indirect_dma semaphore(%run_scoped3A_47 : memref<!tpu.dma_semaphore, #tpu.memory_space<semaphore_mem>>) src(%arg10 : memref<128x144xf32, #tpu.memory_space<vmem>>) dst(%dma_wait3A_59 : memref<5120x144xf32, #tpu.memory_space<vmem_shared>>)
      tpu.yield
    }) : () -> ()
    %barrier3A_39 = arith.constant 0 : index
    tpu.barrier barrier_id(%barrier3A_39)
    %mul3A_40 = arith.constant 5120 : i32
    %mul3A_41 = arith.muli %arg0, %mul3A_40 : i32
    %mul3A_42 = arith.constant 320 : i32
    %mul3A_43 = arith.muli %arg1, %mul3A_42 : i32
    %add3A_44 = arith.addi %mul3A_41, %mul3A_43 : i32
    %mul3A_45 = arith.constant 320 : i32
    %mul3A_46 = arith.muli %arg1, %mul3A_45 : i32
    "tpu.region"() ({
      %run_scoped3A_47 = tpu.sem_alloc : memref<!tpu.dma_semaphore, #tpu.memory_space<semaphore_mem>>
      %dma_start3A_48 = arith.constant 0 : i32
      %dma_start3A_49 = tpu.memref_slice %arg6[%add3A_44, %dma_start3A_48] : memref<10240x144xf32, #tpu.memory_space<hbm>> -> memref<320x144xf32, #tpu.memory_space<hbm>>
      %dma_start3A_50 = arith.constant 0 : i32
      %dma_start3A_51 = tpu.memref_slice %arg11[%mul3A_46, %dma_start3A_50] : memref<5120x144xf32, #tpu.memory_space<vmem_shared>> -> memref<320x144xf32, #tpu.memory_space<vmem_shared>>
      tpu.enqueue_dma source(%dma_start3A_51 : memref<320x144xf32, #tpu.memory_space<vmem_shared>>) target(%dma_start3A_49 : memref<320x144xf32, #tpu.memory_space<hbm>>) target_semaphore(%run_scoped3A_47 : memref<!tpu.dma_semaphore, #tpu.memory_space<semaphore_mem>>)
      %dma_wait3A_52 = arith.constant 0 : i32
      %dma_wait3A_53 = tpu.memref_slice %arg6[%add3A_44, %dma_wait3A_52] : memref<10240x144xf32, #tpu.memory_space<hbm>> -> memref<320x144xf32, #tpu.memory_space<hbm>>
      %dma_wait3A_54 = arith.constant 0 : i32
      %dma_wait3A_55 = tpu.memref_slice %arg11[%mul3A_46, %dma_wait3A_54] : memref<5120x144xf32, #tpu.memory_space<vmem_shared>> -> memref<320x144xf32, #tpu.memory_space<vmem_shared>>
      tpu.wait_dma2 semaphore(%run_scoped3A_47 : memref<!tpu.dma_semaphore, #tpu.memory_space<semaphore_mem>>) src(%dma_wait3A_55 : memref<320x144xf32, #tpu.memory_space<vmem_shared>>) dst(%dma_wait3A_53 : memref<320x144xf32, #tpu.memory_space<hbm>>)
      tpu.yield
    }) : () -> ()
    return
  }
}

#map = affine_map<(d0, d1) -> (0, 0)>
module attributes {stable_mosaic.version = 14 : i64} {
  func.func @segsum(%arg0: i32, %arg1: i32, %arg2: memref<5000x144xf32, #tpu.memory_space<hbm>>, %arg3: memref<5056x64xi32, #tpu.memory_space<hbm>>, %arg4: memref<5056x64xi32, #tpu.memory_space<hbm>>, %arg5: memref<640x144xf32, #tpu.memory_space<hbm>>, %arg6: memref<20224x144xf32, #tpu.memory_space<hbm>>, %arg7: memref<158x64xi32, #tpu.memory_space<vmem>>, %arg8: memref<158x64xi32, #tpu.memory_space<vmem>>, %arg9: memref<64x144xf32, #tpu.memory_space<vmem>>, %arg10: memref<64x144xf32, #tpu.memory_space<vmem>>, %arg11: memref<10112x144xf32, #tpu.memory_space<vmem_shared>>, %arg12: memref<!tpu.dma_semaphore, #tpu.memory_space<semaphore_mem>>, %arg13: memref<!tpu.dma_semaphore, #tpu.memory_space<semaphore_mem>>) attributes {dimension_semantics = [#tpu.dimension_semantics<core_parallel>, #tpu.dimension_semantics<subcore_parallel>], iteration_bounds = array<i64: 2, 16>, scalar_prefetch = 0 : i64, scratch_operands = 7 : i64, tpu.core_type = #tpu.core_type<sc_vector_subcore>, window_params = [{transform_indices = #map}, {transform_indices = #map}, {transform_indices = #map}, {transform_indices = #map}, {transform_indices = #map}]} {
    %mul3A = arith.constant 16 : i32
    %mul3A_0 = arith.muli %arg0, %mul3A : i32
    %add3A = arith.addi %mul3A_0, %arg1 : i32
    %mul3A_1 = arith.constant 158 : i32
    %mul3A_2 = arith.muli %add3A, %mul3A_1 : i32
    "tpu.region"() ({
      %run_scoped3A_47 = tpu.sem_alloc : memref<!tpu.dma_semaphore, #tpu.memory_space<semaphore_mem>>
      %dma_start3A_48 = arith.constant 0 : i32
      %dma_start3A_49 = tpu.memref_slice %arg3[%mul3A_2, %dma_start3A_48] : memref<5056x64xi32, #tpu.memory_space<hbm>> -> memref<158x64xi32, #tpu.memory_space<hbm>>
      %dma_start3A_50 = arith.constant 0 : i32
      %dma_start3A_51 = tpu.memref_slice %arg3[%mul3A_2, %dma_start3A_50] : memref<5056x64xi32, #tpu.memory_space<hbm>> -> memref<158x64xi32, #tpu.memory_space<hbm>>
      tpu.enqueue_dma source(%dma_start3A_51 : memref<158x64xi32, #tpu.memory_space<hbm>>) target(%arg7 : memref<158x64xi32, #tpu.memory_space<vmem>>) target_semaphore(%run_scoped3A_47 : memref<!tpu.dma_semaphore, #tpu.memory_space<semaphore_mem>>)
      %dma_wait3A_52 = arith.constant 0 : i32
      %dma_wait3A_53 = tpu.memref_slice %arg3[%mul3A_2, %dma_wait3A_52] : memref<5056x64xi32, #tpu.memory_space<hbm>> -> memref<158x64xi32, #tpu.memory_space<hbm>>
      %dma_wait3A_54 = arith.constant 0 : i32
      %dma_wait3A_55 = tpu.memref_slice %arg3[%mul3A_2, %dma_wait3A_54] : memref<5056x64xi32, #tpu.memory_space<hbm>> -> memref<158x64xi32, #tpu.memory_space<hbm>>
      tpu.wait_dma2 semaphore(%run_scoped3A_47 : memref<!tpu.dma_semaphore, #tpu.memory_space<semaphore_mem>>) src(%dma_wait3A_55 : memref<158x64xi32, #tpu.memory_space<hbm>>) dst(%arg7 : memref<158x64xi32, #tpu.memory_space<vmem>>)
      tpu.yield
    }) : () -> ()
    %mul3A_3 = arith.constant 158 : i32
    %mul3A_4 = arith.muli %add3A, %mul3A_3 : i32
    "tpu.region"() ({
      %run_scoped3A_47 = tpu.sem_alloc : memref<!tpu.dma_semaphore, #tpu.memory_space<semaphore_mem>>
      %dma_start3A_48 = arith.constant 0 : i32
      %dma_start3A_49 = tpu.memref_slice %arg4[%mul3A_4, %dma_start3A_48] : memref<5056x64xi32, #tpu.memory_space<hbm>> -> memref<158x64xi32, #tpu.memory_space<hbm>>
      %dma_start3A_50 = arith.constant 0 : i32
      %dma_start3A_51 = tpu.memref_slice %arg4[%mul3A_4, %dma_start3A_50] : memref<5056x64xi32, #tpu.memory_space<hbm>> -> memref<158x64xi32, #tpu.memory_space<hbm>>
      tpu.enqueue_dma source(%dma_start3A_51 : memref<158x64xi32, #tpu.memory_space<hbm>>) target(%arg8 : memref<158x64xi32, #tpu.memory_space<vmem>>) target_semaphore(%run_scoped3A_47 : memref<!tpu.dma_semaphore, #tpu.memory_space<semaphore_mem>>)
      %dma_wait3A_52 = arith.constant 0 : i32
      %dma_wait3A_53 = tpu.memref_slice %arg4[%mul3A_4, %dma_wait3A_52] : memref<5056x64xi32, #tpu.memory_space<hbm>> -> memref<158x64xi32, #tpu.memory_space<hbm>>
      %dma_wait3A_54 = arith.constant 0 : i32
      %dma_wait3A_55 = tpu.memref_slice %arg4[%mul3A_4, %dma_wait3A_54] : memref<5056x64xi32, #tpu.memory_space<hbm>> -> memref<158x64xi32, #tpu.memory_space<hbm>>
      tpu.wait_dma2 semaphore(%run_scoped3A_47 : memref<!tpu.dma_semaphore, #tpu.memory_space<semaphore_mem>>) src(%dma_wait3A_55 : memref<158x64xi32, #tpu.memory_space<hbm>>) dst(%arg8 : memref<158x64xi32, #tpu.memory_space<vmem>>)
      tpu.yield
    }) : () -> ()
    %mul3A_5 = arith.constant 632 : i32
    %mul3A_6 = arith.muli %arg1, %mul3A_5 : i32
    "tpu.region"() ({
      %run_scoped3A_47 = tpu.sem_alloc : memref<!tpu.dma_semaphore, #tpu.memory_space<semaphore_mem>>
      %dma_start3A_48 = arith.constant 0 : i32
      %dma_start3A_49 = tpu.memref_slice %arg11[%mul3A_6, %dma_start3A_48] : memref<10112x144xf32, #tpu.memory_space<vmem_shared>> -> memref<632x144xf32, #tpu.memory_space<vmem_shared>>
      %dma_start3A_50 = arith.constant 0 : i32
      %dma_start3A_51 = arith.constant 0 : i32
      %dma_start3A_52 = tpu.memref_slice %arg5[%dma_start3A_50, %dma_start3A_51] : memref<640x144xf32, #tpu.memory_space<hbm>> -> memref<632x144xf32, #tpu.memory_space<hbm>>
      tpu.enqueue_dma source(%dma_start3A_52 : memref<632x144xf32, #tpu.memory_space<hbm>>) target(%dma_start3A_49 : memref<632x144xf32, #tpu.memory_space<vmem_shared>>) target_semaphore(%run_scoped3A_47 : memref<!tpu.dma_semaphore, #tpu.memory_space<semaphore_mem>>)
      %dma_wait3A_53 = arith.constant 0 : i32
      %dma_wait3A_54 = tpu.memref_slice %arg11[%mul3A_6, %dma_wait3A_53] : memref<10112x144xf32, #tpu.memory_space<vmem_shared>> -> memref<632x144xf32, #tpu.memory_space<vmem_shared>>
      %dma_wait3A_55 = arith.constant 0 : i32
      %dma_wait3A_56 = arith.constant 0 : i32
      %dma_wait3A_57 = tpu.memref_slice %arg5[%dma_wait3A_55, %dma_wait3A_56] : memref<640x144xf32, #tpu.memory_space<hbm>> -> memref<632x144xf32, #tpu.memory_space<hbm>>
      tpu.wait_dma2 semaphore(%run_scoped3A_47 : memref<!tpu.dma_semaphore, #tpu.memory_space<semaphore_mem>>) src(%dma_wait3A_57 : memref<632x144xf32, #tpu.memory_space<hbm>>) dst(%dma_wait3A_54 : memref<632x144xf32, #tpu.memory_space<vmem_shared>>)
      tpu.yield
    }) : () -> ()
    %barrier3A = arith.constant 0 : index
    tpu.barrier barrier_id(%barrier3A)
    %dma_start3A = arith.constant 0 : i32
    %dma_start3A_7 = arith.constant 0 : i32
    %dma_start3A_8 = tpu.memref_slice %arg7[%dma_start3A, %dma_start3A_7] : memref<158x64xi32, #tpu.memory_space<vmem>> -> memref<1x64xi32, #tpu.memory_space<vmem>>
    %dma_start3A_9 = tpu.memref_squeeze %dma_start3A_8 : memref<1x64xi32, #tpu.memory_space<vmem>> -> memref<64xi32, #tpu.memory_space<vmem>>
    %dma_start3A_10 = arith.constant 0 : i32
    %dma_start3A_11 = arith.constant 0 : i32
    %dma_start3A_12 = tpu.memref_slice %arg2[%dma_start3A_10, %dma_start3A_11] : memref<5000x144xf32, #tpu.memory_space<hbm>> -> memref<5000x144xf32, #tpu.memory_space<hbm>>
    tpu.enqueue_indirect_dma source(%dma_start3A_12 : memref<5000x144xf32, #tpu.memory_space<hbm>>) target(%arg9 : memref<64x144xf32, #tpu.memory_space<vmem>>) offsets(%dma_start3A_9 : memref<64xi32, #tpu.memory_space<vmem>>) semaphore(%arg12 : memref<!tpu.dma_semaphore, #tpu.memory_space<semaphore_mem>>)
    %scan3A = arith.constant 0 : i32
    %scan3A_13 = arith.constant 1 : i32
    %scan3A_14 = arith.constant 78 : i32
    %scan3A_15 = arith.addi %scan3A_13, %scan3A_14 : i32
    %scan3A_16 = arith.constant 1 : i32
    scf.for %scan3A_47 = %scan3A_13 to %scan3A_15 step %scan3A_16  : i32 {
      %mul3A_48 = arith.constant 2 : i32
      %mul3A_49 = arith.muli %mul3A_48, %scan3A_47 : i32
      %sub3A = arith.constant 1 : i32
      %sub3A_50 = arith.subi %mul3A_49, %sub3A : i32
      %dma_start3A_51 = arith.constant 0 : i32
      %dma_start3A_52 = tpu.memref_slice %arg7[%sub3A_50, %dma_start3A_51] : memref<158x64xi32, #tpu.memory_space<vmem>> -> memref<1x64xi32, #tpu.memory_space<vmem>>
      %dma_start3A_53 = tpu.memref_squeeze %dma_start3A_52 : memref<1x64xi32, #tpu.memory_space<vmem>> -> memref<64xi32, #tpu.memory_space<vmem>>
      %dma_start3A_54 = arith.constant 0 : i32
      %dma_start3A_55 = arith.constant 0 : i32
      %dma_start3A_56 = tpu.memref_slice %arg2[%dma_start3A_54, %dma_start3A_55] : memref<5000x144xf32, #tpu.memory_space<hbm>> -> memref<5000x144xf32, #tpu.memory_space<hbm>>
      tpu.enqueue_indirect_dma source(%dma_start3A_56 : memref<5000x144xf32, #tpu.memory_space<hbm>>) target(%arg10 : memref<64x144xf32, #tpu.memory_space<vmem>>) offsets(%dma_start3A_53 : memref<64xi32, #tpu.memory_space<vmem>>) semaphore(%arg13 : memref<!tpu.dma_semaphore, #tpu.memory_space<semaphore_mem>>)
      %sub3A_57 = arith.constant 1 : i32
      %sub3A_58 = arith.subi %sub3A_50, %sub3A_57 : i32
      %dma_wait3A_59 = arith.constant 0 : i32
      %dma_wait3A_60 = tpu.memref_slice %arg7[%sub3A_58, %dma_wait3A_59] : memref<158x64xi32, #tpu.memory_space<vmem>> -> memref<1x64xi32, #tpu.memory_space<vmem>>
      %dma_wait3A_61 = tpu.memref_squeeze %dma_wait3A_60 : memref<1x64xi32, #tpu.memory_space<vmem>> -> memref<64xi32, #tpu.memory_space<vmem>>
      %dma_wait3A_62 = arith.constant 0 : i32
      %dma_wait3A_63 = arith.constant 0 : i32
      %dma_wait3A_64 = tpu.memref_slice %arg2[%dma_wait3A_62, %dma_wait3A_63] : memref<5000x144xf32, #tpu.memory_space<hbm>> -> memref<5000x144xf32, #tpu.memory_space<hbm>>
      tpu.wait_indirect_dma semaphore(%arg12 : memref<!tpu.dma_semaphore, #tpu.memory_space<semaphore_mem>>) src(%dma_wait3A_64 : memref<5000x144xf32, #tpu.memory_space<hbm>>) dst(%arg9 : memref<64x144xf32, #tpu.memory_space<vmem>>)
      %sub3A_65 = arith.constant 1 : i32
      %sub3A_66 = arith.subi %sub3A_50, %sub3A_65 : i32
      "tpu.region"() ({
        %run_scoped3A_81 = tpu.sem_alloc : memref<!tpu.dma_semaphore, #tpu.memory_space<semaphore_mem>>
        %dma_start3A_82 = arith.constant 0 : i32
        %dma_start3A_83 = tpu.memref_slice %arg8[%sub3A_66, %dma_start3A_82] : memref<158x64xi32, #tpu.memory_space<vmem>> -> memref<1x64xi32, #tpu.memory_space<vmem>>
        %dma_start3A_84 = tpu.memref_squeeze %dma_start3A_83 : memref<1x64xi32, #tpu.memory_space<vmem>> -> memref<64xi32, #tpu.memory_space<vmem>>
        %dma_start3A_85 = arith.constant 0 : i32
        %dma_start3A_86 = arith.constant 0 : i32
        %dma_start3A_87 = tpu.memref_slice %arg11[%dma_start3A_85, %dma_start3A_86] : memref<10112x144xf32, #tpu.memory_space<vmem_shared>> -> memref<10112x144xf32, #tpu.memory_space<vmem_shared>>
        tpu.enqueue_indirect_dma source(%arg9 : memref<64x144xf32, #tpu.memory_space<vmem>>) target(%dma_start3A_87 : memref<10112x144xf32, #tpu.memory_space<vmem_shared>>) offsets(%dma_start3A_84 : memref<64xi32, #tpu.memory_space<vmem>>) semaphore(%run_scoped3A_81 : memref<!tpu.dma_semaphore, #tpu.memory_space<semaphore_mem>>) {add = true}
        %dma_wait3A_88 = arith.constant 0 : i32
        %dma_wait3A_89 = tpu.memref_slice %arg8[%sub3A_66, %dma_wait3A_88] : memref<158x64xi32, #tpu.memory_space<vmem>> -> memref<1x64xi32, #tpu.memory_space<vmem>>
        %dma_wait3A_90 = tpu.memref_squeeze %dma_wait3A_89 : memref<1x64xi32, #tpu.memory_space<vmem>> -> memref<64xi32, #tpu.memory_space<vmem>>
        %dma_wait3A_91 = arith.constant 0 : i32
        %dma_wait3A_92 = arith.constant 0 : i32
        %dma_wait3A_93 = tpu.memref_slice %arg11[%dma_wait3A_91, %dma_wait3A_92] : memref<10112x144xf32, #tpu.memory_space<vmem_shared>> -> memref<10112x144xf32, #tpu.memory_space<vmem_shared>>
        tpu.wait_indirect_dma semaphore(%run_scoped3A_81 : memref<!tpu.dma_semaphore, #tpu.memory_space<semaphore_mem>>) src(%arg9 : memref<64x144xf32, #tpu.memory_space<vmem>>) dst(%dma_wait3A_93 : memref<10112x144xf32, #tpu.memory_space<vmem_shared>>)
        tpu.yield
      }) : () -> ()
      %add3A_67 = arith.constant 1 : i32
      %add3A_68 = arith.addi %sub3A_50, %add3A_67 : i32
      %dma_start3A_69 = arith.constant 0 : i32
      %dma_start3A_70 = tpu.memref_slice %arg7[%add3A_68, %dma_start3A_69] : memref<158x64xi32, #tpu.memory_space<vmem>> -> memref<1x64xi32, #tpu.memory_space<vmem>>
      %dma_start3A_71 = tpu.memref_squeeze %dma_start3A_70 : memref<1x64xi32, #tpu.memory_space<vmem>> -> memref<64xi32, #tpu.memory_space<vmem>>
      %dma_start3A_72 = arith.constant 0 : i32
      %dma_start3A_73 = arith.constant 0 : i32
      %dma_start3A_74 = tpu.memref_slice %arg2[%dma_start3A_72, %dma_start3A_73] : memref<5000x144xf32, #tpu.memory_space<hbm>> -> memref<5000x144xf32, #tpu.memory_space<hbm>>
      tpu.enqueue_indirect_dma source(%dma_start3A_74 : memref<5000x144xf32, #tpu.memory_space<hbm>>) target(%arg9 : memref<64x144xf32, #tpu.memory_space<vmem>>) offsets(%dma_start3A_71 : memref<64xi32, #tpu.memory_space<vmem>>) semaphore(%arg12 : memref<!tpu.dma_semaphore, #tpu.memory_space<semaphore_mem>>)
      %dma_wait3A_75 = arith.constant 0 : i32
      %dma_wait3A_76 = tpu.memref_slice %arg7[%sub3A_50, %dma_wait3A_75] : memref<158x64xi32, #tpu.memory_space<vmem>> -> memref<1x64xi32, #tpu.memory_space<vmem>>
      %dma_wait3A_77 = tpu.memref_squeeze %dma_wait3A_76 : memref<1x64xi32, #tpu.memory_space<vmem>> -> memref<64xi32, #tpu.memory_space<vmem>>
      %dma_wait3A_78 = arith.constant 0 : i32
      %dma_wait3A_79 = arith.constant 0 : i32
      %dma_wait3A_80 = tpu.memref_slice %arg2[%dma_wait3A_78, %dma_wait3A_79] : memref<5000x144xf32, #tpu.memory_space<hbm>> -> memref<5000x144xf32, #tpu.memory_space<hbm>>
      tpu.wait_indirect_dma semaphore(%arg13 : memref<!tpu.dma_semaphore, #tpu.memory_space<semaphore_mem>>) src(%dma_wait3A_80 : memref<5000x144xf32, #tpu.memory_space<hbm>>) dst(%arg10 : memref<64x144xf32, #tpu.memory_space<vmem>>)
      "tpu.region"() ({
        %run_scoped3A_81 = tpu.sem_alloc : memref<!tpu.dma_semaphore, #tpu.memory_space<semaphore_mem>>
        %dma_start3A_82 = arith.constant 0 : i32
        %dma_start3A_83 = tpu.memref_slice %arg8[%sub3A_50, %dma_start3A_82] : memref<158x64xi32, #tpu.memory_space<vmem>> -> memref<1x64xi32, #tpu.memory_space<vmem>>
        %dma_start3A_84 = tpu.memref_squeeze %dma_start3A_83 : memref<1x64xi32, #tpu.memory_space<vmem>> -> memref<64xi32, #tpu.memory_space<vmem>>
        %dma_start3A_85 = arith.constant 0 : i32
        %dma_start3A_86 = arith.constant 0 : i32
        %dma_start3A_87 = tpu.memref_slice %arg11[%dma_start3A_85, %dma_start3A_86] : memref<10112x144xf32, #tpu.memory_space<vmem_shared>> -> memref<10112x144xf32, #tpu.memory_space<vmem_shared>>
        tpu.enqueue_indirect_dma source(%arg10 : memref<64x144xf32, #tpu.memory_space<vmem>>) target(%dma_start3A_87 : memref<10112x144xf32, #tpu.memory_space<vmem_shared>>) offsets(%dma_start3A_84 : memref<64xi32, #tpu.memory_space<vmem>>) semaphore(%run_scoped3A_81 : memref<!tpu.dma_semaphore, #tpu.memory_space<semaphore_mem>>) {add = true}
        %dma_wait3A_88 = arith.constant 0 : i32
        %dma_wait3A_89 = tpu.memref_slice %arg8[%sub3A_50, %dma_wait3A_88] : memref<158x64xi32, #tpu.memory_space<vmem>> -> memref<1x64xi32, #tpu.memory_space<vmem>>
        %dma_wait3A_90 = tpu.memref_squeeze %dma_wait3A_89 : memref<1x64xi32, #tpu.memory_space<vmem>> -> memref<64xi32, #tpu.memory_space<vmem>>
        %dma_wait3A_91 = arith.constant 0 : i32
        %dma_wait3A_92 = arith.constant 0 : i32
        %dma_wait3A_93 = tpu.memref_slice %arg11[%dma_wait3A_91, %dma_wait3A_92] : memref<10112x144xf32, #tpu.memory_space<vmem_shared>> -> memref<10112x144xf32, #tpu.memory_space<vmem_shared>>
        tpu.wait_indirect_dma semaphore(%run_scoped3A_81 : memref<!tpu.dma_semaphore, #tpu.memory_space<semaphore_mem>>) src(%arg10 : memref<64x144xf32, #tpu.memory_space<vmem>>) dst(%dma_wait3A_93 : memref<10112x144xf32, #tpu.memory_space<vmem_shared>>)
        tpu.yield
      }) : () -> ()
    }
    %scan3A_17 = arith.constant 78 : i32
    %dma_start3A_18 = arith.constant 157 : i32
    %dma_start3A_19 = arith.constant 0 : i32
    %dma_start3A_20 = tpu.memref_slice %arg7[%dma_start3A_18, %dma_start3A_19] : memref<158x64xi32, #tpu.memory_space<vmem>> -> memref<1x64xi32, #tpu.memory_space<vmem>>
    %dma_start3A_21 = tpu.memref_squeeze %dma_start3A_20 : memref<1x64xi32, #tpu.memory_space<vmem>> -> memref<64xi32, #tpu.memory_space<vmem>>
    %dma_start3A_22 = arith.constant 0 : i32
    %dma_start3A_23 = arith.constant 0 : i32
    %dma_start3A_24 = tpu.memref_slice %arg2[%dma_start3A_22, %dma_start3A_23] : memref<5000x144xf32, #tpu.memory_space<hbm>> -> memref<5000x144xf32, #tpu.memory_space<hbm>>
    tpu.enqueue_indirect_dma source(%dma_start3A_24 : memref<5000x144xf32, #tpu.memory_space<hbm>>) target(%arg10 : memref<64x144xf32, #tpu.memory_space<vmem>>) offsets(%dma_start3A_21 : memref<64xi32, #tpu.memory_space<vmem>>) semaphore(%arg13 : memref<!tpu.dma_semaphore, #tpu.memory_space<semaphore_mem>>)
    %dma_wait3A = arith.constant 156 : i32
    %dma_wait3A_25 = arith.constant 0 : i32
    %dma_wait3A_26 = tpu.memref_slice %arg7[%dma_wait3A, %dma_wait3A_25] : memref<158x64xi32, #tpu.memory_space<vmem>> -> memref<1x64xi32, #tpu.memory_space<vmem>>
    %dma_wait3A_27 = tpu.memref_squeeze %dma_wait3A_26 : memref<1x64xi32, #tpu.memory_space<vmem>> -> memref<64xi32, #tpu.memory_space<vmem>>
    %dma_wait3A_28 = arith.constant 0 : i32
    %dma_wait3A_29 = arith.constant 0 : i32
    %dma_wait3A_30 = tpu.memref_slice %arg2[%dma_wait3A_28, %dma_wait3A_29] : memref<5000x144xf32, #tpu.memory_space<hbm>> -> memref<5000x144xf32, #tpu.memory_space<hbm>>
    tpu.wait_indirect_dma semaphore(%arg12 : memref<!tpu.dma_semaphore, #tpu.memory_space<semaphore_mem>>) src(%dma_wait3A_30 : memref<5000x144xf32, #tpu.memory_space<hbm>>) dst(%arg9 : memref<64x144xf32, #tpu.memory_space<vmem>>)
    %run_scoped3A = arith.constant 156 : i32
    "tpu.region"() ({
      %run_scoped3A_47 = tpu.sem_alloc : memref<!tpu.dma_semaphore, #tpu.memory_space<semaphore_mem>>
      %dma_start3A_48 = arith.constant 0 : i32
      %dma_start3A_49 = tpu.memref_slice %arg8[%run_scoped3A, %dma_start3A_48] : memref<158x64xi32, #tpu.memory_space<vmem>> -> memref<1x64xi32, #tpu.memory_space<vmem>>
      %dma_start3A_50 = tpu.memref_squeeze %dma_start3A_49 : memref<1x64xi32, #tpu.memory_space<vmem>> -> memref<64xi32, #tpu.memory_space<vmem>>
      %dma_start3A_51 = arith.constant 0 : i32
      %dma_start3A_52 = arith.constant 0 : i32
      %dma_start3A_53 = tpu.memref_slice %arg11[%dma_start3A_51, %dma_start3A_52] : memref<10112x144xf32, #tpu.memory_space<vmem_shared>> -> memref<10112x144xf32, #tpu.memory_space<vmem_shared>>
      tpu.enqueue_indirect_dma source(%arg9 : memref<64x144xf32, #tpu.memory_space<vmem>>) target(%dma_start3A_53 : memref<10112x144xf32, #tpu.memory_space<vmem_shared>>) offsets(%dma_start3A_50 : memref<64xi32, #tpu.memory_space<vmem>>) semaphore(%run_scoped3A_47 : memref<!tpu.dma_semaphore, #tpu.memory_space<semaphore_mem>>) {add = true}
      %dma_wait3A_54 = arith.constant 0 : i32
      %dma_wait3A_55 = tpu.memref_slice %arg8[%run_scoped3A, %dma_wait3A_54] : memref<158x64xi32, #tpu.memory_space<vmem>> -> memref<1x64xi32, #tpu.memory_space<vmem>>
      %dma_wait3A_56 = tpu.memref_squeeze %dma_wait3A_55 : memref<1x64xi32, #tpu.memory_space<vmem>> -> memref<64xi32, #tpu.memory_space<vmem>>
      %dma_wait3A_57 = arith.constant 0 : i32
      %dma_wait3A_58 = arith.constant 0 : i32
      %dma_wait3A_59 = tpu.memref_slice %arg11[%dma_wait3A_57, %dma_wait3A_58] : memref<10112x144xf32, #tpu.memory_space<vmem_shared>> -> memref<10112x144xf32, #tpu.memory_space<vmem_shared>>
      tpu.wait_indirect_dma semaphore(%run_scoped3A_47 : memref<!tpu.dma_semaphore, #tpu.memory_space<semaphore_mem>>) src(%arg9 : memref<64x144xf32, #tpu.memory_space<vmem>>) dst(%dma_wait3A_59 : memref<10112x144xf32, #tpu.memory_space<vmem_shared>>)
      tpu.yield
    }) : () -> ()
    %dma_wait3A_31 = arith.constant 157 : i32
    %dma_wait3A_32 = arith.constant 0 : i32
    %dma_wait3A_33 = tpu.memref_slice %arg7[%dma_wait3A_31, %dma_wait3A_32] : memref<158x64xi32, #tpu.memory_space<vmem>> -> memref<1x64xi32, #tpu.memory_space<vmem>>
    %dma_wait3A_34 = tpu.memref_squeeze %dma_wait3A_33 : memref<1x64xi32, #tpu.memory_space<vmem>> -> memref<64xi32, #tpu.memory_space<vmem>>
    %dma_wait3A_35 = arith.constant 0 : i32
    %dma_wait3A_36 = arith.constant 0 : i32
    %dma_wait3A_37 = tpu.memref_slice %arg2[%dma_wait3A_35, %dma_wait3A_36] : memref<5000x144xf32, #tpu.memory_space<hbm>> -> memref<5000x144xf32, #tpu.memory_space<hbm>>
    tpu.wait_indirect_dma semaphore(%arg13 : memref<!tpu.dma_semaphore, #tpu.memory_space<semaphore_mem>>) src(%dma_wait3A_37 : memref<5000x144xf32, #tpu.memory_space<hbm>>) dst(%arg10 : memref<64x144xf32, #tpu.memory_space<vmem>>)
    %run_scoped3A_38 = arith.constant 157 : i32
    "tpu.region"() ({
      %run_scoped3A_47 = tpu.sem_alloc : memref<!tpu.dma_semaphore, #tpu.memory_space<semaphore_mem>>
      %dma_start3A_48 = arith.constant 0 : i32
      %dma_start3A_49 = tpu.memref_slice %arg8[%run_scoped3A_38, %dma_start3A_48] : memref<158x64xi32, #tpu.memory_space<vmem>> -> memref<1x64xi32, #tpu.memory_space<vmem>>
      %dma_start3A_50 = tpu.memref_squeeze %dma_start3A_49 : memref<1x64xi32, #tpu.memory_space<vmem>> -> memref<64xi32, #tpu.memory_space<vmem>>
      %dma_start3A_51 = arith.constant 0 : i32
      %dma_start3A_52 = arith.constant 0 : i32
      %dma_start3A_53 = tpu.memref_slice %arg11[%dma_start3A_51, %dma_start3A_52] : memref<10112x144xf32, #tpu.memory_space<vmem_shared>> -> memref<10112x144xf32, #tpu.memory_space<vmem_shared>>
      tpu.enqueue_indirect_dma source(%arg10 : memref<64x144xf32, #tpu.memory_space<vmem>>) target(%dma_start3A_53 : memref<10112x144xf32, #tpu.memory_space<vmem_shared>>) offsets(%dma_start3A_50 : memref<64xi32, #tpu.memory_space<vmem>>) semaphore(%run_scoped3A_47 : memref<!tpu.dma_semaphore, #tpu.memory_space<semaphore_mem>>) {add = true}
      %dma_wait3A_54 = arith.constant 0 : i32
      %dma_wait3A_55 = tpu.memref_slice %arg8[%run_scoped3A_38, %dma_wait3A_54] : memref<158x64xi32, #tpu.memory_space<vmem>> -> memref<1x64xi32, #tpu.memory_space<vmem>>
      %dma_wait3A_56 = tpu.memref_squeeze %dma_wait3A_55 : memref<1x64xi32, #tpu.memory_space<vmem>> -> memref<64xi32, #tpu.memory_space<vmem>>
      %dma_wait3A_57 = arith.constant 0 : i32
      %dma_wait3A_58 = arith.constant 0 : i32
      %dma_wait3A_59 = tpu.memref_slice %arg11[%dma_wait3A_57, %dma_wait3A_58] : memref<10112x144xf32, #tpu.memory_space<vmem_shared>> -> memref<10112x144xf32, #tpu.memory_space<vmem_shared>>
      tpu.wait_indirect_dma semaphore(%run_scoped3A_47 : memref<!tpu.dma_semaphore, #tpu.memory_space<semaphore_mem>>) src(%arg10 : memref<64x144xf32, #tpu.memory_space<vmem>>) dst(%dma_wait3A_59 : memref<10112x144xf32, #tpu.memory_space<vmem_shared>>)
      tpu.yield
    }) : () -> ()
    %barrier3A_39 = arith.constant 0 : index
    tpu.barrier barrier_id(%barrier3A_39)
    %mul3A_40 = arith.constant 10112 : i32
    %mul3A_41 = arith.muli %arg0, %mul3A_40 : i32
    %mul3A_42 = arith.constant 632 : i32
    %mul3A_43 = arith.muli %arg1, %mul3A_42 : i32
    %add3A_44 = arith.addi %mul3A_41, %mul3A_43 : i32
    %mul3A_45 = arith.constant 632 : i32
    %mul3A_46 = arith.muli %arg1, %mul3A_45 : i32
    "tpu.region"() ({
      %run_scoped3A_47 = tpu.sem_alloc : memref<!tpu.dma_semaphore, #tpu.memory_space<semaphore_mem>>
      %dma_start3A_48 = arith.constant 0 : i32
      %dma_start3A_49 = tpu.memref_slice %arg6[%add3A_44, %dma_start3A_48] : memref<20224x144xf32, #tpu.memory_space<hbm>> -> memref<632x144xf32, #tpu.memory_space<hbm>>
      %dma_start3A_50 = arith.constant 0 : i32
      %dma_start3A_51 = tpu.memref_slice %arg11[%mul3A_46, %dma_start3A_50] : memref<10112x144xf32, #tpu.memory_space<vmem_shared>> -> memref<632x144xf32, #tpu.memory_space<vmem_shared>>
      tpu.enqueue_dma source(%dma_start3A_51 : memref<632x144xf32, #tpu.memory_space<vmem_shared>>) target(%dma_start3A_49 : memref<632x144xf32, #tpu.memory_space<hbm>>) target_semaphore(%run_scoped3A_47 : memref<!tpu.dma_semaphore, #tpu.memory_space<semaphore_mem>>)
      %dma_wait3A_52 = arith.constant 0 : i32
      %dma_wait3A_53 = tpu.memref_slice %arg6[%add3A_44, %dma_wait3A_52] : memref<20224x144xf32, #tpu.memory_space<hbm>> -> memref<632x144xf32, #tpu.memory_space<hbm>>
      %dma_wait3A_54 = arith.constant 0 : i32
      %dma_wait3A_55 = tpu.memref_slice %arg11[%mul3A_46, %dma_wait3A_54] : memref<10112x144xf32, #tpu.memory_space<vmem_shared>> -> memref<632x144xf32, #tpu.memory_space<vmem_shared>>
      tpu.wait_dma2 semaphore(%run_scoped3A_47 : memref<!tpu.dma_semaphore, #tpu.memory_space<semaphore_mem>>) src(%dma_wait3A_55 : memref<632x144xf32, #tpu.memory_space<vmem_shared>>) dst(%dma_wait3A_53 : memref<632x144xf32, #tpu.memory_space<hbm>>)
      tpu.yield
    }) : () -> ()
    return
  }
}

#map = affine_map<(d0, d1) -> (0, 0)>
module attributes {stable_mosaic.version = 14 : i64} {
  func.func @segsum(%arg0: i32, %arg1: i32, %arg2: memref<5000x144xf32, #tpu.memory_space<hbm>>, %arg3: memref<5056x64xi32, #tpu.memory_space<hbm>>, %arg4: memref<5056x64xi32, #tpu.memory_space<hbm>>, %arg5: memref<640x144xf32, #tpu.memory_space<hbm>>, %arg6: memref<20224x144xf32, #tpu.memory_space<hbm>>, %arg7: memref<158x64xi32, #tpu.memory_space<vmem>>, %arg8: memref<158x64xi32, #tpu.memory_space<vmem>>, %arg9: memref<64x144xf32, #tpu.memory_space<vmem>>, %arg10: memref<64x144xf32, #tpu.memory_space<vmem>>, %arg11: memref<10112x144xf32, #tpu.memory_space<vmem_shared>>, %arg12: memref<!tpu.dma_semaphore, #tpu.memory_space<semaphore_mem>>, %arg13: memref<!tpu.dma_semaphore, #tpu.memory_space<semaphore_mem>>) attributes {dimension_semantics = [#tpu.dimension_semantics<core_parallel>, #tpu.dimension_semantics<subcore_parallel>], iteration_bounds = array<i64: 2, 16>, scalar_prefetch = 0 : i64, scratch_operands = 7 : i64, tpu.core_type = #tpu.core_type<sc_vector_subcore>, window_params = [{transform_indices = #map}, {transform_indices = #map}, {transform_indices = #map}, {transform_indices = #map}, {transform_indices = #map}]} {
    %mul3A = arith.constant 16 : i32
    %mul3A_0 = arith.muli %arg0, %mul3A : i32
    %add3A = arith.addi %mul3A_0, %arg1 : i32
    %mul3A_1 = arith.constant 158 : i32
    %mul3A_2 = arith.muli %add3A, %mul3A_1 : i32
    "tpu.region"() ({
      %run_scoped3A_47 = tpu.sem_alloc : memref<!tpu.dma_semaphore, #tpu.memory_space<semaphore_mem>>
      %dma_start3A_48 = arith.constant 0 : i32
      %dma_start3A_49 = tpu.memref_slice %arg3[%mul3A_2, %dma_start3A_48] : memref<5056x64xi32, #tpu.memory_space<hbm>> -> memref<158x64xi32, #tpu.memory_space<hbm>>
      %dma_start3A_50 = arith.constant 0 : i32
      %dma_start3A_51 = tpu.memref_slice %arg3[%mul3A_2, %dma_start3A_50] : memref<5056x64xi32, #tpu.memory_space<hbm>> -> memref<158x64xi32, #tpu.memory_space<hbm>>
      tpu.enqueue_dma source(%dma_start3A_51 : memref<158x64xi32, #tpu.memory_space<hbm>>) target(%arg7 : memref<158x64xi32, #tpu.memory_space<vmem>>) target_semaphore(%run_scoped3A_47 : memref<!tpu.dma_semaphore, #tpu.memory_space<semaphore_mem>>)
      %dma_wait3A_52 = arith.constant 0 : i32
      %dma_wait3A_53 = tpu.memref_slice %arg3[%mul3A_2, %dma_wait3A_52] : memref<5056x64xi32, #tpu.memory_space<hbm>> -> memref<158x64xi32, #tpu.memory_space<hbm>>
      %dma_wait3A_54 = arith.constant 0 : i32
      %dma_wait3A_55 = tpu.memref_slice %arg3[%mul3A_2, %dma_wait3A_54] : memref<5056x64xi32, #tpu.memory_space<hbm>> -> memref<158x64xi32, #tpu.memory_space<hbm>>
      tpu.wait_dma2 semaphore(%run_scoped3A_47 : memref<!tpu.dma_semaphore, #tpu.memory_space<semaphore_mem>>) src(%dma_wait3A_55 : memref<158x64xi32, #tpu.memory_space<hbm>>) dst(%arg7 : memref<158x64xi32, #tpu.memory_space<vmem>>)
      tpu.yield
    }) : () -> ()
    %mul3A_3 = arith.constant 158 : i32
    %mul3A_4 = arith.muli %add3A, %mul3A_3 : i32
    "tpu.region"() ({
      %run_scoped3A_47 = tpu.sem_alloc : memref<!tpu.dma_semaphore, #tpu.memory_space<semaphore_mem>>
      %dma_start3A_48 = arith.constant 0 : i32
      %dma_start3A_49 = tpu.memref_slice %arg4[%mul3A_4, %dma_start3A_48] : memref<5056x64xi32, #tpu.memory_space<hbm>> -> memref<158x64xi32, #tpu.memory_space<hbm>>
      %dma_start3A_50 = arith.constant 0 : i32
      %dma_start3A_51 = tpu.memref_slice %arg4[%mul3A_4, %dma_start3A_50] : memref<5056x64xi32, #tpu.memory_space<hbm>> -> memref<158x64xi32, #tpu.memory_space<hbm>>
      tpu.enqueue_dma source(%dma_start3A_51 : memref<158x64xi32, #tpu.memory_space<hbm>>) target(%arg8 : memref<158x64xi32, #tpu.memory_space<vmem>>) target_semaphore(%run_scoped3A_47 : memref<!tpu.dma_semaphore, #tpu.memory_space<semaphore_mem>>)
      %dma_wait3A_52 = arith.constant 0 : i32
      %dma_wait3A_53 = tpu.memref_slice %arg4[%mul3A_4, %dma_wait3A_52] : memref<5056x64xi32, #tpu.memory_space<hbm>> -> memref<158x64xi32, #tpu.memory_space<hbm>>
      %dma_wait3A_54 = arith.constant 0 : i32
      %dma_wait3A_55 = tpu.memref_slice %arg4[%mul3A_4, %dma_wait3A_54] : memref<5056x64xi32, #tpu.memory_space<hbm>> -> memref<158x64xi32, #tpu.memory_space<hbm>>
      tpu.wait_dma2 semaphore(%run_scoped3A_47 : memref<!tpu.dma_semaphore, #tpu.memory_space<semaphore_mem>>) src(%dma_wait3A_55 : memref<158x64xi32, #tpu.memory_space<hbm>>) dst(%arg8 : memref<158x64xi32, #tpu.memory_space<vmem>>)
      tpu.yield
    }) : () -> ()
    %mul3A_5 = arith.constant 632 : i32
    %mul3A_6 = arith.muli %arg1, %mul3A_5 : i32
    "tpu.region"() ({
      %run_scoped3A_47 = tpu.sem_alloc : memref<!tpu.dma_semaphore, #tpu.memory_space<semaphore_mem>>
      %dma_start3A_48 = arith.constant 0 : i32
      %dma_start3A_49 = tpu.memref_slice %arg11[%mul3A_6, %dma_start3A_48] : memref<10112x144xf32, #tpu.memory_space<vmem_shared>> -> memref<632x144xf32, #tpu.memory_space<vmem_shared>>
      %dma_start3A_50 = arith.constant 0 : i32
      %dma_start3A_51 = arith.constant 0 : i32
      %dma_start3A_52 = tpu.memref_slice %arg5[%dma_start3A_50, %dma_start3A_51] : memref<640x144xf32, #tpu.memory_space<hbm>> -> memref<632x144xf32, #tpu.memory_space<hbm>>
      tpu.enqueue_dma source(%dma_start3A_52 : memref<632x144xf32, #tpu.memory_space<hbm>>) target(%dma_start3A_49 : memref<632x144xf32, #tpu.memory_space<vmem_shared>>) target_semaphore(%run_scoped3A_47 : memref<!tpu.dma_semaphore, #tpu.memory_space<semaphore_mem>>)
      %dma_wait3A_53 = arith.constant 0 : i32
      %dma_wait3A_54 = tpu.memref_slice %arg11[%mul3A_6, %dma_wait3A_53] : memref<10112x144xf32, #tpu.memory_space<vmem_shared>> -> memref<632x144xf32, #tpu.memory_space<vmem_shared>>
      %dma_wait3A_55 = arith.constant 0 : i32
      %dma_wait3A_56 = arith.constant 0 : i32
      %dma_wait3A_57 = tpu.memref_slice %arg5[%dma_wait3A_55, %dma_wait3A_56] : memref<640x144xf32, #tpu.memory_space<hbm>> -> memref<632x144xf32, #tpu.memory_space<hbm>>
      tpu.wait_dma2 semaphore(%run_scoped3A_47 : memref<!tpu.dma_semaphore, #tpu.memory_space<semaphore_mem>>) src(%dma_wait3A_57 : memref<632x144xf32, #tpu.memory_space<hbm>>) dst(%dma_wait3A_54 : memref<632x144xf32, #tpu.memory_space<vmem_shared>>)
      tpu.yield
    }) : () -> ()
    %barrier3A = arith.constant 0 : index
    tpu.barrier barrier_id(%barrier3A)
    %dma_start3A = arith.constant 0 : i32
    %dma_start3A_7 = arith.constant 0 : i32
    %dma_start3A_8 = tpu.memref_slice %arg7[%dma_start3A, %dma_start3A_7] : memref<158x64xi32, #tpu.memory_space<vmem>> -> memref<1x64xi32, #tpu.memory_space<vmem>>
    %dma_start3A_9 = tpu.memref_squeeze %dma_start3A_8 : memref<1x64xi32, #tpu.memory_space<vmem>> -> memref<64xi32, #tpu.memory_space<vmem>>
    %dma_start3A_10 = arith.constant 0 : i32
    %dma_start3A_11 = arith.constant 0 : i32
    %dma_start3A_12 = tpu.memref_slice %arg2[%dma_start3A_10, %dma_start3A_11] : memref<5000x144xf32, #tpu.memory_space<hbm>> -> memref<5000x144xf32, #tpu.memory_space<hbm>>
    tpu.enqueue_indirect_dma source(%dma_start3A_12 : memref<5000x144xf32, #tpu.memory_space<hbm>>) target(%arg9 : memref<64x144xf32, #tpu.memory_space<vmem>>) offsets(%dma_start3A_9 : memref<64xi32, #tpu.memory_space<vmem>>) semaphore(%arg12 : memref<!tpu.dma_semaphore, #tpu.memory_space<semaphore_mem>>)
    %scan3A = arith.constant 0 : i32
    %scan3A_13 = arith.constant 1 : i32
    %scan3A_14 = arith.constant 78 : i32
    %scan3A_15 = arith.addi %scan3A_13, %scan3A_14 : i32
    %scan3A_16 = arith.constant 1 : i32
    scf.for %scan3A_47 = %scan3A_13 to %scan3A_15 step %scan3A_16  : i32 {
      %mul3A_48 = arith.constant 2 : i32
      %mul3A_49 = arith.muli %mul3A_48, %scan3A_47 : i32
      %sub3A = arith.constant 1 : i32
      %sub3A_50 = arith.subi %mul3A_49, %sub3A : i32
      %dma_start3A_51 = arith.constant 0 : i32
      %dma_start3A_52 = tpu.memref_slice %arg7[%sub3A_50, %dma_start3A_51] : memref<158x64xi32, #tpu.memory_space<vmem>> -> memref<1x64xi32, #tpu.memory_space<vmem>>
      %dma_start3A_53 = tpu.memref_squeeze %dma_start3A_52 : memref<1x64xi32, #tpu.memory_space<vmem>> -> memref<64xi32, #tpu.memory_space<vmem>>
      %dma_start3A_54 = arith.constant 0 : i32
      %dma_start3A_55 = arith.constant 0 : i32
      %dma_start3A_56 = tpu.memref_slice %arg2[%dma_start3A_54, %dma_start3A_55] : memref<5000x144xf32, #tpu.memory_space<hbm>> -> memref<5000x144xf32, #tpu.memory_space<hbm>>
      tpu.enqueue_indirect_dma source(%dma_start3A_56 : memref<5000x144xf32, #tpu.memory_space<hbm>>) target(%arg10 : memref<64x144xf32, #tpu.memory_space<vmem>>) offsets(%dma_start3A_53 : memref<64xi32, #tpu.memory_space<vmem>>) semaphore(%arg13 : memref<!tpu.dma_semaphore, #tpu.memory_space<semaphore_mem>>)
      %sub3A_57 = arith.constant 1 : i32
      %sub3A_58 = arith.subi %sub3A_50, %sub3A_57 : i32
      %dma_wait3A_59 = arith.constant 0 : i32
      %dma_wait3A_60 = tpu.memref_slice %arg7[%sub3A_58, %dma_wait3A_59] : memref<158x64xi32, #tpu.memory_space<vmem>> -> memref<1x64xi32, #tpu.memory_space<vmem>>
      %dma_wait3A_61 = tpu.memref_squeeze %dma_wait3A_60 : memref<1x64xi32, #tpu.memory_space<vmem>> -> memref<64xi32, #tpu.memory_space<vmem>>
      %dma_wait3A_62 = arith.constant 0 : i32
      %dma_wait3A_63 = arith.constant 0 : i32
      %dma_wait3A_64 = tpu.memref_slice %arg2[%dma_wait3A_62, %dma_wait3A_63] : memref<5000x144xf32, #tpu.memory_space<hbm>> -> memref<5000x144xf32, #tpu.memory_space<hbm>>
      tpu.wait_indirect_dma semaphore(%arg12 : memref<!tpu.dma_semaphore, #tpu.memory_space<semaphore_mem>>) src(%dma_wait3A_64 : memref<5000x144xf32, #tpu.memory_space<hbm>>) dst(%arg9 : memref<64x144xf32, #tpu.memory_space<vmem>>)
      %sub3A_65 = arith.constant 1 : i32
      %sub3A_66 = arith.subi %sub3A_50, %sub3A_65 : i32
      "tpu.region"() ({
        %run_scoped3A_81 = tpu.sem_alloc : memref<!tpu.dma_semaphore, #tpu.memory_space<semaphore_mem>>
        %dma_start3A_82 = arith.constant 0 : i32
        %dma_start3A_83 = tpu.memref_slice %arg8[%sub3A_66, %dma_start3A_82] : memref<158x64xi32, #tpu.memory_space<vmem>> -> memref<1x64xi32, #tpu.memory_space<vmem>>
        %dma_start3A_84 = tpu.memref_squeeze %dma_start3A_83 : memref<1x64xi32, #tpu.memory_space<vmem>> -> memref<64xi32, #tpu.memory_space<vmem>>
        %dma_start3A_85 = arith.constant 0 : i32
        %dma_start3A_86 = arith.constant 0 : i32
        %dma_start3A_87 = tpu.memref_slice %arg11[%dma_start3A_85, %dma_start3A_86] : memref<10112x144xf32, #tpu.memory_space<vmem_shared>> -> memref<10112x144xf32, #tpu.memory_space<vmem_shared>>
        tpu.enqueue_indirect_dma source(%arg9 : memref<64x144xf32, #tpu.memory_space<vmem>>) target(%dma_start3A_87 : memref<10112x144xf32, #tpu.memory_space<vmem_shared>>) offsets(%dma_start3A_84 : memref<64xi32, #tpu.memory_space<vmem>>) semaphore(%run_scoped3A_81 : memref<!tpu.dma_semaphore, #tpu.memory_space<semaphore_mem>>) {add = true}
        %dma_wait3A_88 = arith.constant 0 : i32
        %dma_wait3A_89 = tpu.memref_slice %arg8[%sub3A_66, %dma_wait3A_88] : memref<158x64xi32, #tpu.memory_space<vmem>> -> memref<1x64xi32, #tpu.memory_space<vmem>>
        %dma_wait3A_90 = tpu.memref_squeeze %dma_wait3A_89 : memref<1x64xi32, #tpu.memory_space<vmem>> -> memref<64xi32, #tpu.memory_space<vmem>>
        %dma_wait3A_91 = arith.constant 0 : i32
        %dma_wait3A_92 = arith.constant 0 : i32
        %dma_wait3A_93 = tpu.memref_slice %arg11[%dma_wait3A_91, %dma_wait3A_92] : memref<10112x144xf32, #tpu.memory_space<vmem_shared>> -> memref<10112x144xf32, #tpu.memory_space<vmem_shared>>
        tpu.wait_indirect_dma semaphore(%run_scoped3A_81 : memref<!tpu.dma_semaphore, #tpu.memory_space<semaphore_mem>>) src(%arg9 : memref<64x144xf32, #tpu.memory_space<vmem>>) dst(%dma_wait3A_93 : memref<10112x144xf32, #tpu.memory_space<vmem_shared>>)
        tpu.yield
      }) : () -> ()
      %add3A_67 = arith.constant 1 : i32
      %add3A_68 = arith.addi %sub3A_50, %add3A_67 : i32
      %dma_start3A_69 = arith.constant 0 : i32
      %dma_start3A_70 = tpu.memref_slice %arg7[%add3A_68, %dma_start3A_69] : memref<158x64xi32, #tpu.memory_space<vmem>> -> memref<1x64xi32, #tpu.memory_space<vmem>>
      %dma_start3A_71 = tpu.memref_squeeze %dma_start3A_70 : memref<1x64xi32, #tpu.memory_space<vmem>> -> memref<64xi32, #tpu.memory_space<vmem>>
      %dma_start3A_72 = arith.constant 0 : i32
      %dma_start3A_73 = arith.constant 0 : i32
      %dma_start3A_74 = tpu.memref_slice %arg2[%dma_start3A_72, %dma_start3A_73] : memref<5000x144xf32, #tpu.memory_space<hbm>> -> memref<5000x144xf32, #tpu.memory_space<hbm>>
      tpu.enqueue_indirect_dma source(%dma_start3A_74 : memref<5000x144xf32, #tpu.memory_space<hbm>>) target(%arg9 : memref<64x144xf32, #tpu.memory_space<vmem>>) offsets(%dma_start3A_71 : memref<64xi32, #tpu.memory_space<vmem>>) semaphore(%arg12 : memref<!tpu.dma_semaphore, #tpu.memory_space<semaphore_mem>>)
      %dma_wait3A_75 = arith.constant 0 : i32
      %dma_wait3A_76 = tpu.memref_slice %arg7[%sub3A_50, %dma_wait3A_75] : memref<158x64xi32, #tpu.memory_space<vmem>> -> memref<1x64xi32, #tpu.memory_space<vmem>>
      %dma_wait3A_77 = tpu.memref_squeeze %dma_wait3A_76 : memref<1x64xi32, #tpu.memory_space<vmem>> -> memref<64xi32, #tpu.memory_space<vmem>>
      %dma_wait3A_78 = arith.constant 0 : i32
      %dma_wait3A_79 = arith.constant 0 : i32
      %dma_wait3A_80 = tpu.memref_slice %arg2[%dma_wait3A_78, %dma_wait3A_79] : memref<5000x144xf32, #tpu.memory_space<hbm>> -> memref<5000x144xf32, #tpu.memory_space<hbm>>
      tpu.wait_indirect_dma semaphore(%arg13 : memref<!tpu.dma_semaphore, #tpu.memory_space<semaphore_mem>>) src(%dma_wait3A_80 : memref<5000x144xf32, #tpu.memory_space<hbm>>) dst(%arg10 : memref<64x144xf32, #tpu.memory_space<vmem>>)
      "tpu.region"() ({
        %run_scoped3A_81 = tpu.sem_alloc : memref<!tpu.dma_semaphore, #tpu.memory_space<semaphore_mem>>
        %dma_start3A_82 = arith.constant 0 : i32
        %dma_start3A_83 = tpu.memref_slice %arg8[%sub3A_50, %dma_start3A_82] : memref<158x64xi32, #tpu.memory_space<vmem>> -> memref<1x64xi32, #tpu.memory_space<vmem>>
        %dma_start3A_84 = tpu.memref_squeeze %dma_start3A_83 : memref<1x64xi32, #tpu.memory_space<vmem>> -> memref<64xi32, #tpu.memory_space<vmem>>
        %dma_start3A_85 = arith.constant 0 : i32
        %dma_start3A_86 = arith.constant 0 : i32
        %dma_start3A_87 = tpu.memref_slice %arg11[%dma_start3A_85, %dma_start3A_86] : memref<10112x144xf32, #tpu.memory_space<vmem_shared>> -> memref<10112x144xf32, #tpu.memory_space<vmem_shared>>
        tpu.enqueue_indirect_dma source(%arg10 : memref<64x144xf32, #tpu.memory_space<vmem>>) target(%dma_start3A_87 : memref<10112x144xf32, #tpu.memory_space<vmem_shared>>) offsets(%dma_start3A_84 : memref<64xi32, #tpu.memory_space<vmem>>) semaphore(%run_scoped3A_81 : memref<!tpu.dma_semaphore, #tpu.memory_space<semaphore_mem>>) {add = true}
        %dma_wait3A_88 = arith.constant 0 : i32
        %dma_wait3A_89 = tpu.memref_slice %arg8[%sub3A_50, %dma_wait3A_88] : memref<158x64xi32, #tpu.memory_space<vmem>> -> memref<1x64xi32, #tpu.memory_space<vmem>>
        %dma_wait3A_90 = tpu.memref_squeeze %dma_wait3A_89 : memref<1x64xi32, #tpu.memory_space<vmem>> -> memref<64xi32, #tpu.memory_space<vmem>>
        %dma_wait3A_91 = arith.constant 0 : i32
        %dma_wait3A_92 = arith.constant 0 : i32
        %dma_wait3A_93 = tpu.memref_slice %arg11[%dma_wait3A_91, %dma_wait3A_92] : memref<10112x144xf32, #tpu.memory_space<vmem_shared>> -> memref<10112x144xf32, #tpu.memory_space<vmem_shared>>
        tpu.wait_indirect_dma semaphore(%run_scoped3A_81 : memref<!tpu.dma_semaphore, #tpu.memory_space<semaphore_mem>>) src(%arg10 : memref<64x144xf32, #tpu.memory_space<vmem>>) dst(%dma_wait3A_93 : memref<10112x144xf32, #tpu.memory_space<vmem_shared>>)
        tpu.yield
      }) : () -> ()
    }
    %scan3A_17 = arith.constant 78 : i32
    %dma_start3A_18 = arith.constant 157 : i32
    %dma_start3A_19 = arith.constant 0 : i32
    %dma_start3A_20 = tpu.memref_slice %arg7[%dma_start3A_18, %dma_start3A_19] : memref<158x64xi32, #tpu.memory_space<vmem>> -> memref<1x64xi32, #tpu.memory_space<vmem>>
    %dma_start3A_21 = tpu.memref_squeeze %dma_start3A_20 : memref<1x64xi32, #tpu.memory_space<vmem>> -> memref<64xi32, #tpu.memory_space<vmem>>
    %dma_start3A_22 = arith.constant 0 : i32
    %dma_start3A_23 = arith.constant 0 : i32
    %dma_start3A_24 = tpu.memref_slice %arg2[%dma_start3A_22, %dma_start3A_23] : memref<5000x144xf32, #tpu.memory_space<hbm>> -> memref<5000x144xf32, #tpu.memory_space<hbm>>
    tpu.enqueue_indirect_dma source(%dma_start3A_24 : memref<5000x144xf32, #tpu.memory_space<hbm>>) target(%arg10 : memref<64x144xf32, #tpu.memory_space<vmem>>) offsets(%dma_start3A_21 : memref<64xi32, #tpu.memory_space<vmem>>) semaphore(%arg13 : memref<!tpu.dma_semaphore, #tpu.memory_space<semaphore_mem>>)
    %dma_wait3A = arith.constant 156 : i32
    %dma_wait3A_25 = arith.constant 0 : i32
    %dma_wait3A_26 = tpu.memref_slice %arg7[%dma_wait3A, %dma_wait3A_25] : memref<158x64xi32, #tpu.memory_space<vmem>> -> memref<1x64xi32, #tpu.memory_space<vmem>>
    %dma_wait3A_27 = tpu.memref_squeeze %dma_wait3A_26 : memref<1x64xi32, #tpu.memory_space<vmem>> -> memref<64xi32, #tpu.memory_space<vmem>>
    %dma_wait3A_28 = arith.constant 0 : i32
    %dma_wait3A_29 = arith.constant 0 : i32
    %dma_wait3A_30 = tpu.memref_slice %arg2[%dma_wait3A_28, %dma_wait3A_29] : memref<5000x144xf32, #tpu.memory_space<hbm>> -> memref<5000x144xf32, #tpu.memory_space<hbm>>
    tpu.wait_indirect_dma semaphore(%arg12 : memref<!tpu.dma_semaphore, #tpu.memory_space<semaphore_mem>>) src(%dma_wait3A_30 : memref<5000x144xf32, #tpu.memory_space<hbm>>) dst(%arg9 : memref<64x144xf32, #tpu.memory_space<vmem>>)
    %run_scoped3A = arith.constant 156 : i32
    "tpu.region"() ({
      %run_scoped3A_47 = tpu.sem_alloc : memref<!tpu.dma_semaphore, #tpu.memory_space<semaphore_mem>>
      %dma_start3A_48 = arith.constant 0 : i32
      %dma_start3A_49 = tpu.memref_slice %arg8[%run_scoped3A, %dma_start3A_48] : memref<158x64xi32, #tpu.memory_space<vmem>> -> memref<1x64xi32, #tpu.memory_space<vmem>>
      %dma_start3A_50 = tpu.memref_squeeze %dma_start3A_49 : memref<1x64xi32, #tpu.memory_space<vmem>> -> memref<64xi32, #tpu.memory_space<vmem>>
      %dma_start3A_51 = arith.constant 0 : i32
      %dma_start3A_52 = arith.constant 0 : i32
      %dma_start3A_53 = tpu.memref_slice %arg11[%dma_start3A_51, %dma_start3A_52] : memref<10112x144xf32, #tpu.memory_space<vmem_shared>> -> memref<10112x144xf32, #tpu.memory_space<vmem_shared>>
      tpu.enqueue_indirect_dma source(%arg9 : memref<64x144xf32, #tpu.memory_space<vmem>>) target(%dma_start3A_53 : memref<10112x144xf32, #tpu.memory_space<vmem_shared>>) offsets(%dma_start3A_50 : memref<64xi32, #tpu.memory_space<vmem>>) semaphore(%run_scoped3A_47 : memref<!tpu.dma_semaphore, #tpu.memory_space<semaphore_mem>>) {add = true}
      %dma_wait3A_54 = arith.constant 0 : i32
      %dma_wait3A_55 = tpu.memref_slice %arg8[%run_scoped3A, %dma_wait3A_54] : memref<158x64xi32, #tpu.memory_space<vmem>> -> memref<1x64xi32, #tpu.memory_space<vmem>>
      %dma_wait3A_56 = tpu.memref_squeeze %dma_wait3A_55 : memref<1x64xi32, #tpu.memory_space<vmem>> -> memref<64xi32, #tpu.memory_space<vmem>>
      %dma_wait3A_57 = arith.constant 0 : i32
      %dma_wait3A_58 = arith.constant 0 : i32
      %dma_wait3A_59 = tpu.memref_slice %arg11[%dma_wait3A_57, %dma_wait3A_58] : memref<10112x144xf32, #tpu.memory_space<vmem_shared>> -> memref<10112x144xf32, #tpu.memory_space<vmem_shared>>
      tpu.wait_indirect_dma semaphore(%run_scoped3A_47 : memref<!tpu.dma_semaphore, #tpu.memory_space<semaphore_mem>>) src(%arg9 : memref<64x144xf32, #tpu.memory_space<vmem>>) dst(%dma_wait3A_59 : memref<10112x144xf32, #tpu.memory_space<vmem_shared>>)
      tpu.yield
    }) : () -> ()
    %dma_wait3A_31 = arith.constant 157 : i32
    %dma_wait3A_32 = arith.constant 0 : i32
    %dma_wait3A_33 = tpu.memref_slice %arg7[%dma_wait3A_31, %dma_wait3A_32] : memref<158x64xi32, #tpu.memory_space<vmem>> -> memref<1x64xi32, #tpu.memory_space<vmem>>
    %dma_wait3A_34 = tpu.memref_squeeze %dma_wait3A_33 : memref<1x64xi32, #tpu.memory_space<vmem>> -> memref<64xi32, #tpu.memory_space<vmem>>
    %dma_wait3A_35 = arith.constant 0 : i32
    %dma_wait3A_36 = arith.constant 0 : i32
    %dma_wait3A_37 = tpu.memref_slice %arg2[%dma_wait3A_35, %dma_wait3A_36] : memref<5000x144xf32, #tpu.memory_space<hbm>> -> memref<5000x144xf32, #tpu.memory_space<hbm>>
    tpu.wait_indirect_dma semaphore(%arg13 : memref<!tpu.dma_semaphore, #tpu.memory_space<semaphore_mem>>) src(%dma_wait3A_37 : memref<5000x144xf32, #tpu.memory_space<hbm>>) dst(%arg10 : memref<64x144xf32, #tpu.memory_space<vmem>>)
    %run_scoped3A_38 = arith.constant 157 : i32
    "tpu.region"() ({
      %run_scoped3A_47 = tpu.sem_alloc : memref<!tpu.dma_semaphore, #tpu.memory_space<semaphore_mem>>
      %dma_start3A_48 = arith.constant 0 : i32
      %dma_start3A_49 = tpu.memref_slice %arg8[%run_scoped3A_38, %dma_start3A_48] : memref<158x64xi32, #tpu.memory_space<vmem>> -> memref<1x64xi32, #tpu.memory_space<vmem>>
      %dma_start3A_50 = tpu.memref_squeeze %dma_start3A_49 : memref<1x64xi32, #tpu.memory_space<vmem>> -> memref<64xi32, #tpu.memory_space<vmem>>
      %dma_start3A_51 = arith.constant 0 : i32
      %dma_start3A_52 = arith.constant 0 : i32
      %dma_start3A_53 = tpu.memref_slice %arg11[%dma_start3A_51, %dma_start3A_52] : memref<10112x144xf32, #tpu.memory_space<vmem_shared>> -> memref<10112x144xf32, #tpu.memory_space<vmem_shared>>
      tpu.enqueue_indirect_dma source(%arg10 : memref<64x144xf32, #tpu.memory_space<vmem>>) target(%dma_start3A_53 : memref<10112x144xf32, #tpu.memory_space<vmem_shared>>) offsets(%dma_start3A_50 : memref<64xi32, #tpu.memory_space<vmem>>) semaphore(%run_scoped3A_47 : memref<!tpu.dma_semaphore, #tpu.memory_space<semaphore_mem>>) {add = true}
      %dma_wait3A_54 = arith.constant 0 : i32
      %dma_wait3A_55 = tpu.memref_slice %arg8[%run_scoped3A_38, %dma_wait3A_54] : memref<158x64xi32, #tpu.memory_space<vmem>> -> memref<1x64xi32, #tpu.memory_space<vmem>>
      %dma_wait3A_56 = tpu.memref_squeeze %dma_wait3A_55 : memref<1x64xi32, #tpu.memory_space<vmem>> -> memref<64xi32, #tpu.memory_space<vmem>>
      %dma_wait3A_57 = arith.constant 0 : i32
      %dma_wait3A_58 = arith.constant 0 : i32
      %dma_wait3A_59 = tpu.memref_slice %arg11[%dma_wait3A_57, %dma_wait3A_58] : memref<10112x144xf32, #tpu.memory_space<vmem_shared>> -> memref<10112x144xf32, #tpu.memory_space<vmem_shared>>
      tpu.wait_indirect_dma semaphore(%run_scoped3A_47 : memref<!tpu.dma_semaphore, #tpu.memory_space<semaphore_mem>>) src(%arg10 : memref<64x144xf32, #tpu.memory_space<vmem>>) dst(%dma_wait3A_59 : memref<10112x144xf32, #tpu.memory_space<vmem_shared>>)
      tpu.yield
    }) : () -> ()
    %barrier3A_39 = arith.constant 0 : index
    tpu.barrier barrier_id(%barrier3A_39)
    %mul3A_40 = arith.constant 10112 : i32
    %mul3A_41 = arith.muli %arg0, %mul3A_40 : i32
    %mul3A_42 = arith.constant 632 : i32
    %mul3A_43 = arith.muli %arg1, %mul3A_42 : i32
    %add3A_44 = arith.addi %mul3A_41, %mul3A_43 : i32
    %mul3A_45 = arith.constant 632 : i32
    %mul3A_46 = arith.muli %arg1, %mul3A_45 : i32
    "tpu.region"() ({
      %run_scoped3A_47 = tpu.sem_alloc : memref<!tpu.dma_semaphore, #tpu.memory_space<semaphore_mem>>
      %dma_start3A_48 = arith.constant 0 : i32
      %dma_start3A_49 = tpu.memref_slice %arg6[%add3A_44, %dma_start3A_48] : memref<20224x144xf32, #tpu.memory_space<hbm>> -> memref<632x144xf32, #tpu.memory_space<hbm>>
      %dma_start3A_50 = arith.constant 0 : i32
      %dma_start3A_51 = tpu.memref_slice %arg11[%mul3A_46, %dma_start3A_50] : memref<10112x144xf32, #tpu.memory_space<vmem_shared>> -> memref<632x144xf32, #tpu.memory_space<vmem_shared>>
      tpu.enqueue_dma source(%dma_start3A_51 : memref<632x144xf32, #tpu.memory_space<vmem_shared>>) target(%dma_start3A_49 : memref<632x144xf32, #tpu.memory_space<hbm>>) target_semaphore(%run_scoped3A_47 : memref<!tpu.dma_semaphore, #tpu.memory_space<semaphore_mem>>)
      %dma_wait3A_52 = arith.constant 0 : i32
      %dma_wait3A_53 = tpu.memref_slice %arg6[%add3A_44, %dma_wait3A_52] : memref<20224x144xf32, #tpu.memory_space<hbm>> -> memref<632x144xf32, #tpu.memory_space<hbm>>
      %dma_wait3A_54 = arith.constant 0 : i32
      %dma_wait3A_55 = tpu.memref_slice %arg11[%mul3A_46, %dma_wait3A_54] : memref<10112x144xf32, #tpu.memory_space<vmem_shared>> -> memref<632x144xf32, #tpu.memory_space<vmem_shared>>
      tpu.wait_dma2 semaphore(%run_scoped3A_47 : memref<!tpu.dma_semaphore, #tpu.memory_space<semaphore_mem>>) src(%dma_wait3A_55 : memref<632x144xf32, #tpu.memory_space<vmem_shared>>) dst(%dma_wait3A_53 : memref<632x144xf32, #tpu.memory_space<hbm>>)
      tpu.yield
    }) : () -> ()
    return
  }
}

module attributes {stable_mosaic.version = 14 : i64} {
  func.func @_t0_body(%arg0: memref<10000x128xf32, #tpu.memory_space<vmem>>, %arg1: memref<1x128xf32, #tpu.memory_space<vmem>>, %arg2: memref<1x128xf32, #tpu.memory_space<vmem>>, %arg3: memref<1x128xf32, #tpu.memory_space<vmem>>, %arg4: memref<1x128xf32, #tpu.memory_space<vmem>>, %arg5: memref<128x128xf32, #tpu.memory_space<vmem>>, %arg6: memref<128x128xf32, #tpu.memory_space<vmem>>, %arg7: memref<1x128xf32, #tpu.memory_space<vmem>>, %arg8: memref<128x4xf32, #tpu.memory_space<vmem>>, %arg9: memref<4x128xf32, #tpu.memory_space<vmem>>, %arg10: memref<10000x144xf32, #tpu.memory_space<vmem>>) attributes {dimension_semantics = [], scalar_prefetch = 0 : i64, scratch_operands = 0 : i64, tpu.core_type = #tpu.core_type<tc>} {
    %get3A = arith.constant 0 : index
    %get3A_0 = arith.constant 0 : index
    %get3A_1 = vector.load %arg0[%get3A, %get3A_0] : memref<10000x128xf32, #tpu.memory_space<vmem>>, vector<10000x128xf32>
    %get3A_2 = arith.constant 0 : index
    %get3A_3 = arith.constant 0 : index
    %get3A_4 = vector.load %arg3[%get3A_2, %get3A_3] : memref<1x128xf32, #tpu.memory_space<vmem>>, vector<1x128xf32>
    %sub3A = vector.broadcast %get3A_4 : vector<1x128xf32> to vector<10000x128xf32>
    %sub3A_5 = arith.subf %get3A_1, %sub3A : vector<10000x128xf32>
    %get3A_6 = arith.constant 0 : index
    %get3A_7 = arith.constant 0 : index
    %get3A_8 = vector.load %arg4[%get3A_6, %get3A_7] : memref<1x128xf32, #tpu.memory_space<vmem>>, vector<1x128xf32>
    %add3A = arith.constant 9.99999974E-6 : f32
    %add3A_9 = vector.broadcast %add3A : f32 to vector<1x128xf32>
    %add3A_10 = arith.addf %get3A_8, %add3A_9 : vector<1x128xf32>
    %rsqrt3A = math.rsqrt %add3A_10 : vector<1x128xf32>
    %mul3A = vector.broadcast %rsqrt3A : vector<1x128xf32> to vector<10000x128xf32>
    %mul3A_11 = arith.mulf %sub3A_5, %mul3A : vector<10000x128xf32>
    %get3A_12 = arith.constant 0 : index
    %get3A_13 = arith.constant 0 : index
    %get3A_14 = vector.load %arg1[%get3A_12, %get3A_13] : memref<1x128xf32, #tpu.memory_space<vmem>>, vector<1x128xf32>
    %mul3A_15 = vector.broadcast %get3A_14 : vector<1x128xf32> to vector<10000x128xf32>
    %mul3A_16 = arith.mulf %mul3A_11, %mul3A_15 : vector<10000x128xf32>
    %get3A_17 = arith.constant 0 : index
    %get3A_18 = arith.constant 0 : index
    %get3A_19 = vector.load %arg2[%get3A_17, %get3A_18] : memref<1x128xf32, #tpu.memory_space<vmem>>, vector<1x128xf32>
    %add3A_20 = vector.broadcast %get3A_19 : vector<1x128xf32> to vector<10000x128xf32>
    %add3A_21 = arith.addf %mul3A_16, %add3A_20 : vector<10000x128xf32>
    %get3A_22 = arith.constant 0 : index
    %get3A_23 = arith.constant 0 : index
    %get3A_24 = vector.load %arg5[%get3A_22, %get3A_23] : memref<128x128xf32, #tpu.memory_space<vmem>>, vector<128x128xf32>
    %get3A_25 = arith.constant 0 : index
    %get3A_26 = arith.constant 0 : index
    %get3A_27 = vector.load %arg6[%get3A_25, %get3A_26] : memref<128x128xf32, #tpu.memory_space<vmem>>, vector<128x128xf32>
    %get3A_28 = arith.constant 0 : index
    %get3A_29 = arith.constant 0 : index
    %get3A_30 = vector.load %arg7[%get3A_28, %get3A_29] : memref<1x128xf32, #tpu.memory_space<vmem>>, vector<1x128xf32>
    %get3A_31 = arith.constant 0 : index
    %get3A_32 = arith.constant 0 : index
    %get3A_33 = vector.load %arg8[%get3A_31, %get3A_32] : memref<128x4xf32, #tpu.memory_space<vmem>>, vector<128x4xf32>
    %get3A_34 = arith.constant 0 : index
    %get3A_35 = arith.constant 0 : index
    %get3A_36 = vector.load %arg9[%get3A_34, %get3A_35] : memref<4x128xf32, #tpu.memory_space<vmem>>, vector<4x128xf32>
    %dot_general3A = arith.constant dense<0.000000e+00> : vector<10000x128xf32>
    %dot_general3A_37 = tpu.matmul %add3A_21, %get3A_24, %dot_general3A {dimension_numbers = #tpu.dot_dimension_numbers<[1], [0], [0], [1], [0, 0, 1, 1], [], []>, transpose_lhs_hint = false} : vector<10000x128xf32>, vector<128x128xf32>, vector<10000x128xf32> -> vector<10000x128xf32>
    %mul3A_38 = vector.broadcast %get3A_30 : vector<1x128xf32> to vector<10000x128xf32>
    %mul3A_39 = arith.mulf %dot_general3A_37, %mul3A_38 : vector<10000x128xf32>
    %dot_general3A_40 = arith.constant dense<0.000000e+00> : vector<10000x4xf32>
    %dot_general3A_41 = tpu.matmul %mul3A_39, %get3A_33, %dot_general3A_40 {dimension_numbers = #tpu.dot_dimension_numbers<[1], [0], [0], [1], [0, 0, 1, 1], [], []>, transpose_lhs_hint = false} : vector<10000x128xf32>, vector<128x4xf32>, vector<10000x4xf32> -> vector<10000x4xf32>
    %reduce_max3A = arith.constant dense<0xFF800000> : vector<4xf32>
    %reduce_max3A_42 = vector.multi_reduction <maximumf>, %dot_general3A_41, %reduce_max3A [0] : vector<10000x4xf32> to vector<4xf32>
    %broadcast_in_dim3A = vector.shape_cast %reduce_max3A_42 : vector<4xf32> to vector<1x4xf32>
    %sub3A_43 = vector.broadcast %broadcast_in_dim3A : vector<1x4xf32> to vector<10000x4xf32>
    %sub3A_44 = arith.subf %dot_general3A_41, %sub3A_43 : vector<10000x4xf32>
    %exp3A = math.exp %sub3A_44 : vector<10000x4xf32>
    %dot_general3A_45 = arith.constant dense<0.000000e+00> : vector<10000x128xf32>
    %dot_general3A_46 = tpu.matmul %add3A_21, %get3A_27, %dot_general3A_45 {dimension_numbers = #tpu.dot_dimension_numbers<[1], [0], [0], [1], [0, 0, 1, 1], [], []>, transpose_lhs_hint = false} : vector<10000x128xf32>, vector<128x128xf32>, vector<10000x128xf32> -> vector<10000x128xf32>
    %dot_general3A_47 = arith.constant dense<0.000000e+00> : vector<10000x128xf32>
    %dot_general3A_48 = tpu.matmul %exp3A, %get3A_36, %dot_general3A_47 {dimension_numbers = #tpu.dot_dimension_numbers<[1], [0], [0], [1], [0, 0, 1, 1], [], []>, transpose_lhs_hint = false} : vector<10000x4xf32>, vector<4x128xf32>, vector<10000x128xf32> -> vector<10000x128xf32>
    %broadcast_in_dim3A_49 = arith.constant 0.000000e+00 : f32
    %broadcast_in_dim3A_50 = vector.broadcast %broadcast_in_dim3A_49 : f32 to vector<10000x12xf32>
    %mul3A_51 = arith.mulf %dot_general3A_46, %dot_general3A_48 : vector<10000x128xf32>
    %concatenate3A = tpu.concatenate %mul3A_51, %exp3A, %broadcast_in_dim3A_50 in 1 : vector<10000x128xf32>, vector<10000x4xf32>, vector<10000x12xf32> -> vector<10000x144xf32>
    %swap3A = arith.constant 0 : index
    %swap3A_52 = arith.constant 0 : index
    %swap3A_53 = vector.load %arg10[%swap3A, %swap3A_52] : memref<10000x144xf32, #tpu.memory_space<vmem>>, vector<10000x144xf32>
    tpu.vector_store %arg10[%swap3A, %swap3A_52], %concatenate3A {strides = array<i32>} : memref<10000x144xf32, #tpu.memory_space<vmem>>, vector<10000x144xf32>,
    return
  }
}

module attributes {stable_mosaic.version = 14 : i64} {
  func.func @_tmid_body(%arg0: memref<5000x144xf32, #tpu.memory_space<vmem>>, %arg1: memref<5000x144xf32, #tpu.memory_space<vmem>>, %arg2: memref<1x128xf32, #tpu.memory_space<vmem>>, %arg3: memref<1x128xf32, #tpu.memory_space<vmem>>, %arg4: memref<1x128xf32, #tpu.memory_space<vmem>>, %arg5: memref<128x128xf32, #tpu.memory_space<vmem>>, %arg6: memref<1x128xf32, #tpu.memory_space<vmem>>, %arg7: memref<1x128xf32, #tpu.memory_space<vmem>>, %arg8: memref<1x128xf32, #tpu.memory_space<vmem>>, %arg9: memref<128x128xf32, #tpu.memory_space<vmem>>, %arg10: memref<128x128xf32, #tpu.memory_space<vmem>>, %arg11: memref<1x128xf32, #tpu.memory_space<vmem>>, %arg12: memref<128x4xf32, #tpu.memory_space<vmem>>, %arg13: memref<4x128xf32, #tpu.memory_space<vmem>>, %arg14: memref<5000x144xf32, #tpu.memory_space<vmem>>, %arg15: memref<5000x128xf32, #tpu.memory_space<vmem>>) attributes {dimension_semantics = [], scalar_prefetch = 0 : i64, scratch_operands = 0 : i64, tpu.core_type = #tpu.core_type<tc>} {
    %get3A = arith.constant 0 : index
    %get3A_0 = arith.constant 0 : index
    %get3A_1 = vector.load %arg0[%get3A, %get3A_0] : memref<5000x144xf32, #tpu.memory_space<vmem>>, vector<5000x144xf32>
    %get3A_2 = arith.constant 0 : index
    %get3A_3 = arith.constant 0 : index
    %get3A_4 = vector.load %arg1[%get3A_2, %get3A_3] : memref<5000x144xf32, #tpu.memory_space<vmem>>, vector<5000x144xf32>
    %get3A_5 = arith.constant 0 : index
    %get3A_6 = arith.constant 0 : index
    %get3A_7 = vector.load %arg2[%get3A_5, %get3A_6] : memref<1x128xf32, #tpu.memory_space<vmem>>, vector<1x128xf32>
    %get3A_8 = arith.constant 0 : index
    %get3A_9 = arith.constant 0 : index
    %get3A_10 = vector.load %arg13[%get3A_8, %get3A_9] : memref<4x128xf32, #tpu.memory_space<vmem>>, vector<4x128xf32>
    %get3A_11 = arith.constant 0 : index
    %get3A_12 = arith.constant 0 : index
    %get3A_13 = vector.load %arg3[%get3A_11, %get3A_12] : memref<1x128xf32, #tpu.memory_space<vmem>>, vector<1x128xf32>
    %get3A_14 = arith.constant 0 : index
    %get3A_15 = arith.constant 0 : index
    %get3A_16 = vector.load %arg4[%get3A_14, %get3A_15] : memref<1x128xf32, #tpu.memory_space<vmem>>, vector<1x128xf32>
    %get3A_17 = arith.constant 0 : index
    %get3A_18 = arith.constant 0 : index
    %get3A_19 = vector.load %arg5[%get3A_17, %get3A_18] : memref<128x128xf32, #tpu.memory_space<vmem>>, vector<128x128xf32>
    %get3A_20 = arith.constant 0 : index
    %get3A_21 = arith.constant 0 : index
    %get3A_22 = vector.load %arg6[%get3A_20, %get3A_21] : memref<1x128xf32, #tpu.memory_space<vmem>>, vector<1x128xf32>
    %get3A_23 = arith.constant 0 : index
    %get3A_24 = arith.constant 0 : index
    %get3A_25 = vector.load %arg7[%get3A_23, %get3A_24] : memref<1x128xf32, #tpu.memory_space<vmem>>, vector<1x128xf32>
    %get3A_26 = arith.constant 0 : index
    %get3A_27 = arith.constant 0 : index
    %get3A_28 = vector.load %arg8[%get3A_26, %get3A_27] : memref<1x128xf32, #tpu.memory_space<vmem>>, vector<1x128xf32>
    %add3A = arith.addf %get3A_1, %get3A_4 : vector<5000x144xf32>
    %slice3A = vector.extract_strided_slice %add3A {offsets = [0, 128], sizes = [5000, 4], strides = [1, 1]} : vector<5000x144xf32> to vector<5000x4xf32>
    %dot_general3A = arith.constant dense<0.000000e+00> : vector<5000x128xf32>
    %dot_general3A_29 = tpu.matmul %slice3A, %get3A_10, %dot_general3A {dimension_numbers = #tpu.dot_dimension_numbers<[1], [0], [0], [1], [0, 0, 1, 1], [], []>, transpose_lhs_hint = false} : vector<5000x4xf32>, vector<4x128xf32>, vector<5000x128xf32> -> vector<5000x128xf32>
    %add3A_30 = arith.constant 1.000000e-16 : f32
    %add3A_31 = vector.broadcast %add3A_30 : f32 to vector<5000x128xf32>
    %add3A_32 = arith.addf %dot_general3A_29, %add3A_31 : vector<5000x128xf32>
    %slice3A_33 = vector.extract_strided_slice %add3A {offsets = [0, 0], sizes = [5000, 128], strides = [1, 1]} : vector<5000x144xf32> to vector<5000x128xf32>
    %div3A = arith.divf %slice3A_33, %add3A_32 : vector<5000x128xf32>
    %add3A_34 = vector.broadcast %get3A_7 : vector<1x128xf32> to vector<5000x128xf32>
    %add3A_35 = arith.addf %div3A, %add3A_34 : vector<5000x128xf32>
    %reduce_sum3A = arith.constant dense<0.000000e+00> : vector<5000xf32>
    %reduce_sum3A_36 = vector.multi_reduction <add>, %add3A_35, %reduce_sum3A [1] : vector<5000x128xf32> to vector<5000xf32>
    %broadcast_in_dim3A = vector.shape_cast %reduce_sum3A_36 : vector<5000xf32> to vector<5000x1xf32>
    %div3A_37 = arith.constant 1.280000e+02 : f32
    %div3A_38 = vector.broadcast %div3A_37 : f32 to vector<5000x1xf32>
    %div3A_39 = arith.divf %broadcast_in_dim3A, %div3A_38 : vector<5000x1xf32>
    %jit3A = arith.constant 0 : i32
    %reduce_sum3A_40 = arith.constant dense<0.000000e+00> : vector<5000xf32>
    %reduce_sum3A_41 = vector.multi_reduction <add>, %add3A_35, %reduce_sum3A_40 [1] : vector<5000x128xf32> to vector<5000xf32>
    %broadcast_in_dim3A_42 = vector.shape_cast %reduce_sum3A_41 : vector<5000xf32> to vector<5000x1xf32>
    %div3A_43 = arith.constant 1.280000e+02 : f32
    %div3A_44 = vector.broadcast %div3A_43 : f32 to vector<5000x1xf32>
    %div3A_45 = arith.divf %broadcast_in_dim3A_42, %div3A_44 : vector<5000x1xf32>
    %sub3A = vector.broadcast %div3A_45 : vector<5000x1xf32> to vector<5000x128xf32>
    %sub3A_46 = arith.subf %add3A_35, %sub3A : vector<5000x128xf32>
    %square3A = arith.mulf %sub3A_46, %sub3A_46 : vector<5000x128xf32>
    %convert_element_type3A = arith.sitofp %jit3A : i32 to f32
    %sub3A_47 = arith.constant 1.280000e+02 : f32
    %sub3A_48 = arith.subf %sub3A_47, %convert_element_type3A : f32
    %reduce_sum3A_49 = arith.constant dense<0.000000e+00> : vector<5000xf32>
    %reduce_sum3A_50 = vector.multi_reduction <add>, %square3A, %reduce_sum3A_49 [1] : vector<5000x128xf32> to vector<5000xf32>
    %broadcast_in_dim3A_51 = vector.shape_cast %reduce_sum3A_50 : vector<5000xf32> to vector<5000x1xf32>
    %div3A_52 = vector.broadcast %sub3A_48 : f32 to vector<5000x1xf32>
    %div3A_53 = arith.divf %broadcast_in_dim3A_51, %div3A_52 : vector<5000x1xf32>
    %gt3A = arith.constant 0.000000e+00 : f32
    %gt3A_54 = arith.cmpf ogt, %sub3A_48, %gt3A : f32
    %jit3A_55 = arith.constant 0x7FC00000 : f32
    %broadcast_in_dim3A_56 = vector.broadcast %jit3A_55 : f32 to vector<5000x1xf32>
    %select_n3A = arith.select %gt3A_54, %div3A_53, %broadcast_in_dim3A_56 : vector<5000x1xf32>
    %sub3A_57 = vector.broadcast %div3A_39 : vector<5000x1xf32> to vector<5000x128xf32>
    %sub3A_58 = arith.subf %add3A_35, %sub3A_57 : vector<5000x128xf32>
    %add3A_59 = arith.constant 9.99999974E-6 : f32
    %add3A_60 = vector.broadcast %add3A_59 : f32 to vector<5000x1xf32>
    %add3A_61 = arith.addf %select_n3A, %add3A_60 : vector<5000x1xf32>
    %sqrt3A = math.sqrt %add3A_61 : vector<5000x1xf32>
    %div3A_62 = vector.broadcast %sqrt3A : vector<5000x1xf32> to vector<5000x128xf32>
    %div3A_63 = arith.divf %sub3A_58, %div3A_62 : vector<5000x128xf32>
    %mul3A = vector.broadcast %get3A_13 : vector<1x128xf32> to vector<5000x128xf32>
    %mul3A_64 = arith.mulf %div3A_63, %mul3A : vector<5000x128xf32>
    %add3A_65 = vector.broadcast %get3A_16 : vector<1x128xf32> to vector<5000x128xf32>
    %add3A_66 = arith.addf %mul3A_64, %add3A_65 : vector<5000x128xf32>
    %dot_general3A_67 = arith.constant dense<0.000000e+00> : vector<5000x128xf32>
    %dot_general3A_68 = tpu.matmul %add3A_66, %get3A_19, %dot_general3A_67 {dimension_numbers = #tpu.dot_dimension_numbers<[1], [0], [0], [1], [0, 0, 1, 1], [], []>, transpose_lhs_hint = false} : vector<5000x128xf32>, vector<128x128xf32>, vector<5000x128xf32> -> vector<5000x128xf32>
    %add3A_69 = vector.broadcast %get3A_22 : vector<1x128xf32> to vector<5000x128xf32>
    %add3A_70 = arith.addf %dot_general3A_68, %add3A_69 : vector<5000x128xf32>
    %max3A = arith.constant 0.000000e+00 : f32
    %max3A_71 = vector.broadcast %max3A : f32 to vector<5000x128xf32>
    %max3A_72 = arith.maximumf %add3A_70, %max3A_71 : vector<5000x128xf32>
    %add3A_73 = arith.addf %add3A_66, %max3A_72 : vector<5000x128xf32>
    %reduce_sum3A_74 = arith.constant dense<0.000000e+00> : vector<5000xf32>
    %reduce_sum3A_75 = vector.multi_reduction <add>, %add3A_73, %reduce_sum3A_74 [1] : vector<5000x128xf32> to vector<5000xf32>
    %broadcast_in_dim3A_76 = vector.shape_cast %reduce_sum3A_75 : vector<5000xf32> to vector<5000x1xf32>
    %div3A_77 = arith.constant 1.280000e+02 : f32
    %div3A_78 = vector.broadcast %div3A_77 : f32 to vector<5000x1xf32>
    %div3A_79 = arith.divf %broadcast_in_dim3A_76, %div3A_78 : vector<5000x1xf32>
    %jit3A_80 = arith.constant 0 : i32
    %reduce_sum3A_81 = arith.constant dense<0.000000e+00> : vector<5000xf32>
    %reduce_sum3A_82 = vector.multi_reduction <add>, %add3A_73, %reduce_sum3A_81 [1] : vector<5000x128xf32> to vector<5000xf32>
    %broadcast_in_dim3A_83 = vector.shape_cast %reduce_sum3A_82 : vector<5000xf32> to vector<5000x1xf32>
    %div3A_84 = arith.constant 1.280000e+02 : f32
    %div3A_85 = vector.broadcast %div3A_84 : f32 to vector<5000x1xf32>
    %div3A_86 = arith.divf %broadcast_in_dim3A_83, %div3A_85 : vector<5000x1xf32>
    %sub3A_87 = vector.broadcast %div3A_86 : vector<5000x1xf32> to vector<5000x128xf32>
    %sub3A_88 = arith.subf %add3A_73, %sub3A_87 : vector<5000x128xf32>
    %square3A_89 = arith.mulf %sub3A_88, %sub3A_88 : vector<5000x128xf32>
    %convert_element_type3A_90 = arith.sitofp %jit3A_80 : i32 to f32
    %sub3A_91 = arith.constant 1.280000e+02 : f32
    %sub3A_92 = arith.subf %sub3A_91, %convert_element_type3A_90 : f32
    %reduce_sum3A_93 = arith.constant dense<0.000000e+00> : vector<5000xf32>
    %reduce_sum3A_94 = vector.multi_reduction <add>, %square3A_89, %reduce_sum3A_93 [1] : vector<5000x128xf32> to vector<5000xf32>
    %broadcast_in_dim3A_95 = vector.shape_cast %reduce_sum3A_94 : vector<5000xf32> to vector<5000x1xf32>
    %div3A_96 = vector.broadcast %sub3A_92 : f32 to vector<5000x1xf32>
    %div3A_97 = arith.divf %broadcast_in_dim3A_95, %div3A_96 : vector<5000x1xf32>
    %gt3A_98 = arith.constant 0.000000e+00 : f32
    %gt3A_99 = arith.cmpf ogt, %sub3A_92, %gt3A_98 : f32
    %jit3A_100 = arith.constant 0x7FC00000 : f32
    %broadcast_in_dim3A_101 = vector.broadcast %jit3A_100 : f32 to vector<5000x1xf32>
    %select_n3A_102 = arith.select %gt3A_99, %div3A_97, %broadcast_in_dim3A_101 : vector<5000x1xf32>
    %sub3A_103 = vector.broadcast %div3A_79 : vector<5000x1xf32> to vector<5000x128xf32>
    %sub3A_104 = arith.subf %add3A_73, %sub3A_103 : vector<5000x128xf32>
    %add3A_105 = arith.constant 9.99999974E-6 : f32
    %add3A_106 = vector.broadcast %add3A_105 : f32 to vector<5000x1xf32>
    %add3A_107 = arith.addf %select_n3A_102, %add3A_106 : vector<5000x1xf32>
    %sqrt3A_108 = math.sqrt %add3A_107 : vector<5000x1xf32>
    %div3A_109 = vector.broadcast %sqrt3A_108 : vector<5000x1xf32> to vector<5000x128xf32>
    %div3A_110 = arith.divf %sub3A_104, %div3A_109 : vector<5000x128xf32>
    %mul3A_111 = vector.broadcast %get3A_25 : vector<1x128xf32> to vector<5000x128xf32>
    %mul3A_112 = arith.mulf %div3A_110, %mul3A_111 : vector<5000x128xf32>
    %add3A_113 = vector.broadcast %get3A_28 : vector<1x128xf32> to vector<5000x128xf32>
    %add3A_114 = arith.addf %mul3A_112, %add3A_113 : vector<5000x128xf32>
    %gt3A_115 = arith.constant 0.000000e+00 : f32
    %gt3A_116 = vector.broadcast %gt3A_115 : f32 to vector<5000x128xf32>
    %gt3A_117 = arith.cmpf ogt, %add3A_114, %gt3A_116 : vector<5000x128xf32>
    %min3A = arith.constant 0.000000e+00 : f32
    %min3A_118 = vector.broadcast %min3A : f32 to vector<5000x128xf32>
    %min3A_119 = arith.minimumf %add3A_114, %min3A_118 : vector<5000x128xf32>
    %exp3A = math.exp %min3A_119 : vector<5000x128xf32>
    %sub3A_120 = arith.constant 1.000000e+00 : f32
    %sub3A_121 = vector.broadcast %sub3A_120 : f32 to vector<5000x128xf32>
    %sub3A_122 = arith.subf %exp3A, %sub3A_121 : vector<5000x128xf32>
    %select_n3A_123 = arith.select %gt3A_117, %add3A_114, %sub3A_122 : vector<5000x128xi1>, vector<5000x128xf32>
    %swap3A = arith.constant 0 : index
    %swap3A_124 = arith.constant 0 : index
    %swap3A_125 = vector.load %arg15[%swap3A, %swap3A_124] : memref<5000x128xf32, #tpu.memory_space<vmem>>, vector<5000x128xf32>
    tpu.vector_store %arg15[%swap3A, %swap3A_124], %select_n3A_123 {strides = array<i32>} : memref<5000x128xf32, #tpu.memory_space<vmem>>, vector<5000x128xf32>,
    %get3A_126 = arith.constant 0 : index
    %get3A_127 = arith.constant 0 : index
    %get3A_128 = vector.load %arg9[%get3A_126, %get3A_127] : memref<128x128xf32, #tpu.memory_space<vmem>>, vector<128x128xf32>
    %get3A_129 = arith.constant 0 : index
    %get3A_130 = arith.constant 0 : index
    %get3A_131 = vector.load %arg10[%get3A_129, %get3A_130] : memref<128x128xf32, #tpu.memory_space<vmem>>, vector<128x128xf32>
    %get3A_132 = arith.constant 0 : index
    %get3A_133 = arith.constant 0 : index
    %get3A_134 = vector.load %arg11[%get3A_132, %get3A_133] : memref<1x128xf32, #tpu.memory_space<vmem>>, vector<1x128xf32>
    %get3A_135 = arith.constant 0 : index
    %get3A_136 = arith.constant 0 : index
    %get3A_137 = vector.load %arg12[%get3A_135, %get3A_136] : memref<128x4xf32, #tpu.memory_space<vmem>>, vector<128x4xf32>
    %get3A_138 = arith.constant 0 : index
    %get3A_139 = arith.constant 0 : index
    %get3A_140 = vector.load %arg13[%get3A_138, %get3A_139] : memref<4x128xf32, #tpu.memory_space<vmem>>, vector<4x128xf32>
    %dot_general3A_141 = arith.constant dense<0.000000e+00> : vector<5000x128xf32>
    %dot_general3A_142 = tpu.matmul %select_n3A_123, %get3A_128, %dot_general3A_141 {dimension_numbers = #tpu.dot_dimension_numbers<[1], [0], [0], [1], [0, 0, 1, 1], [], []>, transpose_lhs_hint = false} : vector<5000x128xf32>, vector<128x128xf32>, vector<5000x128xf32> -> vector<5000x128xf32>
    %mul3A_143 = vector.broadcast %get3A_134 : vector<1x128xf32> to vector<5000x128xf32>
    %mul3A_144 = arith.mulf %dot_general3A_142, %mul3A_143 : vector<5000x128xf32>
    %dot_general3A_145 = arith.constant dense<0.000000e+00> : vector<5000x4xf32>
    %dot_general3A_146 = tpu.matmul %mul3A_144, %get3A_137, %dot_general3A_145 {dimension_numbers = #tpu.dot_dimension_numbers<[1], [0], [0], [1], [0, 0, 1, 1], [], []>, transpose_lhs_hint = false} : vector<5000x128xf32>, vector<128x4xf32>, vector<5000x4xf32> -> vector<5000x4xf32>
    %reduce_max3A = arith.constant dense<0xFF800000> : vector<4xf32>
    %reduce_max3A_147 = vector.multi_reduction <maximumf>, %dot_general3A_146, %reduce_max3A [0] : vector<5000x4xf32> to vector<4xf32>
    %broadcast_in_dim3A_148 = vector.shape_cast %reduce_max3A_147 : vector<4xf32> to vector<1x4xf32>
    %sub3A_149 = vector.broadcast %broadcast_in_dim3A_148 : vector<1x4xf32> to vector<5000x4xf32>
    %sub3A_150 = arith.subf %dot_general3A_146, %sub3A_149 : vector<5000x4xf32>
    %exp3A_151 = math.exp %sub3A_150 : vector<5000x4xf32>
    %dot_general3A_152 = arith.constant dense<0.000000e+00> : vector<5000x128xf32>
    %dot_general3A_153 = tpu.matmul %select_n3A_123, %get3A_131, %dot_general3A_152 {dimension_numbers = #tpu.dot_dimension_numbers<[1], [0], [0], [1], [0, 0, 1, 1], [], []>, transpose_lhs_hint = false} : vector<5000x128xf32>, vector<128x128xf32>, vector<5000x128xf32> -> vector<5000x128xf32>
    %dot_general3A_154 = arith.constant dense<0.000000e+00> : vector<5000x128xf32>
    %dot_general3A_155 = tpu.matmul %exp3A_151, %get3A_140, %dot_general3A_154 {dimension_numbers = #tpu.dot_dimension_numbers<[1], [0], [0], [1], [0, 0, 1, 1], [], []>, transpose_lhs_hint = false} : vector<5000x4xf32>, vector<4x128xf32>, vector<5000x128xf32> -> vector<5000x128xf32>
    %broadcast_in_dim3A_156 = arith.constant 0.000000e+00 : f32
    %broadcast_in_dim3A_157 = vector.broadcast %broadcast_in_dim3A_156 : f32 to vector<5000x12xf32>
    %mul3A_158 = arith.mulf %dot_general3A_153, %dot_general3A_155 : vector<5000x128xf32>
    %concatenate3A = tpu.concatenate %mul3A_158, %exp3A_151, %broadcast_in_dim3A_157 in 1 : vector<5000x128xf32>, vector<5000x4xf32>, vector<5000x12xf32> -> vector<5000x144xf32>
    %swap3A_159 = arith.constant 0 : index
    %swap3A_160 = arith.constant 0 : index
    %swap3A_161 = vector.load %arg14[%swap3A_159, %swap3A_160] : memref<5000x144xf32, #tpu.memory_space<vmem>>, vector<5000x144xf32>
    tpu.vector_store %arg14[%swap3A_159, %swap3A_160], %concatenate3A {strides = array<i32>} : memref<5000x144xf32, #tpu.memory_space<vmem>>, vector<5000x144xf32>,
    return
  }
}

module attributes {stable_mosaic.version = 14 : i64} {
  func.func @_tmid_body(%arg0: memref<10000x144xf32, #tpu.memory_space<vmem>>, %arg1: memref<10000x144xf32, #tpu.memory_space<vmem>>, %arg2: memref<1x128xf32, #tpu.memory_space<vmem>>, %arg3: memref<1x128xf32, #tpu.memory_space<vmem>>, %arg4: memref<1x128xf32, #tpu.memory_space<vmem>>, %arg5: memref<128x128xf32, #tpu.memory_space<vmem>>, %arg6: memref<1x128xf32, #tpu.memory_space<vmem>>, %arg7: memref<1x128xf32, #tpu.memory_space<vmem>>, %arg8: memref<1x128xf32, #tpu.memory_space<vmem>>, %arg9: memref<128x128xf32, #tpu.memory_space<vmem>>, %arg10: memref<128x128xf32, #tpu.memory_space<vmem>>, %arg11: memref<1x128xf32, #tpu.memory_space<vmem>>, %arg12: memref<128x4xf32, #tpu.memory_space<vmem>>, %arg13: memref<4x128xf32, #tpu.memory_space<vmem>>, %arg14: memref<10000x144xf32, #tpu.memory_space<vmem>>, %arg15: memref<10000x128xf32, #tpu.memory_space<vmem>>) attributes {dimension_semantics = [], scalar_prefetch = 0 : i64, scratch_operands = 0 : i64, tpu.core_type = #tpu.core_type<tc>} {
    %get3A = arith.constant 0 : index
    %get3A_0 = arith.constant 0 : index
    %get3A_1 = vector.load %arg0[%get3A, %get3A_0] : memref<10000x144xf32, #tpu.memory_space<vmem>>, vector<10000x144xf32>
    %get3A_2 = arith.constant 0 : index
    %get3A_3 = arith.constant 0 : index
    %get3A_4 = vector.load %arg1[%get3A_2, %get3A_3] : memref<10000x144xf32, #tpu.memory_space<vmem>>, vector<10000x144xf32>
    %get3A_5 = arith.constant 0 : index
    %get3A_6 = arith.constant 0 : index
    %get3A_7 = vector.load %arg2[%get3A_5, %get3A_6] : memref<1x128xf32, #tpu.memory_space<vmem>>, vector<1x128xf32>
    %get3A_8 = arith.constant 0 : index
    %get3A_9 = arith.constant 0 : index
    %get3A_10 = vector.load %arg13[%get3A_8, %get3A_9] : memref<4x128xf32, #tpu.memory_space<vmem>>, vector<4x128xf32>
    %get3A_11 = arith.constant 0 : index
    %get3A_12 = arith.constant 0 : index
    %get3A_13 = vector.load %arg3[%get3A_11, %get3A_12] : memref<1x128xf32, #tpu.memory_space<vmem>>, vector<1x128xf32>
    %get3A_14 = arith.constant 0 : index
    %get3A_15 = arith.constant 0 : index
    %get3A_16 = vector.load %arg4[%get3A_14, %get3A_15] : memref<1x128xf32, #tpu.memory_space<vmem>>, vector<1x128xf32>
    %get3A_17 = arith.constant 0 : index
    %get3A_18 = arith.constant 0 : index
    %get3A_19 = vector.load %arg5[%get3A_17, %get3A_18] : memref<128x128xf32, #tpu.memory_space<vmem>>, vector<128x128xf32>
    %get3A_20 = arith.constant 0 : index
    %get3A_21 = arith.constant 0 : index
    %get3A_22 = vector.load %arg6[%get3A_20, %get3A_21] : memref<1x128xf32, #tpu.memory_space<vmem>>, vector<1x128xf32>
    %get3A_23 = arith.constant 0 : index
    %get3A_24 = arith.constant 0 : index
    %get3A_25 = vector.load %arg7[%get3A_23, %get3A_24] : memref<1x128xf32, #tpu.memory_space<vmem>>, vector<1x128xf32>
    %get3A_26 = arith.constant 0 : index
    %get3A_27 = arith.constant 0 : index
    %get3A_28 = vector.load %arg8[%get3A_26, %get3A_27] : memref<1x128xf32, #tpu.memory_space<vmem>>, vector<1x128xf32>
    %add3A = arith.addf %get3A_1, %get3A_4 : vector<10000x144xf32>
    %slice3A = vector.extract_strided_slice %add3A {offsets = [0, 128], sizes = [10000, 4], strides = [1, 1]} : vector<10000x144xf32> to vector<10000x4xf32>
    %dot_general3A = arith.constant dense<0.000000e+00> : vector<10000x128xf32>
    %dot_general3A_29 = tpu.matmul %slice3A, %get3A_10, %dot_general3A {dimension_numbers = #tpu.dot_dimension_numbers<[1], [0], [0], [1], [0, 0, 1, 1], [], []>, transpose_lhs_hint = false} : vector<10000x4xf32>, vector<4x128xf32>, vector<10000x128xf32> -> vector<10000x128xf32>
    %add3A_30 = arith.constant 1.000000e-16 : f32
    %add3A_31 = vector.broadcast %add3A_30 : f32 to vector<10000x128xf32>
    %add3A_32 = arith.addf %dot_general3A_29, %add3A_31 : vector<10000x128xf32>
    %slice3A_33 = vector.extract_strided_slice %add3A {offsets = [0, 0], sizes = [10000, 128], strides = [1, 1]} : vector<10000x144xf32> to vector<10000x128xf32>
    %div3A = arith.divf %slice3A_33, %add3A_32 : vector<10000x128xf32>
    %add3A_34 = vector.broadcast %get3A_7 : vector<1x128xf32> to vector<10000x128xf32>
    %add3A_35 = arith.addf %div3A, %add3A_34 : vector<10000x128xf32>
    %reduce_sum3A = arith.constant dense<0.000000e+00> : vector<10000xf32>
    %reduce_sum3A_36 = vector.multi_reduction <add>, %add3A_35, %reduce_sum3A [1] : vector<10000x128xf32> to vector<10000xf32>
    %broadcast_in_dim3A = vector.shape_cast %reduce_sum3A_36 : vector<10000xf32> to vector<10000x1xf32>
    %div3A_37 = arith.constant 1.280000e+02 : f32
    %div3A_38 = vector.broadcast %div3A_37 : f32 to vector<10000x1xf32>
    %div3A_39 = arith.divf %broadcast_in_dim3A, %div3A_38 : vector<10000x1xf32>
    %jit3A = arith.constant 0 : i32
    %reduce_sum3A_40 = arith.constant dense<0.000000e+00> : vector<10000xf32>
    %reduce_sum3A_41 = vector.multi_reduction <add>, %add3A_35, %reduce_sum3A_40 [1] : vector<10000x128xf32> to vector<10000xf32>
    %broadcast_in_dim3A_42 = vector.shape_cast %reduce_sum3A_41 : vector<10000xf32> to vector<10000x1xf32>
    %div3A_43 = arith.constant 1.280000e+02 : f32
    %div3A_44 = vector.broadcast %div3A_43 : f32 to vector<10000x1xf32>
    %div3A_45 = arith.divf %broadcast_in_dim3A_42, %div3A_44 : vector<10000x1xf32>
    %sub3A = vector.broadcast %div3A_45 : vector<10000x1xf32> to vector<10000x128xf32>
    %sub3A_46 = arith.subf %add3A_35, %sub3A : vector<10000x128xf32>
    %square3A = arith.mulf %sub3A_46, %sub3A_46 : vector<10000x128xf32>
    %convert_element_type3A = arith.sitofp %jit3A : i32 to f32
    %sub3A_47 = arith.constant 1.280000e+02 : f32
    %sub3A_48 = arith.subf %sub3A_47, %convert_element_type3A : f32
    %reduce_sum3A_49 = arith.constant dense<0.000000e+00> : vector<10000xf32>
    %reduce_sum3A_50 = vector.multi_reduction <add>, %square3A, %reduce_sum3A_49 [1] : vector<10000x128xf32> to vector<10000xf32>
    %broadcast_in_dim3A_51 = vector.shape_cast %reduce_sum3A_50 : vector<10000xf32> to vector<10000x1xf32>
    %div3A_52 = vector.broadcast %sub3A_48 : f32 to vector<10000x1xf32>
    %div3A_53 = arith.divf %broadcast_in_dim3A_51, %div3A_52 : vector<10000x1xf32>
    %gt3A = arith.constant 0.000000e+00 : f32
    %gt3A_54 = arith.cmpf ogt, %sub3A_48, %gt3A : f32
    %jit3A_55 = arith.constant 0x7FC00000 : f32
    %broadcast_in_dim3A_56 = vector.broadcast %jit3A_55 : f32 to vector<10000x1xf32>
    %select_n3A = arith.select %gt3A_54, %div3A_53, %broadcast_in_dim3A_56 : vector<10000x1xf32>
    %sub3A_57 = vector.broadcast %div3A_39 : vector<10000x1xf32> to vector<10000x128xf32>
    %sub3A_58 = arith.subf %add3A_35, %sub3A_57 : vector<10000x128xf32>
    %add3A_59 = arith.constant 9.99999974E-6 : f32
    %add3A_60 = vector.broadcast %add3A_59 : f32 to vector<10000x1xf32>
    %add3A_61 = arith.addf %select_n3A, %add3A_60 : vector<10000x1xf32>
    %sqrt3A = math.sqrt %add3A_61 : vector<10000x1xf32>
    %div3A_62 = vector.broadcast %sqrt3A : vector<10000x1xf32> to vector<10000x128xf32>
    %div3A_63 = arith.divf %sub3A_58, %div3A_62 : vector<10000x128xf32>
    %mul3A = vector.broadcast %get3A_13 : vector<1x128xf32> to vector<10000x128xf32>
    %mul3A_64 = arith.mulf %div3A_63, %mul3A : vector<10000x128xf32>
    %add3A_65 = vector.broadcast %get3A_16 : vector<1x128xf32> to vector<10000x128xf32>
    %add3A_66 = arith.addf %mul3A_64, %add3A_65 : vector<10000x128xf32>
    %dot_general3A_67 = arith.constant dense<0.000000e+00> : vector<10000x128xf32>
    %dot_general3A_68 = tpu.matmul %add3A_66, %get3A_19, %dot_general3A_67 {dimension_numbers = #tpu.dot_dimension_numbers<[1], [0], [0], [1], [0, 0, 1, 1], [], []>, transpose_lhs_hint = false} : vector<10000x128xf32>, vector<128x128xf32>, vector<10000x128xf32> -> vector<10000x128xf32>
    %add3A_69 = vector.broadcast %get3A_22 : vector<1x128xf32> to vector<10000x128xf32>
    %add3A_70 = arith.addf %dot_general3A_68, %add3A_69 : vector<10000x128xf32>
    %max3A = arith.constant 0.000000e+00 : f32
    %max3A_71 = vector.broadcast %max3A : f32 to vector<10000x128xf32>
    %max3A_72 = arith.maximumf %add3A_70, %max3A_71 : vector<10000x128xf32>
    %add3A_73 = arith.addf %add3A_66, %max3A_72 : vector<10000x128xf32>
    %reduce_sum3A_74 = arith.constant dense<0.000000e+00> : vector<10000xf32>
    %reduce_sum3A_75 = vector.multi_reduction <add>, %add3A_73, %reduce_sum3A_74 [1] : vector<10000x128xf32> to vector<10000xf32>
    %broadcast_in_dim3A_76 = vector.shape_cast %reduce_sum3A_75 : vector<10000xf32> to vector<10000x1xf32>
    %div3A_77 = arith.constant 1.280000e+02 : f32
    %div3A_78 = vector.broadcast %div3A_77 : f32 to vector<10000x1xf32>
    %div3A_79 = arith.divf %broadcast_in_dim3A_76, %div3A_78 : vector<10000x1xf32>
    %jit3A_80 = arith.constant 0 : i32
    %reduce_sum3A_81 = arith.constant dense<0.000000e+00> : vector<10000xf32>
    %reduce_sum3A_82 = vector.multi_reduction <add>, %add3A_73, %reduce_sum3A_81 [1] : vector<10000x128xf32> to vector<10000xf32>
    %broadcast_in_dim3A_83 = vector.shape_cast %reduce_sum3A_82 : vector<10000xf32> to vector<10000x1xf32>
    %div3A_84 = arith.constant 1.280000e+02 : f32
    %div3A_85 = vector.broadcast %div3A_84 : f32 to vector<10000x1xf32>
    %div3A_86 = arith.divf %broadcast_in_dim3A_83, %div3A_85 : vector<10000x1xf32>
    %sub3A_87 = vector.broadcast %div3A_86 : vector<10000x1xf32> to vector<10000x128xf32>
    %sub3A_88 = arith.subf %add3A_73, %sub3A_87 : vector<10000x128xf32>
    %square3A_89 = arith.mulf %sub3A_88, %sub3A_88 : vector<10000x128xf32>
    %convert_element_type3A_90 = arith.sitofp %jit3A_80 : i32 to f32
    %sub3A_91 = arith.constant 1.280000e+02 : f32
    %sub3A_92 = arith.subf %sub3A_91, %convert_element_type3A_90 : f32
    %reduce_sum3A_93 = arith.constant dense<0.000000e+00> : vector<10000xf32>
    %reduce_sum3A_94 = vector.multi_reduction <add>, %square3A_89, %reduce_sum3A_93 [1] : vector<10000x128xf32> to vector<10000xf32>
    %broadcast_in_dim3A_95 = vector.shape_cast %reduce_sum3A_94 : vector<10000xf32> to vector<10000x1xf32>
    %div3A_96 = vector.broadcast %sub3A_92 : f32 to vector<10000x1xf32>
    %div3A_97 = arith.divf %broadcast_in_dim3A_95, %div3A_96 : vector<10000x1xf32>
    %gt3A_98 = arith.constant 0.000000e+00 : f32
    %gt3A_99 = arith.cmpf ogt, %sub3A_92, %gt3A_98 : f32
    %jit3A_100 = arith.constant 0x7FC00000 : f32
    %broadcast_in_dim3A_101 = vector.broadcast %jit3A_100 : f32 to vector<10000x1xf32>
    %select_n3A_102 = arith.select %gt3A_99, %div3A_97, %broadcast_in_dim3A_101 : vector<10000x1xf32>
    %sub3A_103 = vector.broadcast %div3A_79 : vector<10000x1xf32> to vector<10000x128xf32>
    %sub3A_104 = arith.subf %add3A_73, %sub3A_103 : vector<10000x128xf32>
    %add3A_105 = arith.constant 9.99999974E-6 : f32
    %add3A_106 = vector.broadcast %add3A_105 : f32 to vector<10000x1xf32>
    %add3A_107 = arith.addf %select_n3A_102, %add3A_106 : vector<10000x1xf32>
    %sqrt3A_108 = math.sqrt %add3A_107 : vector<10000x1xf32>
    %div3A_109 = vector.broadcast %sqrt3A_108 : vector<10000x1xf32> to vector<10000x128xf32>
    %div3A_110 = arith.divf %sub3A_104, %div3A_109 : vector<10000x128xf32>
    %mul3A_111 = vector.broadcast %get3A_25 : vector<1x128xf32> to vector<10000x128xf32>
    %mul3A_112 = arith.mulf %div3A_110, %mul3A_111 : vector<10000x128xf32>
    %add3A_113 = vector.broadcast %get3A_28 : vector<1x128xf32> to vector<10000x128xf32>
    %add3A_114 = arith.addf %mul3A_112, %add3A_113 : vector<10000x128xf32>
    %gt3A_115 = arith.constant 0.000000e+00 : f32
    %gt3A_116 = vector.broadcast %gt3A_115 : f32 to vector<10000x128xf32>
    %gt3A_117 = arith.cmpf ogt, %add3A_114, %gt3A_116 : vector<10000x128xf32>
    %min3A = arith.constant 0.000000e+00 : f32
    %min3A_118 = vector.broadcast %min3A : f32 to vector<10000x128xf32>
    %min3A_119 = arith.minimumf %add3A_114, %min3A_118 : vector<10000x128xf32>
    %exp3A = math.exp %min3A_119 : vector<10000x128xf32>
    %sub3A_120 = arith.constant 1.000000e+00 : f32
    %sub3A_121 = vector.broadcast %sub3A_120 : f32 to vector<10000x128xf32>
    %sub3A_122 = arith.subf %exp3A, %sub3A_121 : vector<10000x128xf32>
    %select_n3A_123 = arith.select %gt3A_117, %add3A_114, %sub3A_122 : vector<10000x128xi1>, vector<10000x128xf32>
    %swap3A = arith.constant 0 : index
    %swap3A_124 = arith.constant 0 : index
    %swap3A_125 = vector.load %arg15[%swap3A, %swap3A_124] : memref<10000x128xf32, #tpu.memory_space<vmem>>, vector<10000x128xf32>
    tpu.vector_store %arg15[%swap3A, %swap3A_124], %select_n3A_123 {strides = array<i32>} : memref<10000x128xf32, #tpu.memory_space<vmem>>, vector<10000x128xf32>,
    %get3A_126 = arith.constant 0 : index
    %get3A_127 = arith.constant 0 : index
    %get3A_128 = vector.load %arg9[%get3A_126, %get3A_127] : memref<128x128xf32, #tpu.memory_space<vmem>>, vector<128x128xf32>
    %get3A_129 = arith.constant 0 : index
    %get3A_130 = arith.constant 0 : index
    %get3A_131 = vector.load %arg10[%get3A_129, %get3A_130] : memref<128x128xf32, #tpu.memory_space<vmem>>, vector<128x128xf32>
    %get3A_132 = arith.constant 0 : index
    %get3A_133 = arith.constant 0 : index
    %get3A_134 = vector.load %arg11[%get3A_132, %get3A_133] : memref<1x128xf32, #tpu.memory_space<vmem>>, vector<1x128xf32>
    %get3A_135 = arith.constant 0 : index
    %get3A_136 = arith.constant 0 : index
    %get3A_137 = vector.load %arg12[%get3A_135, %get3A_136] : memref<128x4xf32, #tpu.memory_space<vmem>>, vector<128x4xf32>
    %get3A_138 = arith.constant 0 : index
    %get3A_139 = arith.constant 0 : index
    %get3A_140 = vector.load %arg13[%get3A_138, %get3A_139] : memref<4x128xf32, #tpu.memory_space<vmem>>, vector<4x128xf32>
    %dot_general3A_141 = arith.constant dense<0.000000e+00> : vector<10000x128xf32>
    %dot_general3A_142 = tpu.matmul %select_n3A_123, %get3A_128, %dot_general3A_141 {dimension_numbers = #tpu.dot_dimension_numbers<[1], [0], [0], [1], [0, 0, 1, 1], [], []>, transpose_lhs_hint = false} : vector<10000x128xf32>, vector<128x128xf32>, vector<10000x128xf32> -> vector<10000x128xf32>
    %mul3A_143 = vector.broadcast %get3A_134 : vector<1x128xf32> to vector<10000x128xf32>
    %mul3A_144 = arith.mulf %dot_general3A_142, %mul3A_143 : vector<10000x128xf32>
    %dot_general3A_145 = arith.constant dense<0.000000e+00> : vector<10000x4xf32>
    %dot_general3A_146 = tpu.matmul %mul3A_144, %get3A_137, %dot_general3A_145 {dimension_numbers = #tpu.dot_dimension_numbers<[1], [0], [0], [1], [0, 0, 1, 1], [], []>, transpose_lhs_hint = false} : vector<10000x128xf32>, vector<128x4xf32>, vector<10000x4xf32> -> vector<10000x4xf32>
    %reduce_max3A = arith.constant dense<0xFF800000> : vector<4xf32>
    %reduce_max3A_147 = vector.multi_reduction <maximumf>, %dot_general3A_146, %reduce_max3A [0] : vector<10000x4xf32> to vector<4xf32>
    %broadcast_in_dim3A_148 = vector.shape_cast %reduce_max3A_147 : vector<4xf32> to vector<1x4xf32>
    %sub3A_149 = vector.broadcast %broadcast_in_dim3A_148 : vector<1x4xf32> to vector<10000x4xf32>
    %sub3A_150 = arith.subf %dot_general3A_146, %sub3A_149 : vector<10000x4xf32>
    %exp3A_151 = math.exp %sub3A_150 : vector<10000x4xf32>
    %dot_general3A_152 = arith.constant dense<0.000000e+00> : vector<10000x128xf32>
    %dot_general3A_153 = tpu.matmul %select_n3A_123, %get3A_131, %dot_general3A_152 {dimension_numbers = #tpu.dot_dimension_numbers<[1], [0], [0], [1], [0, 0, 1, 1], [], []>, transpose_lhs_hint = false} : vector<10000x128xf32>, vector<128x128xf32>, vector<10000x128xf32> -> vector<10000x128xf32>
    %dot_general3A_154 = arith.constant dense<0.000000e+00> : vector<10000x128xf32>
    %dot_general3A_155 = tpu.matmul %exp3A_151, %get3A_140, %dot_general3A_154 {dimension_numbers = #tpu.dot_dimension_numbers<[1], [0], [0], [1], [0, 0, 1, 1], [], []>, transpose_lhs_hint = false} : vector<10000x4xf32>, vector<4x128xf32>, vector<10000x128xf32> -> vector<10000x128xf32>
    %broadcast_in_dim3A_156 = arith.constant 0.000000e+00 : f32
    %broadcast_in_dim3A_157 = vector.broadcast %broadcast_in_dim3A_156 : f32 to vector<10000x12xf32>
    %mul3A_158 = arith.mulf %dot_general3A_153, %dot_general3A_155 : vector<10000x128xf32>
    %concatenate3A = tpu.concatenate %mul3A_158, %exp3A_151, %broadcast_in_dim3A_157 in 1 : vector<10000x128xf32>, vector<10000x4xf32>, vector<10000x12xf32> -> vector<10000x144xf32>
    %swap3A_159 = arith.constant 0 : index
    %swap3A_160 = arith.constant 0 : index
    %swap3A_161 = vector.load %arg14[%swap3A_159, %swap3A_160] : memref<10000x144xf32, #tpu.memory_space<vmem>>, vector<10000x144xf32>
    tpu.vector_store %arg14[%swap3A_159, %swap3A_160], %concatenate3A {strides = array<i32>} : memref<10000x144xf32, #tpu.memory_space<vmem>>, vector<10000x144xf32>,
    return
  }
}

module attributes {stable_mosaic.version = 14 : i64} {
  func.func @_t4_body(%arg0: memref<10000x144xf32, #tpu.memory_space<vmem>>, %arg1: memref<10000x144xf32, #tpu.memory_space<vmem>>, %arg2: memref<1x128xf32, #tpu.memory_space<vmem>>, %arg3: memref<1x128xf32, #tpu.memory_space<vmem>>, %arg4: memref<1x128xf32, #tpu.memory_space<vmem>>, %arg5: memref<128x128xf32, #tpu.memory_space<vmem>>, %arg6: memref<1x128xf32, #tpu.memory_space<vmem>>, %arg7: memref<1x128xf32, #tpu.memory_space<vmem>>, %arg8: memref<1x128xf32, #tpu.memory_space<vmem>>, %arg9: memref<4x128xf32, #tpu.memory_space<vmem>>, %arg10: memref<10000x128xf32, #tpu.memory_space<vmem>>, %arg11: memref<128x40xf32, #tpu.memory_space<vmem>>, %arg12: memref<128x40xf32, #tpu.memory_space<vmem>>, %arg13: memref<1x40xf32, #tpu.memory_space<vmem>>, %arg14: memref<10000x40xf32, #tpu.memory_space<vmem>>) attributes {dimension_semantics = [], scalar_prefetch = 0 : i64, scratch_operands = 0 : i64, tpu.core_type = #tpu.core_type<tc>} {
    %get3A = arith.constant 0 : index
    %get3A_0 = arith.constant 0 : index
    %get3A_1 = vector.load %arg0[%get3A, %get3A_0] : memref<10000x144xf32, #tpu.memory_space<vmem>>, vector<10000x144xf32>
    %get3A_2 = arith.constant 0 : index
    %get3A_3 = arith.constant 0 : index
    %get3A_4 = vector.load %arg1[%get3A_2, %get3A_3] : memref<10000x144xf32, #tpu.memory_space<vmem>>, vector<10000x144xf32>
    %get3A_5 = arith.constant 0 : index
    %get3A_6 = arith.constant 0 : index
    %get3A_7 = vector.load %arg2[%get3A_5, %get3A_6] : memref<1x128xf32, #tpu.memory_space<vmem>>, vector<1x128xf32>
    %get3A_8 = arith.constant 0 : index
    %get3A_9 = arith.constant 0 : index
    %get3A_10 = vector.load %arg9[%get3A_8, %get3A_9] : memref<4x128xf32, #tpu.memory_space<vmem>>, vector<4x128xf32>
    %get3A_11 = arith.constant 0 : index
    %get3A_12 = arith.constant 0 : index
    %get3A_13 = vector.load %arg3[%get3A_11, %get3A_12] : memref<1x128xf32, #tpu.memory_space<vmem>>, vector<1x128xf32>
    %get3A_14 = arith.constant 0 : index
    %get3A_15 = arith.constant 0 : index
    %get3A_16 = vector.load %arg4[%get3A_14, %get3A_15] : memref<1x128xf32, #tpu.memory_space<vmem>>, vector<1x128xf32>
    %get3A_17 = arith.constant 0 : index
    %get3A_18 = arith.constant 0 : index
    %get3A_19 = vector.load %arg5[%get3A_17, %get3A_18] : memref<128x128xf32, #tpu.memory_space<vmem>>, vector<128x128xf32>
    %get3A_20 = arith.constant 0 : index
    %get3A_21 = arith.constant 0 : index
    %get3A_22 = vector.load %arg6[%get3A_20, %get3A_21] : memref<1x128xf32, #tpu.memory_space<vmem>>, vector<1x128xf32>
    %get3A_23 = arith.constant 0 : index
    %get3A_24 = arith.constant 0 : index
    %get3A_25 = vector.load %arg7[%get3A_23, %get3A_24] : memref<1x128xf32, #tpu.memory_space<vmem>>, vector<1x128xf32>
    %get3A_26 = arith.constant 0 : index
    %get3A_27 = arith.constant 0 : index
    %get3A_28 = vector.load %arg8[%get3A_26, %get3A_27] : memref<1x128xf32, #tpu.memory_space<vmem>>, vector<1x128xf32>
    %add3A = arith.addf %get3A_1, %get3A_4 : vector<10000x144xf32>
    %slice3A = vector.extract_strided_slice %add3A {offsets = [0, 128], sizes = [10000, 4], strides = [1, 1]} : vector<10000x144xf32> to vector<10000x4xf32>
    %dot_general3A = arith.constant dense<0.000000e+00> : vector<10000x128xf32>
    %dot_general3A_29 = tpu.matmul %slice3A, %get3A_10, %dot_general3A {dimension_numbers = #tpu.dot_dimension_numbers<[1], [0], [0], [1], [0, 0, 1, 1], [], []>, transpose_lhs_hint = false} : vector<10000x4xf32>, vector<4x128xf32>, vector<10000x128xf32> -> vector<10000x128xf32>
    %add3A_30 = arith.constant 1.000000e-16 : f32
    %add3A_31 = vector.broadcast %add3A_30 : f32 to vector<10000x128xf32>
    %add3A_32 = arith.addf %dot_general3A_29, %add3A_31 : vector<10000x128xf32>
    %slice3A_33 = vector.extract_strided_slice %add3A {offsets = [0, 0], sizes = [10000, 128], strides = [1, 1]} : vector<10000x144xf32> to vector<10000x128xf32>
    %div3A = arith.divf %slice3A_33, %add3A_32 : vector<10000x128xf32>
    %add3A_34 = vector.broadcast %get3A_7 : vector<1x128xf32> to vector<10000x128xf32>
    %add3A_35 = arith.addf %div3A, %add3A_34 : vector<10000x128xf32>
    %reduce_sum3A = arith.constant dense<0.000000e+00> : vector<10000xf32>
    %reduce_sum3A_36 = vector.multi_reduction <add>, %add3A_35, %reduce_sum3A [1] : vector<10000x128xf32> to vector<10000xf32>
    %broadcast_in_dim3A = vector.shape_cast %reduce_sum3A_36 : vector<10000xf32> to vector<10000x1xf32>
    %div3A_37 = arith.constant 1.280000e+02 : f32
    %div3A_38 = vector.broadcast %div3A_37 : f32 to vector<10000x1xf32>
    %div3A_39 = arith.divf %broadcast_in_dim3A, %div3A_38 : vector<10000x1xf32>
    %jit3A = arith.constant 0 : i32
    %reduce_sum3A_40 = arith.constant dense<0.000000e+00> : vector<10000xf32>
    %reduce_sum3A_41 = vector.multi_reduction <add>, %add3A_35, %reduce_sum3A_40 [1] : vector<10000x128xf32> to vector<10000xf32>
    %broadcast_in_dim3A_42 = vector.shape_cast %reduce_sum3A_41 : vector<10000xf32> to vector<10000x1xf32>
    %div3A_43 = arith.constant 1.280000e+02 : f32
    %div3A_44 = vector.broadcast %div3A_43 : f32 to vector<10000x1xf32>
    %div3A_45 = arith.divf %broadcast_in_dim3A_42, %div3A_44 : vector<10000x1xf32>
    %sub3A = vector.broadcast %div3A_45 : vector<10000x1xf32> to vector<10000x128xf32>
    %sub3A_46 = arith.subf %add3A_35, %sub3A : vector<10000x128xf32>
    %square3A = arith.mulf %sub3A_46, %sub3A_46 : vector<10000x128xf32>
    %convert_element_type3A = arith.sitofp %jit3A : i32 to f32
    %sub3A_47 = arith.constant 1.280000e+02 : f32
    %sub3A_48 = arith.subf %sub3A_47, %convert_element_type3A : f32
    %reduce_sum3A_49 = arith.constant dense<0.000000e+00> : vector<10000xf32>
    %reduce_sum3A_50 = vector.multi_reduction <add>, %square3A, %reduce_sum3A_49 [1] : vector<10000x128xf32> to vector<10000xf32>
    %broadcast_in_dim3A_51 = vector.shape_cast %reduce_sum3A_50 : vector<10000xf32> to vector<10000x1xf32>
    %div3A_52 = vector.broadcast %sub3A_48 : f32 to vector<10000x1xf32>
    %div3A_53 = arith.divf %broadcast_in_dim3A_51, %div3A_52 : vector<10000x1xf32>
    %gt3A = arith.constant 0.000000e+00 : f32
    %gt3A_54 = arith.cmpf ogt, %sub3A_48, %gt3A : f32
    %jit3A_55 = arith.constant 0x7FC00000 : f32
    %broadcast_in_dim3A_56 = vector.broadcast %jit3A_55 : f32 to vector<10000x1xf32>
    %select_n3A = arith.select %gt3A_54, %div3A_53, %broadcast_in_dim3A_56 : vector<10000x1xf32>
    %sub3A_57 = vector.broadcast %div3A_39 : vector<10000x1xf32> to vector<10000x128xf32>
    %sub3A_58 = arith.subf %add3A_35, %sub3A_57 : vector<10000x128xf32>
    %add3A_59 = arith.constant 9.99999974E-6 : f32
    %add3A_60 = vector.broadcast %add3A_59 : f32 to vector<10000x1xf32>
    %add3A_61 = arith.addf %select_n3A, %add3A_60 : vector<10000x1xf32>
    %sqrt3A = math.sqrt %add3A_61 : vector<10000x1xf32>
    %div3A_62 = vector.broadcast %sqrt3A : vector<10000x1xf32> to vector<10000x128xf32>
    %div3A_63 = arith.divf %sub3A_58, %div3A_62 : vector<10000x128xf32>
    %mul3A = vector.broadcast %get3A_13 : vector<1x128xf32> to vector<10000x128xf32>
    %mul3A_64 = arith.mulf %div3A_63, %mul3A : vector<10000x128xf32>
    %add3A_65 = vector.broadcast %get3A_16 : vector<1x128xf32> to vector<10000x128xf32>
    %add3A_66 = arith.addf %mul3A_64, %add3A_65 : vector<10000x128xf32>
    %dot_general3A_67 = arith.constant dense<0.000000e+00> : vector<10000x128xf32>
    %dot_general3A_68 = tpu.matmul %add3A_66, %get3A_19, %dot_general3A_67 {dimension_numbers = #tpu.dot_dimension_numbers<[1], [0], [0], [1], [0, 0, 1, 1], [], []>, transpose_lhs_hint = false} : vector<10000x128xf32>, vector<128x128xf32>, vector<10000x128xf32> -> vector<10000x128xf32>
    %add3A_69 = vector.broadcast %get3A_22 : vector<1x128xf32> to vector<10000x128xf32>
    %add3A_70 = arith.addf %dot_general3A_68, %add3A_69 : vector<10000x128xf32>
    %max3A = arith.constant 0.000000e+00 : f32
    %max3A_71 = vector.broadcast %max3A : f32 to vector<10000x128xf32>
    %max3A_72 = arith.maximumf %add3A_70, %max3A_71 : vector<10000x128xf32>
    %add3A_73 = arith.addf %add3A_66, %max3A_72 : vector<10000x128xf32>
    %reduce_sum3A_74 = arith.constant dense<0.000000e+00> : vector<10000xf32>
    %reduce_sum3A_75 = vector.multi_reduction <add>, %add3A_73, %reduce_sum3A_74 [1] : vector<10000x128xf32> to vector<10000xf32>
    %broadcast_in_dim3A_76 = vector.shape_cast %reduce_sum3A_75 : vector<10000xf32> to vector<10000x1xf32>
    %div3A_77 = arith.constant 1.280000e+02 : f32
    %div3A_78 = vector.broadcast %div3A_77 : f32 to vector<10000x1xf32>
    %div3A_79 = arith.divf %broadcast_in_dim3A_76, %div3A_78 : vector<10000x1xf32>
    %jit3A_80 = arith.constant 0 : i32
    %reduce_sum3A_81 = arith.constant dense<0.000000e+00> : vector<10000xf32>
    %reduce_sum3A_82 = vector.multi_reduction <add>, %add3A_73, %reduce_sum3A_81 [1] : vector<10000x128xf32> to vector<10000xf32>
    %broadcast_in_dim3A_83 = vector.shape_cast %reduce_sum3A_82 : vector<10000xf32> to vector<10000x1xf32>
    %div3A_84 = arith.constant 1.280000e+02 : f32
    %div3A_85 = vector.broadcast %div3A_84 : f32 to vector<10000x1xf32>
    %div3A_86 = arith.divf %broadcast_in_dim3A_83, %div3A_85 : vector<10000x1xf32>
    %sub3A_87 = vector.broadcast %div3A_86 : vector<10000x1xf32> to vector<10000x128xf32>
    %sub3A_88 = arith.subf %add3A_73, %sub3A_87 : vector<10000x128xf32>
    %square3A_89 = arith.mulf %sub3A_88, %sub3A_88 : vector<10000x128xf32>
    %convert_element_type3A_90 = arith.sitofp %jit3A_80 : i32 to f32
    %sub3A_91 = arith.constant 1.280000e+02 : f32
    %sub3A_92 = arith.subf %sub3A_91, %convert_element_type3A_90 : f32
    %reduce_sum3A_93 = arith.constant dense<0.000000e+00> : vector<10000xf32>
    %reduce_sum3A_94 = vector.multi_reduction <add>, %square3A_89, %reduce_sum3A_93 [1] : vector<10000x128xf32> to vector<10000xf32>
    %broadcast_in_dim3A_95 = vector.shape_cast %reduce_sum3A_94 : vector<10000xf32> to vector<10000x1xf32>
    %div3A_96 = vector.broadcast %sub3A_92 : f32 to vector<10000x1xf32>
    %div3A_97 = arith.divf %broadcast_in_dim3A_95, %div3A_96 : vector<10000x1xf32>
    %gt3A_98 = arith.constant 0.000000e+00 : f32
    %gt3A_99 = arith.cmpf ogt, %sub3A_92, %gt3A_98 : f32
    %jit3A_100 = arith.constant 0x7FC00000 : f32
    %broadcast_in_dim3A_101 = vector.broadcast %jit3A_100 : f32 to vector<10000x1xf32>
    %select_n3A_102 = arith.select %gt3A_99, %div3A_97, %broadcast_in_dim3A_101 : vector<10000x1xf32>
    %sub3A_103 = vector.broadcast %div3A_79 : vector<10000x1xf32> to vector<10000x128xf32>
    %sub3A_104 = arith.subf %add3A_73, %sub3A_103 : vector<10000x128xf32>
    %add3A_105 = arith.constant 9.99999974E-6 : f32
    %add3A_106 = vector.broadcast %add3A_105 : f32 to vector<10000x1xf32>
    %add3A_107 = arith.addf %select_n3A_102, %add3A_106 : vector<10000x1xf32>
    %sqrt3A_108 = math.sqrt %add3A_107 : vector<10000x1xf32>
    %div3A_109 = vector.broadcast %sqrt3A_108 : vector<10000x1xf32> to vector<10000x128xf32>
    %div3A_110 = arith.divf %sub3A_104, %div3A_109 : vector<10000x128xf32>
    %mul3A_111 = vector.broadcast %get3A_25 : vector<1x128xf32> to vector<10000x128xf32>
    %mul3A_112 = arith.mulf %div3A_110, %mul3A_111 : vector<10000x128xf32>
    %add3A_113 = vector.broadcast %get3A_28 : vector<1x128xf32> to vector<10000x128xf32>
    %add3A_114 = arith.addf %mul3A_112, %add3A_113 : vector<10000x128xf32>
    %gt3A_115 = arith.constant 0.000000e+00 : f32
    %gt3A_116 = vector.broadcast %gt3A_115 : f32 to vector<10000x128xf32>
    %gt3A_117 = arith.cmpf ogt, %add3A_114, %gt3A_116 : vector<10000x128xf32>
    %min3A = arith.constant 0.000000e+00 : f32
    %min3A_118 = vector.broadcast %min3A : f32 to vector<10000x128xf32>
    %min3A_119 = arith.minimumf %add3A_114, %min3A_118 : vector<10000x128xf32>
    %exp3A = math.exp %min3A_119 : vector<10000x128xf32>
    %sub3A_120 = arith.constant 1.000000e+00 : f32
    %sub3A_121 = vector.broadcast %sub3A_120 : f32 to vector<10000x128xf32>
    %sub3A_122 = arith.subf %exp3A, %sub3A_121 : vector<10000x128xf32>
    %select_n3A_123 = arith.select %gt3A_117, %add3A_114, %sub3A_122 : vector<10000x128xi1>, vector<10000x128xf32>
    %get3A_124 = arith.constant 0 : index
    %get3A_125 = arith.constant 0 : index
    %get3A_126 = vector.load %arg10[%get3A_124, %get3A_125] : memref<10000x128xf32, #tpu.memory_space<vmem>>, vector<10000x128xf32>
    %get3A_127 = arith.constant 0 : index
    %get3A_128 = arith.constant 0 : index
    %get3A_129 = vector.load %arg11[%get3A_127, %get3A_128] : memref<128x40xf32, #tpu.memory_space<vmem>>, vector<128x40xf32>
    %dot_general3A_130 = arith.constant dense<0.000000e+00> : vector<10000x40xf32>
    %dot_general3A_131 = tpu.matmul %get3A_126, %get3A_129, %dot_general3A_130 {dimension_numbers = #tpu.dot_dimension_numbers<[1], [0], [0], [1], [0, 0, 1, 1], [], []>, transpose_lhs_hint = false} : vector<10000x128xf32>, vector<128x40xf32>, vector<10000x40xf32> -> vector<10000x40xf32>
    %get3A_132 = arith.constant 0 : index
    %get3A_133 = arith.constant 0 : index
    %get3A_134 = vector.load %arg12[%get3A_132, %get3A_133] : memref<128x40xf32, #tpu.memory_space<vmem>>, vector<128x40xf32>
    %dot_general3A_135 = arith.constant dense<0.000000e+00> : vector<10000x40xf32>
    %dot_general3A_136 = tpu.matmul %select_n3A_123, %get3A_134, %dot_general3A_135 {dimension_numbers = #tpu.dot_dimension_numbers<[1], [0], [0], [1], [0, 0, 1, 1], [], []>, transpose_lhs_hint = false} : vector<10000x128xf32>, vector<128x40xf32>, vector<10000x40xf32> -> vector<10000x40xf32>
    %add3A_137 = arith.addf %dot_general3A_131, %dot_general3A_136 : vector<10000x40xf32>
    %get3A_138 = arith.constant 0 : index
    %get3A_139 = arith.constant 0 : index
    %get3A_140 = vector.load %arg13[%get3A_138, %get3A_139] : memref<1x40xf32, #tpu.memory_space<vmem>>, vector<1x40xf32>
    %add3A_141 = vector.broadcast %get3A_140 : vector<1x40xf32> to vector<10000x40xf32>
    %add3A_142 = arith.addf %add3A_137, %add3A_141 : vector<10000x40xf32>
    %reduce_max3A = arith.constant dense<0xFF800000> : vector<10000xf32>
    %reduce_max3A_143 = vector.multi_reduction <maximumf>, %add3A_142, %reduce_max3A [1] : vector<10000x40xf32> to vector<10000xf32>
    %broadcast_in_dim3A_144 = vector.shape_cast %reduce_max3A_143 : vector<10000xf32> to vector<10000x1xf32>
    %sub3A_145 = vector.broadcast %broadcast_in_dim3A_144 : vector<10000x1xf32> to vector<10000x40xf32>
    %sub3A_146 = arith.subf %add3A_142, %sub3A_145 : vector<10000x40xf32>
    %exp3A_147 = math.exp %sub3A_146 : vector<10000x40xf32>
    %reduce_sum3A_148 = arith.constant dense<0.000000e+00> : vector<10000xf32>
    %reduce_sum3A_149 = vector.multi_reduction <add>, %exp3A_147, %reduce_sum3A_148 [1] : vector<10000x40xf32> to vector<10000xf32>
    %broadcast_in_dim3A_150 = vector.shape_cast %reduce_sum3A_149 : vector<10000xf32> to vector<10000x1xf32>
    %log3A = math.log %broadcast_in_dim3A_150 : vector<10000x1xf32>
    %sub3A_151 = vector.broadcast %log3A : vector<10000x1xf32> to vector<10000x40xf32>
    %sub3A_152 = arith.subf %sub3A_146, %sub3A_151 : vector<10000x40xf32>
    %swap3A = arith.constant 0 : index
    %swap3A_153 = arith.constant 0 : index
    %swap3A_154 = vector.load %arg14[%swap3A, %swap3A_153] : memref<10000x40xf32, #tpu.memory_space<vmem>>, vector<10000x40xf32>
    tpu.vector_store %arg14[%swap3A, %swap3A_153], %sub3A_152 {strides = array<i32>} : memref<10000x40xf32, #tpu.memory_space<vmem>>, vector<10000x40xf32>,
    return
  }
}

</mosaic_0001>

<sc_bundles>
// kernel: kernel.11.cloned.1.call-start
scs
__scs_entry_jumppad:
0x0: {  	(pc) =	sbr.rel $0x88, $3  }
0x1: {  	(tag) =	ssettag $0x0;
	lr =	simm.s32 $0x1  }
0x2: {  	[smem:$0x3F72] =	sst lr;
	_ =	strace $0xD0000000  }
0x3: {  	_ = 	snop  }
0x4: {  	_ = 	snop  }
0x5: {  	_ = 	snop  }
0x6: {  	_ = 	snop  }
0x7: {  	_ = 	snop  }
__scs_overlays_trampoline_lowered:
0x8: {  	[smem:$0x3F81] =	sst s0  }
0x9: {  	[smem:$0x3F82] =	sst s1  }
0xa: {  	[smem:$0x3F83] =	sst s2  }
0xb: {  	[smem:$0x3F84] =	sst s3  }
0xc: {  	[smem:$0x3F85] =	sst s4  }
0xd: {  	[smem:$0x3F86] =	sst s5  }
0xe: {  	[smem:$0x3F87] =	sst s6  }
0xf: {  	[smem:$0x3F88] =	sst s7  }
0x10: {  	[smem:$0x3F89] =	sst s8  }
0x11: {  	[smem:$0x3F8A] =	sst s9;
	s0 =	simm.s32 @!p0 $0x0  }
0x12: {  	s1 =	sld [smem:$0x3F70];
	s0 =	simm.s32 @p0 $0x1  }
0x13: {  	[smem:$0x3F8B] =	sst s0;
	s0 =	simm.s32 @!p1 $0x0  }
0x14: {  	s2 =	sld [smem:$0x3F6F];
	s0 =	simm.s32 @p1 $0x1  }
0x15: {  	[smem:$0x3F8C] =	sst s0;
	s0 =	simm.s32 @!p2 $0x0  }
0x16: {  	s3 =	sld [smem:$0x3FDB];
	s0 =	simm.s32 @p2 $0x1  }
0x17: {  	s4 =	simm.s32 $0x1BF5;
	[smem:$0x3F8E] =	sst s0  }
0x18: {  	s0 =	sld [smem:$0x3F71];
	_ =	swait.ge [sflag:s4], $0x0  }
0x19: {  	s7 =	sld [smem:$0x3F72]  }
0x1a: {  	s8 =	sadd.s32 $0xFFFFE003, lr  }
0x1b: {  	s9 =	sadd.s32 $0xFFFFFEF7, lr;
	s5 =	simm.s32 $0xFFFFFFFF;
	p2 =	slt.u32 s8, $0xFFFFF086  }
0x1c: {  	p1 =	slt.u32 s9, $0xF7A;
	s5 =	simm.s32 @!p2 $0x0  }
0x1d: {  	s5 =	simm.s32 @p1 $0x1;
	p0 =	seq.s32 s7, s2  }
0x1e: {  	s7 =	smul.u32 @!p0 $0xF7A, s2;
	p2 =	seq.s32 @!p0 s5, $0x0  }
0x1f: {  	s9 =	smul.u32 $0xF7A, s1;
	s8 =	simm.s32 @!p0 $0x1BF5;
	p2 =	por !p2, p0  }
0x20: {  	[sflag:s8] =	ssyncset.s32 @!p0 $0xFFFFF086;
	s6 =	sadd.s32 @!p0 s3, s7;
	s7 =	simm.s32 @!p0 $0x108  }
0x21: {  	s3 =	sadd.s32 s3, s9;
	s6 =	sadd.s32 @!p0 $0x88, s6;
	s7 =	simm.s32 @p2 $0x1082  }
0x22: {  	[simem:s7], [sflag:s8] =	dma.local @!p0 [hbm:s6], $0xF7A  }
0x23: {  	s9 =	sor.u32 $0xD0000000, s2;
	s6 =	simm.s32 $0x108;
	_ =	swait.ge @!p0 [sflag:s8], $0x0  }
0x24: {  	s3 =	sadd.s32 $0x88, s3;
	s6 =	simm.s32 @!p1 $0x1082;
	[sflag:s4] =	ssyncset.s32 $0xFFFFF086  }
0x25: {  	[simem:s6], [sflag:s4] =	dma.local [hbm:s3], $0xF7A  }
0x26: {  	[smem:$0x3F72] =	sst s1;
	(tag) =	ssettag s2;
	_ =	strace s9  }
0x27: {  	s1 =	sld [smem:$0x3F82]  }
0x28: {  	s2 =	sld [smem:$0x3F83]  }
0x29: {  	s4 =	sld [smem:$0x3F85]  }
0x2a: {  	p0 =	seq.s32 s5, $0x0;
	s5 =	sld [smem:$0x3F86]  }
0x2b: {  	s6 =	sld [smem:$0x3F87]  }
0x2c: {  	s7 =	sld [smem:$0x3F88]  }
0x2d: {  	s3 =	simm.s32 $0x108;
	s8 =	sld [smem:$0x3F89]  }
0x2e: {  	s3 =	simm.s32 @!p0 $0x1082;
	s9 =	sld [smem:$0x3F8A]  }
0x2f: {  	lr =	sadd.s32 s0, s3;
	s0 =	sld [smem:$0x3F81]  }
0x30: {  	s3 =	sld [smem:$0x3F84]  }
0x31: {  	[smem:$0x3F8D] =	sst s10  }
0x32: {  	s10 =	sld [smem:$0x3F8B];
	_ =	sdelay $0x3  }
0x33: {  	p0 =	seq.s32 s10, $0x1;
	s10 =	sld [smem:$0x3F8D];
	_ =	sdelay $0x3  }
0x34: {  	[smem:$0x3F8D] =	sst s10  }
0x35: {  	s10 =	sld [smem:$0x3F8C];
	_ =	sdelay $0x3  }
0x36: {  	p1 =	seq.s32 s10, $0x1;
	s10 =	sld [smem:$0x3F8D];
	_ =	sdelay $0x3  }
0x37: {  	[smem:$0x3F8D] =	sst s10  }
0x38: {  	s10 =	sld [smem:$0x3F8E]  }
0x39: {  	_ = 	snop;
	(pc) =	sbr.ind lr, $3  }
0x3a: {  	_ = 	snop  }
0x3b: {  	_ = 	snop  }
0x3c: {  	p2 =	seq.s32 s10, $0x1;
	s10 =	sld [smem:$0x3F8D]  }
0x3d: {  	_ =	shalt  }
0x3e: {  	_ =	shalt  }
0x3f: {  	_ =	shalt  }
0x40: {  	_ =	shalt  }
0x41: {  	_ =	shalt  }
0x42: {  	_ =	shalt  }
0x43: {  	_ =	shalt  }
0x44: {  	_ =	shalt  }
0x45: {  	_ =	shalt  }
0x46: {  	_ =	shalt  }
0x47: {  	_ =	shalt  }
0x48: {  	_ =	shalt  }
0x49: {  	_ =	shalt  }
0x4a: {  	_ =	shalt  }
0x4b: {  	_ =	shalt  }
0x4c: {  	_ =	shalt  }
0x4d: {  	_ =	shalt  }
0x4e: {  	_ =	shalt  }
0x4f: {  	_ =	shalt  }
0x50: {  	_ =	shalt  }
0x51: {  	_ =	shalt  }
0x52: {  	_ =	shalt  }
0x53: {  	_ =	shalt  }
0x54: {  	_ =	shalt  }
0x55: {  	_ =	shalt  }
0x56: {  	_ =	shalt  }
0x57: {  	_ =	shalt  }
0x58: {  	_ =	shalt  }
0x59: {  	_ =	shalt  }
0x5a: {  	_ =	shalt  }
0x5b: {  	_ =	shalt  }
0x5c: {  	_ =	shalt  }
0x5d: {  	_ =	shalt  }
0x5e: {  	_ =	shalt  }
0x5f: {  	_ =	shalt  }
0x60: {  	_ =	shalt  }
0x61: {  	_ =	shalt  }
0x62: {  	_ =	shalt  }
0x63: {  	_ =	shalt  }
0x64: {  	_ =	shalt  }
0x65: {  	_ =	shalt  }
0x66: {  	_ =	shalt  }
0x67: {  	_ =	shalt  }
0x68: {  	_ =	shalt  }
0x69: {  	_ =	shalt  }
0x6a: {  	_ =	shalt  }
0x6b: {  	_ =	shalt  }
0x6c: {  	_ =	shalt  }
0x6d: {  	_ =	shalt  }
0x6e: {  	_ =	shalt  }
0x6f: {  	_ =	shalt  }
0x70: {  	_ =	shalt  }
0x71: {  	_ =	shalt  }
0x72: {  	_ =	shalt  }
0x73: {  	_ =	shalt  }
0x74: {  	_ =	shalt  }
0x75: {  	_ =	shalt  }
0x76: {  	_ =	shalt  }
0x77: {  	_ =	shalt  }
0x78: {  	_ =	shalt  }
0x79: {  	_ =	shalt  }
0x7a: {  	_ =	shalt  }
0x7b: {  	_ =	shalt  }
0x7c: {  	_ =	shalt  }
0x7d: {  	_ =	shalt  }
0x7e: {  	_ =	shalt  }
0x7f: {  	_ =	shalt  }
0x80: {  	_ =	shalt  }
0x81: {  	_ =	shalt  }
0x82: {  	_ =	shalt  }
0x83: {  	_ =	shalt  }
0x84: {  	_ =	shalt  }
0x85: {  	_ =	shalt  }
0x86: {  	_ =	shalt  }
0x87: {  	_ =	shalt  }
.Lfunc_end0:
.L_simem_size_0:
called_computation_lowered:
.L_overlay_start_0:
0x88: {  	s2 =	sld [smem:$0x3FD9]  }
0x89: {  	s3 =	sld [smem:$0x3FFE];
	_ =	sdelay $0x1  }
0x8a: {  	s1 =	srdreg.scid  }
0x8b: {  	s0 =	sand.u32 $0x1, s1  }
0x8c: {  	s17 =	sshll.u32 s0, $0xA;
	s2 =	sadd.s32 s3, s2  }
0x8d: {  	s2 =	sadd.s32 s2, s17  }
0x8e: {  	[smem:$0x3F99] =	sst s2  }
0x8f: {  	_ = 	snop  }
0x90: {  	s2 =	sld [smem:$0x3FD0];
	(tm) =	ssettm $0x1  }
0x91: {  	s18 =	sld [smem:$0x3FFB];
	_ =	sdelay $0x3  }
0x92: {  	_ =	strace s18  }
0x93: {  	s3 =	sld [smem:$0x3FFC];
	_ =	sdelay $0x3  }
0x94: {  	_ =	strace s3  }
0x95: {  	s3 =	sld [smem:$0x3FFD];
	_ =	sdelay $0x3  }
0x96: {  	_ =	strace s3  }
0x97: {  	_ =	strace $0x8FFFFFFF  }
0x98: {  	s19 =	sld [smem:$0x3FDB];
	_ =	sdelay $0x1  }
0x99: {  	s4 =	simm.s32 $_scs_section_size  }
0x9a: {  	s5 =	simm.s32 $_size__tile_overlayer_lowered;
	s6 =	simm.s32 $_tile_overlayer_lowered  }
0x9b: {  	s22 =	simm.s32 $0x1BFF;
	s21 =	sshll.u32 s6, $0x1;
	s3 =	sadd.s32 s4, s19  }
0x9c: {  	s7 =	simm.s32 $0x0;
	s20 =	sshll.u32 s5, $0x1;
	s5 =	sadd.s32 s21, s3  }
0x9d: {  	[timem:s7], [sflag:s22] =	dma.local [hbm:s5], s20  }
0x9e: {  	_ =	swait.ge [sflag:s22], s20  }
0x9f: {  	s4 =	ssub.s32 $0x0, s20;
	[sflag:s22] =	ssyncset.done $0x0  }
0xa0: {  	[sflag:s22] =	ssyncadd.s32 s4;
	_ =	sdelay $0x1  }
0xa1: {  	s23 =	simm.s32 $0x1B8B  }
0xa2: {  	_ =	swait.ge [sflag:s23], $0x1  }
0xa3: {  	[sflag:s23] =	ssyncset.done $0x0  }
0xa4: {  	s25 =	simm.s32 $0x1B8E;
	s24 =	sld [smem:$0x3FFE];
	[sflag:s23] =	ssyncadd.s32 $0xFFFFFFFF  }
0xa5: {  	s26 =	simm.s32 $execute0_lowered;
	[smem:$0x3FD2] =	sst s25  }
0xa6: {  	s5 =	sshll.u32 s26, $0x1;
	_ =	strace $0x80000046;
	[dreg:$0x1] =	wrdreg $0xFFFFFFFF  }
0xa7: {  	s28 =	simm.s32 $_size_execute0_lowered;
	s3 =	sadd.s32 s3, s5;
	[dreg:$0x0] =	wrdreg $0x0  }
0xa8: {  	s5 =	sshll.u32 s28, $0x1;
	[dreg:$0x2] =	wrdreg s3  }
0xa9: {  	[dreg:$0x3] =	wrdreg s5  }
0xaa: {  	[dreg:$0x4] =	wrdreg $0xC0  }
0xab: {  	_ =	task [dreg:s7], $0x5FFFF  }
0xac: {  	[dreg:$0x1] =	wrdreg $0xFFFFFFFF  }
0xad: {  	[dreg:$0x0] =	wrdreg $0x60  }
0xae: {  	[dreg:$0x2] =	wrdreg s24  }
0xaf: {  	[dreg:$0x3] =	wrdreg s2  }
0xb0: {  	[dreg:$0x4] =	wrdreg $0xE0000  }
0xb1: {  	[dreg:$0x5] =	wrdreg $0x9  }
0xb2: {  	_ =	task.clear_ibuf [dreg:s7], $0x6FFFF;
	_ =	strace $0x90000046  }
0xb3: {  	s29 =	simm.s32 $0x9;
	_ =	strace $0x80000048  }
0xb4: {  	_ =	swait.ge [sflag:s29], $0x1  }
0xb5: {  	[sflag:s29] =	ssyncadd.s32 $0xFFFFFFFF  }
0xb6: {  	_ =	strace $0x90000048  }
0xb7: {  	_ =	sfence  }
0xb8: {  	s30 =	sld [smem:$0x0];
	_ =	sdelay $0x2  }
0xb9: {  	s31 =	sshll.u32 s1, $0xD;
	s1 =	sshrl.u32 s1, $0x2  }
0xba: {  	s3 =	sand.u32 $0x4000, s31;
	s1 =	sadd.s32 s1, s30  }
0xbb: {  	s0 =	sor.u32 s3, s0;
	s1 =	sshll.u32 s1, $0x11  }
0xbc: {  	s0 =	sor.u32 s1, s0  }
0xbd: {  	s0 =	sadd.s32 $0x8F2B, s0  }
0xbe: {  	[sflag:s0] =	ssyncadd.remote.s32 $0x1  }
0xbf: {  	_ =	sfence.sel $0xFFFF  }
0xc0: {  	[dreg:$0x0] =	wrdreg $0xFFFFFFFF;
	(pc) =	sbr.abs _section_cstart, $3  }
0xc1: {  	[dreg:$0x1] =	wrdreg $0xFFFFFFFF  }
0xc2: {  	_ =	task.clear_ibuf [dreg:s7], $0x2FFFF;
	_ =	strace $0x9FFFFFFF  }
0xc3: {  	(tm) =	ssettm $0x7FFFFFFF  }
tec
execute0_lowered:
.L_overlay_start_1:
0x0: {  	(tag) =	ssettag $0x1  }
0x1: {  	s6 =	rddreg [dreg:$0x0]  }
0x2: {  	s7 =	rddreg [dreg:$0x1]  }
0x3: {  	s0 =	srdreg.scid;
	s2 =	rddreg [dreg:$0x2];
	s3 =	simm.s32 $0x0  }
0x4: {  	s14 =	simm.s32 $0x80;
	s15 =	simm.s32 $0x5000;
	s16 =	simm.s32 $0x9800  }
0x5: {  	s17 =	simm.s32 $0x1;
	s18 =	simm.s32 $0x2;
	s19 =	simm.s32 $0x2780  }
0x6: {  	s20 =	simm.s32 $0x4F00;
	s5 =	sand.u32 $0x1, s0;
	s0 =	stileid.u32  }
0x7: {  	s21 =	simm.s32 $0x4F80;
	s22 =	simm.s32 $0x0;
	s9 =	smul.u32 $0x1680, s0  }
0x8: {  	[smem:$0x7FF] =	sst s3;
	s4 =	sadd.s32 $0x8400, s6;
	s10 =	smul.u32 $0x16800, s5  }
0x9: {  	s1 =	sshll.u32 s5, $0x4;
	s28 =	ssub.s32 $0x2, s5;
	s12 =	smul.u32 $0x2D000, s0  }
0xa: {  	s5 =	sadd.s32 $0x3E400, s6;
	s31 =	sshll.u32 s0, $0x6;
	s1 =	sor.u32 s0, s1  }
0xb: {  	s29 =	sshrl.u32 s28, $0x1;
	s8 =	smul.u32 $0x500, s1;
	s1 =	rddreg [dreg:$0x3]  }
0xc: {  	_ =	strace $0x80000047;
	s9 =	sadd.s32 s9, s10;
	s10 =	ssub.s32 s28, s29  }
0xd: {  	s30 =	sshrl.u32 s12, $0x2;
	s12 =	sor.u32 $0x1C03, s31;
	s9 =	sadd.s32 s9, s6  }
0xe: {  	s13 =	sadd.s32 s30, s2;
	s11 =	sadd.s32 s8, s6;
	s6 =	sadd.s32 s7, s8  }
0xf: {  	s8 =	sadd.s32 $0x41200, s9;
	s9 =	smax.u32 s10, $0x1;
	s10 =	simm.s32 $0x3  }
0x10: {  	s13 =	sshrl.u32 s13, $0x3;
	s7 =	sadd.s32 $0x34400, s11;
	s11 =	simm.s32 $0x2800  }
.LBB2_1:
0x11: {  	[tilespmem:s3], [sflag:$0x3] =	stream.linear.gather [hbm4b:s6+s3], $0x2800, $0x38;
	[tilespmem:$0x19400] =	vst v63  }
0x12: {  	_ =	swait.ge [sflag:s10], $0x2800  }
0x13: {  	[sflag:s10] =	ssyncset.done $0x0  }
0x14: {  	[sflag:s10] =	ssyncadd.s32 $0xFFFFD800  }
0x15: {  	[tilespmem:s11], [sflag:$0x3] =	stream.linear.gather [hbm4b:s7+s3], $0x2800, $0x38;
	[tilespmem:$0x19400] =	vst v63  }
0x16: {  	_ =	swait.ge [sflag:s10], $0x2800  }
0x17: {  	[sflag:s10] =	ssyncset.done $0x0  }
0x18: {  	[sflag:s10] =	ssyncadd.s32 $0xFFFFD800  }
0x19: {  	[spmem:s13], [sflag:s12] =	dma.local [hbm:s5], $0x1680  }
0x1a: {  	_ =	swait.ge [sflag:s10], $0x1680  }
0x1b: {  	[sflag:s10] =	ssyncset.done $0x0  }
0x1c: {  	[sflag:s10] =	ssyncadd.s32 $0xFFFFE980  }
0x1d: {  	[bflag:$0x0] =	sbarrier.arrive $0xFFFF  }
0x1e: {  	[tilespmem:s15], [sflag:$0x1] =	stream.indirect.gather [hbm4b:s4+s14], $0x90, s3, s14, $0xb8;
	[tilespmem:$0x19400] =	vst v63  }
0x1f: {  	s23 =	simm.s32 $0x80  }
0x20: {  	[tilespmem:s16], [sflag:$0x2] =	stream.indirect.gather [hbm4b:s4+s14], $0x90, s23, s14, $0xb8;
	[tilespmem:$0x19400] =	vst v63  }
0x21: {  	_ =	swait.ge [sflag:s17], $0x4800  }
0x22: {  	[sflag:s17] =	ssyncset.done $0x0  }
0x23: {  	s29 =	simm.s32 $0x2800;
	[sflag:s17] =	ssyncadd.s32 $0xFFFFB800  }
0x24: {  	[spmem:s2] =	stream.indirect.scatter.add.f32 [tilespmem:s15], [sflag:$0x3], $0x90, s29, s14, $0xb8;
	[tilespmem:$0x19400] =	vst v63  }
0x25: {  	_ =	swait.ge [sflag:s10], $0x4800  }
0x26: {  	[sflag:s10] =	ssyncset.done $0x0  }
0x27: {  	s30 =	simm.s32 $0x100;
	[sflag:s10] =	ssyncadd.s32 $0xFFFFB800  }
0x28: {  	[tilespmem:s15], [sflag:$0x1] =	stream.indirect.gather [hbm4b:s4+s14], $0x90, s30, s14, $0xb8;
	[tilespmem:$0x19400] =	vst v63  }
0x29: {  	_ =	swait.ge [sflag:s18], $0x4800  }
0x2a: {  	[sflag:s18] =	ssyncset.done $0x0  }
0x2b: {  	s31 =	simm.s32 $0x2880;
	[sflag:s18] =	ssyncadd.s32 $0xFFFFB800  }
0x2c: {  	[spmem:s2] =	stream.indirect.scatter.add.f32 [tilespmem:s16], [sflag:$0x3], $0x90, s31, s14, $0xb8;
	[tilespmem:$0x19400] =	vst v63  }
0x2d: {  	_ =	swait.ge [sflag:s10], $0x4800  }
0x2e: {  	s24 =	simm.s32 $0x800;
	s23 =	simm.s32 $0x100;
	[sflag:s10] =	ssyncset.done $0x0  }
.LBB2_2:
0x2f: {  	s25 =	sadd.s32 $0x80, s23  }
0x30: {  	[sflag:s10] =	ssyncadd.s32 $0xFFFFB800;
	s26 =	smov.u32 s24;
	s28 =	sadd.s32 $0x400, s24  }
0x31: {  	[tilespmem:s16], [sflag:$0x2] =	stream.indirect.gather [hbm4b:s4+s14], $0x90, s25, s14, $0xb8;
	[tilespmem:$0x19400] =	vst v63  }
0x32: {  	p0 =	sne.s32 s24, $0x9800;
	_ =	swait.ge [sflag:s17], $0x4800  }
0x33: {  	[sflag:s17] =	ssyncset.done $0x0  }
0x34: {  	s24 =	sadd.s32 $0x2800, s23;
	[sflag:s17] =	ssyncadd.s32 $0xFFFFB800  }
0x35: {  	[spmem:s2] =	stream.indirect.scatter.add.f32 [tilespmem:s15], [sflag:$0x3], $0x90, s24, s14, $0xb8;
	[tilespmem:$0x19400] =	vst v63  }
0x36: {  	_ =	swait.ge [sflag:s10], $0x4800  }
0x37: {  	[sflag:s10] =	ssyncset.done $0x0  }
0x38: {  	s24 =	sadd.s32 $0x100, s23;
	[sflag:s10] =	ssyncadd.s32 $0xFFFFB800  }
0x39: {  	[tilespmem:s15], [sflag:$0x1] =	stream.indirect.gather [hbm4b:s4+s14], $0x90, s24, s14, $0xb8;
	[tilespmem:$0x19400] =	vst v63  }
0x3a: {  	_ =	swait.ge [sflag:s18], $0x4800  }
.Ltmp0:
0x3b: {  	[sflag:s18] =	ssyncset.done $0x0;
	(pc) =	sbr.rel @p0 .LBB2_2-.Ltmp0, $4  }
0x3c: {  	s23 =	sadd.s32 $0x2880, s23;
	[sflag:s18] =	ssyncadd.s32 $0xFFFFB800  }
0x3d: {  	[spmem:s2] =	stream.indirect.scatter.add.f32 [tilespmem:s16], [sflag:$0x3], $0x90, s23, s14, $0xb8;
	[tilespmem:$0x19400] =	vst v63  }
0x3e: {  	_ =	swait.ge [sflag:s10], $0x4800  }
0x3f: {  	s24 =	smov.u32 s28;
	s23 =	sshra.s32 s26, $0x2;
	[sflag:s10] =	ssyncset.done $0x0  }
0x40: {  	s24 =	sadd.s32 $0x80, s23;
	[sflag:s10] =	ssyncadd.s32 $0xFFFFB800  }
0x41: {  	[tilespmem:s16], [sflag:$0x2] =	stream.indirect.gather [hbm4b:s4+s14], $0x90, s24, s14, $0xb8;
	[tilespmem:$0x19400] =	vst v63  }
0x42: {  	_ =	swait.ge [sflag:s17], $0x4800  }
0x43: {  	[sflag:s17] =	ssyncset.done $0x0  }
0x44: {  	s29 =	sadd.s32 $0x2800, s23;
	[sflag:s17] =	ssyncadd.s32 $0xFFFFB800  }
0x45: {  	[spmem:s2] =	stream.indirect.scatter.add.f32 [tilespmem:s15], [sflag:$0x3], $0x90, s29, s14, $0xb8;
	[tilespmem:$0x19400] =	vst v63  }
0x46: {  	_ =	swait.ge [sflag:s10], $0x4800  }
0x47: {  	[sflag:s10] =	ssyncset.done $0x0  }
0x48: {  	s30 =	sadd.s32 $0x100, s23;
	[sflag:s10] =	ssyncadd.s32 $0xFFFFB800  }
0x49: {  	[tilespmem:s15], [sflag:$0x1] =	stream.indirect.gather [hbm4b:s4+s14], $0x90, s30, s14, $0xb8;
	[tilespmem:$0x19400] =	vst v63  }
0x4a: {  	_ =	swait.ge [sflag:s18], $0x4800  }
0x4b: {  	[sflag:s18] =	ssyncset.done $0x0  }
0x4c: {  	s31 =	sadd.s32 $0x2880, s23;
	[sflag:s18] =	ssyncadd.s32 $0xFFFFB800  }
0x4d: {  	[spmem:s2] =	stream.indirect.scatter.add.f32 [tilespmem:s16], [sflag:$0x3], $0x90, s31, s14, $0xb8;
	[tilespmem:$0x19400] =	vst v63  }
0x4e: {  	_ =	swait.ge [sflag:s10], $0x4800  }
0x4f: {  	[sflag:s10] =	ssyncset.done $0x0  }
0x50: {  	[sflag:s10] =	ssyncadd.s32 $0xFFFFB800  }
0x51: {  	[tilespmem:s16], [sflag:$0x2] =	stream.indirect.gather [hbm4b:s4+s14], $0x90, s19, s14, $0xb8;
	[tilespmem:$0x19400] =	vst v63  }
0x52: {  	_ =	swait.ge [sflag:s17], $0x4800  }
0x53: {  	[sflag:s17] =	ssyncset.done $0x0  }
0x54: {  	[sflag:s17] =	ssyncadd.s32 $0xFFFFB800  }
0x55: {  	[spmem:s2] =	stream.indirect.scatter.add.f32 [tilespmem:s15], [sflag:$0x3], $0x90, s20, s14, $0xb8;
	[tilespmem:$0x19400] =	vst v63  }
0x56: {  	_ =	swait.ge [sflag:s10], $0x4800  }
0x57: {  	[sflag:s10] =	ssyncset.done $0x0  }
0x58: {  	[sflag:s10] =	ssyncadd.s32 $0xFFFFB800  }
0x59: {  	_ =	swait.ge [sflag:s18], $0x4800  }
0x5a: {  	[sflag:s18] =	ssyncset.done $0x0  }
0x5b: {  	[sflag:s18] =	ssyncadd.s32 $0xFFFFB800  }
0x5c: {  	[spmem:s2] =	stream.indirect.scatter.add.f32 [tilespmem:s16], [sflag:$0x3], $0x90, s21, s14, $0xb8;
	[tilespmem:$0x19400] =	vst v63  }
0x5d: {  	_ =	swait.ge [sflag:s10], $0x4800  }
0x5e: {  	s22 =	sadd.s32 $0x1, s22;
	[sflag:s10] =	ssyncset.done $0x0  }
0x5f: {  	p0 =	sne.s32 s22, s9;
	[sflag:s10] =	ssyncadd.s32 $0xFFFFB800  }
.Ltmp1:
0x60: {  	[bflag:$0x0] =	sbarrier.arrive $0xFFFF;
	(pc) =	sbr.rel @p0 .LBB2_1-.Ltmp1, $4  }
0x61: {  	[hbm:s8], [sflag:s12] =	dma.local [spmem:s13], $0x1680  }
0x62: {  	_ =	swait.ge [sflag:s10], $0x1680  }
0x63: {  	[sflag:s10] =	ssyncset.done $0x0  }
0x64: {  	[sflag:s10] =	ssyncadd.s32 $0xFFFFE980  }
0x65: {  	_ =	sfence.sel $0x180000  }
0x66: {  	[bflag:$0x0] =	sbarrier.arrive $0xFFFF  }
0x67: {  	p0 =	sne.s32 s0, $0x0;
	_ =	strace $0x90000047  }
0x68: {  	s0 =	sadd.s32 @!p0 $0x100000, s1;
	[bflag:$0x2] =	sbarrier.arrive $0xFFFF  }
0x69: {  	[sflag:s0] =	ssyncadd.tile.s32 @!p0 $0x1;
	_ =	shalt  }
.Lfunc_end2:
_tile_overlayer_lowered:
.L_overlay_start_2:
0x6a: {  	(tag) =	ssettag $0x2  }
0x6b: {  	s0 =	rddreg [dreg:$0x0];
	s2 =	stileid.u32  }
0x6c: {  	s1 =	rddreg [dreg:$0x1];
	p0 =	sne.s32 s2, $0x0  }
0x6d: {  	s3 =	rddreg [dreg:$0x2];
	[bflag:$0x3] =	sbarrier.arrive $0xFFFF;
	s2 =	simm.s32 @!p0 $0x1C03  }
0x6e: {  	[timem:s3], [sflag:s2] =	dma.local @!p0 [hbm:s0], s1  }
0x6f: {  	s0 =	simm.s32 @!p0 $0x3  }
0x70: {  	_ =	swait.ge @!p0 [sflag:s0], s1  }
0x71: {  	s1 =	ssub.s32 @!p0 $0x0, s1;
	[sflag:s0] =	ssyncset.done @!p0 $0x0  }
0x72: {  	[sflag:s0] =	ssyncadd.s32 @!p0 s1  }
0x73: {  	[bflag:$0x3] =	sbarrier.arrive $0xFFFF  }
0x74: {  	_ =	shalt  }

// kernel: kernel.14.cloned.1.call-start
scs
__scs_entry_jumppad:
0x0: {  	(pc) =	sbr.rel $0x88, $3  }
0x1: {  	(tag) =	ssettag $0x0;
	lr =	simm.s32 $0x1  }
0x2: {  	[smem:$0x3F72] =	sst lr;
	_ =	strace $0xD0000000  }
0x3: {  	_ = 	snop  }
0x4: {  	_ = 	snop  }
0x5: {  	_ = 	snop  }
0x6: {  	_ = 	snop  }
0x7: {  	_ = 	snop  }
__scs_overlays_trampoline_lowered:
0x8: {  	[smem:$0x3F81] =	sst s0  }
0x9: {  	[smem:$0x3F82] =	sst s1  }
0xa: {  	[smem:$0x3F83] =	sst s2  }
0xb: {  	[smem:$0x3F84] =	sst s3  }
0xc: {  	[smem:$0x3F85] =	sst s4  }
0xd: {  	[smem:$0x3F86] =	sst s5  }
0xe: {  	[smem:$0x3F87] =	sst s6  }
0xf: {  	[smem:$0x3F88] =	sst s7  }
0x10: {  	[smem:$0x3F89] =	sst s8  }
0x11: {  	[smem:$0x3F8A] =	sst s9;
	s0 =	simm.s32 @!p0 $0x0  }
0x12: {  	s1 =	sld [smem:$0x3F70];
	s0 =	simm.s32 @p0 $0x1  }
0x13: {  	[smem:$0x3F8B] =	sst s0;
	s0 =	simm.s32 @!p1 $0x0  }
0x14: {  	s2 =	sld [smem:$0x3F6F];
	s0 =	simm.s32 @p1 $0x1  }
0x15: {  	[smem:$0x3F8C] =	sst s0;
	s0 =	simm.s32 @!p2 $0x0  }
0x16: {  	s3 =	sld [smem:$0x3FDB];
	s0 =	simm.s32 @p2 $0x1  }
0x17: {  	s4 =	simm.s32 $0x1BF5;
	[smem:$0x3F8E] =	sst s0  }
0x18: {  	s0 =	sld [smem:$0x3F71];
	_ =	swait.ge [sflag:s4], $0x0  }
0x19: {  	s7 =	sld [smem:$0x3F72]  }
0x1a: {  	s8 =	sadd.s32 $0xFFFFE003, lr  }
0x1b: {  	s9 =	sadd.s32 $0xFFFFFEF7, lr;
	s5 =	simm.s32 $0xFFFFFFFF;
	p2 =	slt.u32 s8, $0xFFFFF086  }
0x1c: {  	p1 =	slt.u32 s9, $0xF7A;
	s5 =	simm.s32 @!p2 $0x0  }
0x1d: {  	s5 =	simm.s32 @p1 $0x1;
	p0 =	seq.s32 s7, s2  }
0x1e: {  	s7 =	smul.u32 @!p0 $0xF7A, s2;
	p2 =	seq.s32 @!p0 s5, $0x0  }
0x1f: {  	s9 =	smul.u32 $0xF7A, s1;
	s8 =	simm.s32 @!p0 $0x1BF5;
	p2 =	por !p2, p0  }
0x20: {  	[sflag:s8] =	ssyncset.s32 @!p0 $0xFFFFF086;
	s6 =	sadd.s32 @!p0 s3, s7;
	s7 =	simm.s32 @!p0 $0x108  }
0x21: {  	s3 =	sadd.s32 s3, s9;
	s6 =	sadd.s32 @!p0 $0x88, s6;
	s7 =	simm.s32 @p2 $0x1082  }
0x22: {  	[simem:s7], [sflag:s8] =	dma.local @!p0 [hbm:s6], $0xF7A  }
0x23: {  	s9 =	sor.u32 $0xD0000000, s2;
	s6 =	simm.s32 $0x108;
	_ =	swait.ge @!p0 [sflag:s8], $0x0  }
0x24: {  	s3 =	sadd.s32 $0x88, s3;
	s6 =	simm.s32 @!p1 $0x1082;
	[sflag:s4] =	ssyncset.s32 $0xFFFFF086  }
0x25: {  	[simem:s6], [sflag:s4] =	dma.local [hbm:s3], $0xF7A  }
0x26: {  	[smem:$0x3F72] =	sst s1;
	(tag) =	ssettag s2;
	_ =	strace s9  }
0x27: {  	s1 =	sld [smem:$0x3F82]  }
0x28: {  	s2 =	sld [smem:$0x3F83]  }
0x29: {  	s4 =	sld [smem:$0x3F85]  }
0x2a: {  	p0 =	seq.s32 s5, $0x0;
	s5 =	sld [smem:$0x3F86]  }
0x2b: {  	s6 =	sld [smem:$0x3F87]  }
0x2c: {  	s7 =	sld [smem:$0x3F88]  }
0x2d: {  	s3 =	simm.s32 $0x108;
	s8 =	sld [smem:$0x3F89]  }
0x2e: {  	s3 =	simm.s32 @!p0 $0x1082;
	s9 =	sld [smem:$0x3F8A]  }
0x2f: {  	lr =	sadd.s32 s0, s3;
	s0 =	sld [smem:$0x3F81]  }
0x30: {  	s3 =	sld [smem:$0x3F84]  }
0x31: {  	[smem:$0x3F8D] =	sst s10  }
0x32: {  	s10 =	sld [smem:$0x3F8B];
	_ =	sdelay $0x3  }
0x33: {  	p0 =	seq.s32 s10, $0x1;
	s10 =	sld [smem:$0x3F8D];
	_ =	sdelay $0x3  }
0x34: {  	[smem:$0x3F8D] =	sst s10  }
0x35: {  	s10 =	sld [smem:$0x3F8C];
	_ =	sdelay $0x3  }
0x36: {  	p1 =	seq.s32 s10, $0x1;
	s10 =	sld [smem:$0x3F8D];
	_ =	sdelay $0x3  }
0x37: {  	[smem:$0x3F8D] =	sst s10  }
0x38: {  	s10 =	sld [smem:$0x3F8E]  }
0x39: {  	_ = 	snop;
	(pc) =	sbr.ind lr, $3  }
0x3a: {  	_ = 	snop  }
0x3b: {  	_ = 	snop  }
0x3c: {  	p2 =	seq.s32 s10, $0x1;
	s10 =	sld [smem:$0x3F8D]  }
0x3d: {  	_ =	shalt  }
0x3e: {  	_ =	shalt  }
0x3f: {  	_ =	shalt  }
0x40: {  	_ =	shalt  }
0x41: {  	_ =	shalt  }
0x42: {  	_ =	shalt  }
0x43: {  	_ =	shalt  }
0x44: {  	_ =	shalt  }
0x45: {  	_ =	shalt  }
0x46: {  	_ =	shalt  }
0x47: {  	_ =	shalt  }
0x48: {  	_ =	shalt  }
0x49: {  	_ =	shalt  }
0x4a: {  	_ =	shalt  }
0x4b: {  	_ =	shalt  }
0x4c: {  	_ =	shalt  }
0x4d: {  	_ =	shalt  }
0x4e: {  	_ =	shalt  }
0x4f: {  	_ =	shalt  }
0x50: {  	_ =	shalt  }
0x51: {  	_ =	shalt  }
0x52: {  	_ =	shalt  }
0x53: {  	_ =	shalt  }
0x54: {  	_ =	shalt  }
0x55: {  	_ =	shalt  }
0x56: {  	_ =	shalt  }
0x57: {  	_ =	shalt  }
0x58: {  	_ =	shalt  }
0x59: {  	_ =	shalt  }
0x5a: {  	_ =	shalt  }
0x5b: {  	_ =	shalt  }
0x5c: {  	_ =	shalt  }
0x5d: {  	_ =	shalt  }
0x5e: {  	_ =	shalt  }
0x5f: {  	_ =	shalt  }
0x60: {  	_ =	shalt  }
0x61: {  	_ =	shalt  }
0x62: {  	_ =	shalt  }
0x63: {  	_ =	shalt  }
0x64: {  	_ =	shalt  }
0x65: {  	_ =	shalt  }
0x66: {  	_ =	shalt  }
0x67: {  	_ =	shalt  }
0x68: {  	_ =	shalt  }
0x69: {  	_ =	shalt  }
0x6a: {  	_ =	shalt  }
0x6b: {  	_ =	shalt  }
0x6c: {  	_ =	shalt  }
0x6d: {  	_ =	shalt  }
0x6e: {  	_ =	shalt  }
0x6f: {  	_ =	shalt  }
0x70: {  	_ =	shalt  }
0x71: {  	_ =	shalt  }
0x72: {  	_ =	shalt  }
0x73: {  	_ =	shalt  }
0x74: {  	_ =	shalt  }
0x75: {  	_ =	shalt  }
0x76: {  	_ =	shalt  }
0x77: {  	_ =	shalt  }
0x78: {  	_ =	shalt  }
0x79: {  	_ =	shalt  }
0x7a: {  	_ =	shalt  }
0x7b: {  	_ =	shalt  }
0x7c: {  	_ =	shalt  }
0x7d: {  	_ =	shalt  }
0x7e: {  	_ =	shalt  }
0x7f: {  	_ =	shalt  }
0x80: {  	_ =	shalt  }
0x81: {  	_ =	shalt  }
0x82: {  	_ =	shalt  }
0x83: {  	_ =	shalt  }
0x84: {  	_ =	shalt  }
0x85: {  	_ =	shalt  }
0x86: {  	_ =	shalt  }
0x87: {  	_ =	shalt  }
.Lfunc_end0:
.L_simem_size_0:
called_computation.1_lowered:
.L_overlay_start_0:
0x88: {  	s2 =	sld [smem:$0x3FD9]  }
0x89: {  	s3 =	sld [smem:$0x3FFE];
	_ =	sdelay $0x1  }
0x8a: {  	s1 =	srdreg.scid  }
0x8b: {  	s0 =	sand.u32 $0x1, s1  }
0x8c: {  	s16 =	sshll.u32 s0, $0xA;
	s2 =	sadd.s32 s3, s2  }
0x8d: {  	s2 =	sadd.s32 s2, s16  }
0x8e: {  	[smem:$0x3F99] =	sst s2  }
0x8f: {  	_ = 	snop  }
0x90: {  	(tm) =	ssettm $0x1  }
0x91: {  	s17 =	sld [smem:$0x3FFB];
	_ =	sdelay $0x3  }
0x92: {  	_ =	strace s17  }
0x93: {  	s2 =	sld [smem:$0x3FFC];
	_ =	sdelay $0x3  }
0x94: {  	_ =	strace s2  }
0x95: {  	s2 =	sld [smem:$0x3FFD];
	_ =	sdelay $0x3  }
0x96: {  	_ =	strace s2  }
0x97: {  	_ =	strace $0x8FFFFFFF  }
0x98: {  	s18 =	sld [smem:$0x3FDB];
	_ =	sdelay $0x1  }
0x99: {  	s19 =	simm.s32 $_scs_section_size  }
0x9a: {  	s4 =	simm.s32 $_size__tile_overlayer_lowered;
	s5 =	simm.s32 $_tile_overlayer_lowered  }
0x9b: {  	s22 =	simm.s32 $0x1BFF;
	s21 =	sshll.u32 s5, $0x1;
	s2 =	sadd.s32 s19, s18  }
0x9c: {  	s6 =	simm.s32 $0x0;
	s20 =	sshll.u32 s4, $0x1;
	s4 =	sadd.s32 s21, s2  }
0x9d: {  	[timem:s6], [sflag:s22] =	dma.local [hbm:s4], s20  }
0x9e: {  	_ =	swait.ge [sflag:s22], s20  }
0x9f: {  	s3 =	ssub.s32 $0x0, s20;
	[sflag:s22] =	ssyncset.done $0x0  }
0xa0: {  	[sflag:s22] =	ssyncadd.s32 s3;
	_ =	sdelay $0x1  }
0xa1: {  	s23 =	simm.s32 $0x1B8B  }
0xa2: {  	_ =	swait.ge [sflag:s23], $0x1  }
0xa3: {  	[sflag:s23] =	ssyncset.done $0x0  }
0xa4: {  	s25 =	simm.s32 $0x1B8E;
	s24 =	sld [smem:$0x3FFE];
	[sflag:s23] =	ssyncadd.s32 $0xFFFFFFFF  }
0xa5: {  	s26 =	simm.s32 $execute0_lowered;
	[smem:$0x3FD2] =	sst s25  }
0xa6: {  	s4 =	sshll.u32 s26, $0x1;
	_ =	strace $0x80000049;
	[dreg:$0x1] =	wrdreg $0xFFFFFFFF  }
0xa7: {  	s28 =	simm.s32 $_size_execute0_lowered;
	s2 =	sadd.s32 s2, s4;
	[dreg:$0x0] =	wrdreg $0x0  }
0xa8: {  	s4 =	sshll.u32 s28, $0x1;
	[dreg:$0x2] =	wrdreg s2  }
0xa9: {  	[dreg:$0x3] =	wrdreg s4  }
0xaa: {  	[dreg:$0x4] =	wrdreg $0xC0  }
0xab: {  	_ =	task [dreg:s6], $0x5FFFF  }
0xac: {  	[dreg:$0x1] =	wrdreg $0xFFFFFFFF  }
0xad: {  	[dreg:$0x0] =	wrdreg $0x60  }
0xae: {  	[dreg:$0x2] =	wrdreg s24  }
0xaf: {  	[dreg:$0x3] =	wrdreg $0x97000  }
0xb0: {  	[dreg:$0x4] =	wrdreg $0x9  }
0xb1: {  	_ =	task.clear_ibuf [dreg:s6], $0x5FFFF;
	_ =	strace $0x90000049  }
0xb2: {  	s29 =	simm.s32 $0x9;
	_ =	strace $0x8000004B  }
0xb3: {  	_ =	swait.ge [sflag:s29], $0x1  }
0xb4: {  	[sflag:s29] =	ssyncadd.s32 $0xFFFFFFFF  }
0xb5: {  	_ =	strace $0x9000004B  }
0xb6: {  	_ =	sfence  }
0xb7: {  	s30 =	sld [smem:$0x0];
	_ =	sdelay $0x2  }
0xb8: {  	s31 =	sshll.u32 s1, $0xD;
	s1 =	sshrl.u32 s1, $0x2  }
0xb9: {  	s3 =	sand.u32 $0x4000, s31;
	s1 =	sadd.s32 s1, s30  }
0xba: {  	s0 =	sor.u32 s3, s0;
	s1 =	sshll.u32 s1, $0x11  }
0xbb: {  	s0 =	sor.u32 s1, s0  }
0xbc: {  	s0 =	sadd.s32 $0x8F2B, s0  }
0xbd: {  	[sflag:s0] =	ssyncadd.remote.s32 $0x1  }
0xbe: {  	_ =	sfence.sel $0xFFFF  }
0xbf: {  	[dreg:$0x0] =	wrdreg $0xFFFFFFFF;
	(pc) =	sbr.abs _section_cstart, $3  }
0xc0: {  	[dreg:$0x1] =	wrdreg $0xFFFFFFFF  }
0xc1: {  	_ =	task.clear_ibuf [dreg:s6], $0x2FFFF;
	_ =	strace $0x9FFFFFFF  }
0xc2: {  	(tm) =	ssettm $0x7FFFFFFF  }
0xc3: {  	_ =	shalt  }
tec
execute0_lowered:
.L_overlay_start_1:
0x0: {  	(tag) =	ssettag $0x1  }
0x1: {  	s6 =	rddreg [dreg:$0x0]  }
0x2: {  	s0 =	srdreg.scid;
	s2 =	rddreg [dreg:$0x1];
	s3 =	simm.s32 $0x0  }
0x3: {  	s11 =	simm.s32 $0x2780;
	s14 =	simm.s32 $0x40;
	s15 =	simm.s32 $0x4F00  }
0x4: {  	s16 =	simm.s32 $0x7300;
	s17 =	simm.s32 $0x1;
	s18 =	simm.s32 $0x2  }
0x5: {  	s19 =	simm.s32 $0x2740;
	s20 =	simm.s32 $0x4E80;
	s21 =	simm.s32 $0x4EC0  }
0x6: {  	s22 =	simm.s32 $0x0;
	s5 =	sand.u32 $0x1, s0;
	s0 =	stileid.u32  }
0x7: {  	[smem:$0x7FF] =	sst s3;
	s4 =	sadd.s32 $0x8400, s6;
	s8 =	smul.u32 $0x2C70, s0  }
0x8: {  	s1 =	sshll.u32 s5, $0x4;
	s9 =	smul.u32 $0x2C700, s5;
	s30 =	ssub.s32 $0x2, s5  }
0x9: {  	s10 =	smul.u32 $0x58E00, s0;
	s5 =	sadd.s32 $0x3E400, s6;
	s12 =	sshll.u32 s0, $0x6  }
0xa: {  	s1 =	sor.u32 s0, s1;
	s31 =	sshrl.u32 s30, $0x1;
	s12 =	sor.u32 $0x1C03, s12  }
0xb: {  	s7 =	smul.u32 $0x4F0, s1;
	s1 =	rddreg [dreg:$0x2];
	_ =	strace $0x8000004A  }
0xc: {  	s8 =	sadd.s32 s8, s9;
	s9 =	ssub.s32 s30, s31;
	s10 =	sshrl.u32 s10, $0x2  }
0xd: {  	s8 =	sadd.s32 s8, s6;
	s13 =	sadd.s32 s10, s2;
	s9 =	smax.u32 s9, $0x1  }
0xe: {  	s10 =	simm.s32 $0x3;
	s7 =	sadd.s32 s7, s6;
	s8 =	sadd.s32 $0x81E00, s8  }
0xf: {  	s13 =	sshrl.u32 s13, $0x3;
	s6 =	sadd.s32 $0x78000, s7;
	s7 =	sadd.s32 $0x6E200, s7  }
.LBB2_1:
0x10: {  	[tilespmem:s3], [sflag:$0x3] =	stream.linear.gather [hbm4b:s6+s3], $0x2780, $0x38;
	[tilespmem:$0x1FA80] =	vst v63  }
0x11: {  	_ =	swait.ge [sflag:s10], $0x2780  }
0x12: {  	[sflag:s10] =	ssyncset.done $0x0  }
0x13: {  	[sflag:s10] =	ssyncadd.s32 $0xFFFFD880  }
0x14: {  	[tilespmem:s11], [sflag:$0x3] =	stream.linear.gather [hbm4b:s7+s3], $0x2780, $0x38;
	[tilespmem:$0x1FA80] =	vst v63  }
0x15: {  	_ =	swait.ge [sflag:s10], $0x2780  }
0x16: {  	[sflag:s10] =	ssyncset.done $0x0  }
0x17: {  	[sflag:s10] =	ssyncadd.s32 $0xFFFFD880  }
0x18: {  	[spmem:s13], [sflag:s12] =	dma.local [hbm:s5], $0x2C70  }
0x19: {  	_ =	swait.ge [sflag:s10], $0x2C70  }
0x1a: {  	[sflag:s10] =	ssyncset.done $0x0  }
0x1b: {  	[sflag:s10] =	ssyncadd.s32 $0xFFFFD390  }
0x1c: {  	[bflag:$0x0] =	sbarrier.arrive $0xFFFF  }
0x1d: {  	[tilespmem:s15], [sflag:$0x1] =	stream.indirect.gather [hbm4b:s4+s14], $0x90, s3, s14, $0xb8;
	[tilespmem:$0x1FA80] =	vst v63  }
0x1e: {  	s23 =	simm.s32 $0x40  }
0x1f: {  	[tilespmem:s16], [sflag:$0x2] =	stream.indirect.gather [hbm4b:s4+s14], $0x90, s23, s14, $0xb8;
	[tilespmem:$0x1FA80] =	vst v63  }
0x20: {  	_ =	swait.ge [sflag:s17], $0x2400  }
0x21: {  	[sflag:s17] =	ssyncset.done $0x0  }
0x22: {  	s29 =	simm.s32 $0x2780;
	[sflag:s17] =	ssyncadd.s32 $0xFFFFDC00  }
0x23: {  	[spmem:s2] =	stream.indirect.scatter.add.f32 [tilespmem:s15], [sflag:$0x3], $0x90, s29, s14, $0xb8;
	[tilespmem:$0x1FA80] =	vst v63  }
0x24: {  	_ =	swait.ge [sflag:s10], $0x2400  }
0x25: {  	[sflag:s10] =	ssyncset.done $0x0  }
0x26: {  	s30 =	simm.s32 $0x80;
	[sflag:s10] =	ssyncadd.s32 $0xFFFFDC00  }
0x27: {  	[tilespmem:s15], [sflag:$0x1] =	stream.indirect.gather [hbm4b:s4+s14], $0x90, s30, s14, $0xb8;
	[tilespmem:$0x1FA80] =	vst v63  }
0x28: {  	_ =	swait.ge [sflag:s18], $0x2400  }
0x29: {  	[sflag:s18] =	ssyncset.done $0x0  }
0x2a: {  	s31 =	simm.s32 $0x27C0;
	[sflag:s18] =	ssyncadd.s32 $0xFFFFDC00  }
0x2b: {  	[spmem:s2] =	stream.indirect.scatter.add.f32 [tilespmem:s16], [sflag:$0x3], $0x90, s31, s14, $0xb8;
	[tilespmem:$0x1FA80] =	vst v63  }
0x2c: {  	_ =	swait.ge [sflag:s10], $0x2400  }
0x2d: {  	s24 =	simm.s32 $0x400;
	s23 =	simm.s32 $0x80;
	[sflag:s10] =	ssyncset.done $0x0  }
.LBB2_2:
0x2e: {  	s25 =	sadd.s32 $0x40, s23  }
0x2f: {  	[sflag:s10] =	ssyncadd.s32 $0xFFFFDC00;
	s26 =	smov.u32 s24;
	s28 =	sadd.s32 $0x200, s24  }
0x30: {  	[tilespmem:s16], [sflag:$0x2] =	stream.indirect.gather [hbm4b:s4+s14], $0x90, s25, s14, $0xb8;
	[tilespmem:$0x1FA80] =	vst v63  }
0x31: {  	p0 =	sne.s32 s24, $0x9A00;
	_ =	swait.ge [sflag:s17], $0x2400  }
0x32: {  	[sflag:s17] =	ssyncset.done $0x0  }
0x33: {  	s24 =	sadd.s32 $0x2780, s23;
	[sflag:s17] =	ssyncadd.s32 $0xFFFFDC00  }
0x34: {  	[spmem:s2] =	stream.indirect.scatter.add.f32 [tilespmem:s15], [sflag:$0x3], $0x90, s24, s14, $0xb8;
	[tilespmem:$0x1FA80] =	vst v63  }
0x35: {  	_ =	swait.ge [sflag:s10], $0x2400  }
0x36: {  	[sflag:s10] =	ssyncset.done $0x0  }
0x37: {  	s24 =	sadd.s32 $0x80, s23;
	[sflag:s10] =	ssyncadd.s32 $0xFFFFDC00  }
0x38: {  	[tilespmem:s15], [sflag:$0x1] =	stream.indirect.gather [hbm4b:s4+s14], $0x90, s24, s14, $0xb8;
	[tilespmem:$0x1FA80] =	vst v63  }
0x39: {  	_ =	swait.ge [sflag:s18], $0x2400  }
.Ltmp0:
0x3a: {  	[sflag:s18] =	ssyncset.done $0x0;
	(pc) =	sbr.rel @p0 .LBB2_2-.Ltmp0, $4  }
0x3b: {  	s23 =	sadd.s32 $0x27C0, s23;
	[sflag:s18] =	ssyncadd.s32 $0xFFFFDC00  }
0x3c: {  	[spmem:s2] =	stream.indirect.scatter.add.f32 [tilespmem:s16], [sflag:$0x3], $0x90, s23, s14, $0xb8;
	[tilespmem:$0x1FA80] =	vst v63  }
0x3d: {  	_ =	swait.ge [sflag:s10], $0x2400  }
0x3e: {  	s24 =	smov.u32 s28;
	s23 =	sshra.s32 s26, $0x2;
	[sflag:s10] =	ssyncset.done $0x0  }
0x3f: {  	s24 =	sadd.s32 $0x40, s23;
	[sflag:s10] =	ssyncadd.s32 $0xFFFFDC00  }
0x40: {  	[tilespmem:s16], [sflag:$0x2] =	stream.indirect.gather [hbm4b:s4+s14], $0x90, s24, s14, $0xb8;
	[tilespmem:$0x1FA80] =	vst v63  }
0x41: {  	_ =	swait.ge [sflag:s17], $0x2400  }
0x42: {  	[sflag:s17] =	ssyncset.done $0x0  }
0x43: {  	s29 =	sadd.s32 $0x2780, s23;
	[sflag:s17] =	ssyncadd.s32 $0xFFFFDC00  }
0x44: {  	[spmem:s2] =	stream.indirect.scatter.add.f32 [tilespmem:s15], [sflag:$0x3], $0x90, s29, s14, $0xb8;
	[tilespmem:$0x1FA80] =	vst v63  }
0x45: {  	_ =	swait.ge [sflag:s10], $0x2400  }
0x46: {  	[sflag:s10] =	ssyncset.done $0x0  }
0x47: {  	s30 =	sadd.s32 $0x80, s23;
	[sflag:s10] =	ssyncadd.s32 $0xFFFFDC00  }
0x48: {  	[tilespmem:s15], [sflag:$0x1] =	stream.indirect.gather [hbm4b:s4+s14], $0x90, s30, s14, $0xb8;
	[tilespmem:$0x1FA80] =	vst v63  }
0x49: {  	_ =	swait.ge [sflag:s18], $0x2400  }
0x4a: {  	[sflag:s18] =	ssyncset.done $0x0  }
0x4b: {  	s31 =	sadd.s32 $0x27C0, s23;
	[sflag:s18] =	ssyncadd.s32 $0xFFFFDC00  }
0x4c: {  	[spmem:s2] =	stream.indirect.scatter.add.f32 [tilespmem:s16], [sflag:$0x3], $0x90, s31, s14, $0xb8;
	[tilespmem:$0x1FA80] =	vst v63  }
0x4d: {  	_ =	swait.ge [sflag:s10], $0x2400  }
0x4e: {  	[sflag:s10] =	ssyncset.done $0x0  }
0x4f: {  	[sflag:s10] =	ssyncadd.s32 $0xFFFFDC00  }
0x50: {  	[tilespmem:s16], [sflag:$0x2] =	stream.indirect.gather [hbm4b:s4+s14], $0x90, s19, s14, $0xb8;
	[tilespmem:$0x1FA80] =	vst v63  }
0x51: {  	_ =	swait.ge [sflag:s17], $0x2400  }
0x52: {  	[sflag:s17] =	ssyncset.done $0x0  }
0x53: {  	[sflag:s17] =	ssyncadd.s32 $0xFFFFDC00  }
0x54: {  	[spmem:s2] =	stream.indirect.scatter.add.f32 [tilespmem:s15], [sflag:$0x3], $0x90, s20, s14, $0xb8;
	[tilespmem:$0x1FA80] =	vst v63  }
0x55: {  	_ =	swait.ge [sflag:s10], $0x2400  }
0x56: {  	[sflag:s10] =	ssyncset.done $0x0  }
0x57: {  	[sflag:s10] =	ssyncadd.s32 $0xFFFFDC00  }
0x58: {  	_ =	swait.ge [sflag:s18], $0x2400  }
0x59: {  	[sflag:s18] =	ssyncset.done $0x0  }
0x5a: {  	[sflag:s18] =	ssyncadd.s32 $0xFFFFDC00  }
0x5b: {  	[spmem:s2] =	stream.indirect.scatter.add.f32 [tilespmem:s16], [sflag:$0x3], $0x90, s21, s14, $0xb8;
	[tilespmem:$0x1FA80] =	vst v63  }
0x5c: {  	_ =	swait.ge [sflag:s10], $0x2400  }
0x5d: {  	s22 =	sadd.s32 $0x1, s22;
	[sflag:s10] =	ssyncset.done $0x0  }
0x5e: {  	p0 =	sne.s32 s22, s9;
	[sflag:s10] =	ssyncadd.s32 $0xFFFFDC00  }
.Ltmp1:
0x5f: {  	[bflag:$0x0] =	sbarrier.arrive $0xFFFF;
	(pc) =	sbr.rel @p0 .LBB2_1-.Ltmp1, $4  }
0x60: {  	[hbm:s8], [sflag:s12] =	dma.local [spmem:s13], $0x2C70  }
0x61: {  	_ =	swait.ge [sflag:s10], $0x2C70  }
0x62: {  	[sflag:s10] =	ssyncset.done $0x0  }
0x63: {  	[sflag:s10] =	ssyncadd.s32 $0xFFFFD390  }
0x64: {  	_ =	sfence.sel $0x180000  }
0x65: {  	[bflag:$0x0] =	sbarrier.arrive $0xFFFF  }
0x66: {  	p0 =	sne.s32 s0, $0x0;
	_ =	strace $0x9000004A  }
0x67: {  	s0 =	sadd.s32 @!p0 $0x100000, s1;
	[bflag:$0x2] =	sbarrier.arrive $0xFFFF  }
0x68: {  	[sflag:s0] =	ssyncadd.tile.s32 @!p0 $0x1;
	_ =	shalt  }
.Lfunc_end2:
_tile_overlayer_lowered:
.L_overlay_start_2:
0x69: {  	(tag) =	ssettag $0x2  }
0x6a: {  	s0 =	rddreg [dreg:$0x0];
	s2 =	stileid.u32  }
0x6b: {  	s1 =	rddreg [dreg:$0x1];
	p0 =	sne.s32 s2, $0x0  }
0x6c: {  	s3 =	rddreg [dreg:$0x2];
	[bflag:$0x3] =	sbarrier.arrive $0xFFFF;
	s2 =	simm.s32 @!p0 $0x1C03  }
0x6d: {  	[timem:s3], [sflag:s2] =	dma.local @!p0 [hbm:s0], s1  }
0x6e: {  	s0 =	simm.s32 @!p0 $0x3  }
0x6f: {  	_ =	swait.ge @!p0 [sflag:s0], s1  }
0x70: {  	s1 =	ssub.s32 @!p0 $0x0, s1;
	[sflag:s0] =	ssyncset.done @!p0 $0x0  }
0x71: {  	[sflag:s0] =	ssyncadd.s32 @!p0 s1  }
0x72: {  	[bflag:$0x3] =	sbarrier.arrive $0xFFFF  }
0x73: {  	_ =	shalt  }

// kernel: kernel.17.cloned.1.call-start
scs
__scs_entry_jumppad:
0x0: {  	(pc) =	sbr.rel $0x88, $3  }
0x1: {  	(tag) =	ssettag $0x0;
	lr =	simm.s32 $0x1  }
0x2: {  	[smem:$0x3F72] =	sst lr;
	_ =	strace $0xD0000000  }
0x3: {  	_ = 	snop  }
0x4: {  	_ = 	snop  }
0x5: {  	_ = 	snop  }
0x6: {  	_ = 	snop  }
0x7: {  	_ = 	snop  }
__scs_overlays_trampoline_lowered:
0x8: {  	[smem:$0x3F81] =	sst s0  }
0x9: {  	[smem:$0x3F82] =	sst s1  }
0xa: {  	[smem:$0x3F83] =	sst s2  }
0xb: {  	[smem:$0x3F84] =	sst s3  }
0xc: {  	[smem:$0x3F85] =	sst s4  }
0xd: {  	[smem:$0x3F86] =	sst s5  }
0xe: {  	[smem:$0x3F87] =	sst s6  }
0xf: {  	[smem:$0x3F88] =	sst s7  }
0x10: {  	[smem:$0x3F89] =	sst s8  }
0x11: {  	[smem:$0x3F8A] =	sst s9;
	s0 =	simm.s32 @!p0 $0x0  }
0x12: {  	s1 =	sld [smem:$0x3F70];
	s0 =	simm.s32 @p0 $0x1  }
0x13: {  	[smem:$0x3F8B] =	sst s0;
	s0 =	simm.s32 @!p1 $0x0  }
0x14: {  	s2 =	sld [smem:$0x3F6F];
	s0 =	simm.s32 @p1 $0x1  }
0x15: {  	[smem:$0x3F8C] =	sst s0;
	s0 =	simm.s32 @!p2 $0x0  }
0x16: {  	s3 =	sld [smem:$0x3FDB];
	s0 =	simm.s32 @p2 $0x1  }
0x17: {  	s4 =	simm.s32 $0x1BF5;
	[smem:$0x3F8E] =	sst s0  }
0x18: {  	s0 =	sld [smem:$0x3F71];
	_ =	swait.ge [sflag:s4], $0x0  }
0x19: {  	s7 =	sld [smem:$0x3F72]  }
0x1a: {  	s8 =	sadd.s32 $0xFFFFE003, lr  }
0x1b: {  	s9 =	sadd.s32 $0xFFFFFEF7, lr;
	s5 =	simm.s32 $0xFFFFFFFF;
	p2 =	slt.u32 s8, $0xFFFFF086  }
0x1c: {  	p1 =	slt.u32 s9, $0xF7A;
	s5 =	simm.s32 @!p2 $0x0  }
0x1d: {  	s5 =	simm.s32 @p1 $0x1;
	p0 =	seq.s32 s7, s2  }
0x1e: {  	s7 =	smul.u32 @!p0 $0xF7A, s2;
	p2 =	seq.s32 @!p0 s5, $0x0  }
0x1f: {  	s9 =	smul.u32 $0xF7A, s1;
	s8 =	simm.s32 @!p0 $0x1BF5;
	p2 =	por !p2, p0  }
0x20: {  	[sflag:s8] =	ssyncset.s32 @!p0 $0xFFFFF086;
	s6 =	sadd.s32 @!p0 s3, s7;
	s7 =	simm.s32 @!p0 $0x108  }
0x21: {  	s3 =	sadd.s32 s3, s9;
	s6 =	sadd.s32 @!p0 $0x88, s6;
	s7 =	simm.s32 @p2 $0x1082  }
0x22: {  	[simem:s7], [sflag:s8] =	dma.local @!p0 [hbm:s6], $0xF7A  }
0x23: {  	s9 =	sor.u32 $0xD0000000, s2;
	s6 =	simm.s32 $0x108;
	_ =	swait.ge @!p0 [sflag:s8], $0x0  }
0x24: {  	s3 =	sadd.s32 $0x88, s3;
	s6 =	simm.s32 @!p1 $0x1082;
	[sflag:s4] =	ssyncset.s32 $0xFFFFF086  }
0x25: {  	[simem:s6], [sflag:s4] =	dma.local [hbm:s3], $0xF7A  }
0x26: {  	[smem:$0x3F72] =	sst s1;
	(tag) =	ssettag s2;
	_ =	strace s9  }
0x27: {  	s1 =	sld [smem:$0x3F82]  }
0x28: {  	s2 =	sld [smem:$0x3F83]  }
0x29: {  	s4 =	sld [smem:$0x3F85]  }
0x2a: {  	p0 =	seq.s32 s5, $0x0;
	s5 =	sld [smem:$0x3F86]  }
0x2b: {  	s6 =	sld [smem:$0x3F87]  }
0x2c: {  	s7 =	sld [smem:$0x3F88]  }
0x2d: {  	s3 =	simm.s32 $0x108;
	s8 =	sld [smem:$0x3F89]  }
0x2e: {  	s3 =	simm.s32 @!p0 $0x1082;
	s9 =	sld [smem:$0x3F8A]  }
0x2f: {  	lr =	sadd.s32 s0, s3;
	s0 =	sld [smem:$0x3F81]  }
0x30: {  	s3 =	sld [smem:$0x3F84]  }
0x31: {  	[smem:$0x3F8D] =	sst s10  }
0x32: {  	s10 =	sld [smem:$0x3F8B];
	_ =	sdelay $0x3  }
0x33: {  	p0 =	seq.s32 s10, $0x1;
	s10 =	sld [smem:$0x3F8D];
	_ =	sdelay $0x3  }
0x34: {  	[smem:$0x3F8D] =	sst s10  }
0x35: {  	s10 =	sld [smem:$0x3F8C];
	_ =	sdelay $0x3  }
0x36: {  	p1 =	seq.s32 s10, $0x1;
	s10 =	sld [smem:$0x3F8D];
	_ =	sdelay $0x3  }
0x37: {  	[smem:$0x3F8D] =	sst s10  }
0x38: {  	s10 =	sld [smem:$0x3F8E]  }
0x39: {  	_ = 	snop;
	(pc) =	sbr.ind lr, $3  }
0x3a: {  	_ = 	snop  }
0x3b: {  	_ = 	snop  }
0x3c: {  	p2 =	seq.s32 s10, $0x1;
	s10 =	sld [smem:$0x3F8D]  }
0x3d: {  	_ =	shalt  }
0x3e: {  	_ =	shalt  }
0x3f: {  	_ =	shalt  }
0x40: {  	_ =	shalt  }
0x41: {  	_ =	shalt  }
0x42: {  	_ =	shalt  }
0x43: {  	_ =	shalt  }
0x44: {  	_ =	shalt  }
0x45: {  	_ =	shalt  }
0x46: {  	_ =	shalt  }
0x47: {  	_ =	shalt  }
0x48: {  	_ =	shalt  }
0x49: {  	_ =	shalt  }
0x4a: {  	_ =	shalt  }
0x4b: {  	_ =	shalt  }
0x4c: {  	_ =	shalt  }
0x4d: {  	_ =	shalt  }
0x4e: {  	_ =	shalt  }
0x4f: {  	_ =	shalt  }
0x50: {  	_ =	shalt  }
0x51: {  	_ =	shalt  }
0x52: {  	_ =	shalt  }
0x53: {  	_ =	shalt  }
0x54: {  	_ =	shalt  }
0x55: {  	_ =	shalt  }
0x56: {  	_ =	shalt  }
0x57: {  	_ =	shalt  }
0x58: {  	_ =	shalt  }
0x59: {  	_ =	shalt  }
0x5a: {  	_ =	shalt  }
0x5b: {  	_ =	shalt  }
0x5c: {  	_ =	shalt  }
0x5d: {  	_ =	shalt  }
0x5e: {  	_ =	shalt  }
0x5f: {  	_ =	shalt  }
0x60: {  	_ =	shalt  }
0x61: {  	_ =	shalt  }
0x62: {  	_ =	shalt  }
0x63: {  	_ =	shalt  }
0x64: {  	_ =	shalt  }
0x65: {  	_ =	shalt  }
0x66: {  	_ =	shalt  }
0x67: {  	_ =	shalt  }
0x68: {  	_ =	shalt  }
0x69: {  	_ =	shalt  }
0x6a: {  	_ =	shalt  }
0x6b: {  	_ =	shalt  }
0x6c: {  	_ =	shalt  }
0x6d: {  	_ =	shalt  }
0x6e: {  	_ =	shalt  }
0x6f: {  	_ =	shalt  }
0x70: {  	_ =	shalt  }
0x71: {  	_ =	shalt  }
0x72: {  	_ =	shalt  }
0x73: {  	_ =	shalt  }
0x74: {  	_ =	shalt  }
0x75: {  	_ =	shalt  }
0x76: {  	_ =	shalt  }
0x77: {  	_ =	shalt  }
0x78: {  	_ =	shalt  }
0x79: {  	_ =	shalt  }
0x7a: {  	_ =	shalt  }
0x7b: {  	_ =	shalt  }
0x7c: {  	_ =	shalt  }
0x7d: {  	_ =	shalt  }
0x7e: {  	_ =	shalt  }
0x7f: {  	_ =	shalt  }
0x80: {  	_ =	shalt  }
0x81: {  	_ =	shalt  }
0x82: {  	_ =	shalt  }
0x83: {  	_ =	shalt  }
0x84: {  	_ =	shalt  }
0x85: {  	_ =	shalt  }
0x86: {  	_ =	shalt  }
0x87: {  	_ =	shalt  }
.Lfunc_end0:
.L_simem_size_0:
called_computation.2_lowered:
.L_overlay_start_0:
0x88: {  	s2 =	sld [smem:$0x3FD9]  }
0x89: {  	s3 =	sld [smem:$0x3FFE];
	_ =	sdelay $0x1  }
0x8a: {  	s1 =	srdreg.scid  }
0x8b: {  	s0 =	sand.u32 $0x1, s1  }
0x8c: {  	s17 =	sshll.u32 s0, $0xA;
	s2 =	sadd.s32 s3, s2  }
0x8d: {  	s2 =	sadd.s32 s2, s17  }
0x8e: {  	[smem:$0x3F99] =	sst s2  }
0x8f: {  	_ = 	snop  }
0x90: {  	s2 =	sld [smem:$0x3FD0];
	(tm) =	ssettm $0x1  }
0x91: {  	s18 =	sld [smem:$0x3FFB];
	_ =	sdelay $0x3  }
0x92: {  	_ =	strace s18  }
0x93: {  	s3 =	sld [smem:$0x3FFC];
	_ =	sdelay $0x3  }
0x94: {  	_ =	strace s3  }
0x95: {  	s3 =	sld [smem:$0x3FFD];
	_ =	sdelay $0x3  }
0x96: {  	_ =	strace s3  }
0x97: {  	_ =	strace $0x8FFFFFFF  }
0x98: {  	s19 =	sld [smem:$0x3FDB];
	_ =	sdelay $0x1  }
0x99: {  	s4 =	simm.s32 $_scs_section_size  }
0x9a: {  	s5 =	simm.s32 $_size__tile_overlayer_lowered;
	s6 =	simm.s32 $_tile_overlayer_lowered  }
0x9b: {  	s22 =	simm.s32 $0x1BFF;
	s21 =	sshll.u32 s6, $0x1;
	s3 =	sadd.s32 s4, s19  }
0x9c: {  	s7 =	simm.s32 $0x0;
	s20 =	sshll.u32 s5, $0x1;
	s5 =	sadd.s32 s21, s3  }
0x9d: {  	[timem:s7], [sflag:s22] =	dma.local [hbm:s5], s20  }
0x9e: {  	_ =	swait.ge [sflag:s22], s20  }
0x9f: {  	s4 =	ssub.s32 $0x0, s20;
	[sflag:s22] =	ssyncset.done $0x0  }
0xa0: {  	[sflag:s22] =	ssyncadd.s32 s4;
	_ =	sdelay $0x1  }
0xa1: {  	s23 =	simm.s32 $0x1B8B  }
0xa2: {  	_ =	swait.ge [sflag:s23], $0x1  }
0xa3: {  	[sflag:s23] =	ssyncset.done $0x0  }
0xa4: {  	s25 =	simm.s32 $0x1B8E;
	s24 =	sld [smem:$0x3FFE];
	[sflag:s23] =	ssyncadd.s32 $0xFFFFFFFF  }
0xa5: {  	s26 =	simm.s32 $execute0_lowered;
	[smem:$0x3FD2] =	sst s25  }
0xa6: {  	s5 =	sshll.u32 s26, $0x1;
	_ =	strace $0x8000004C;
	[dreg:$0x1] =	wrdreg $0xFFFFFFFF  }
0xa7: {  	s28 =	simm.s32 $_size_execute0_lowered;
	s3 =	sadd.s32 s3, s5;
	[dreg:$0x0] =	wrdreg $0x0  }
0xa8: {  	s5 =	sshll.u32 s28, $0x1;
	[dreg:$0x2] =	wrdreg s3  }
0xa9: {  	[dreg:$0x3] =	wrdreg s5  }
0xaa: {  	[dreg:$0x4] =	wrdreg $0xC0  }
0xab: {  	_ =	task [dreg:s7], $0x5FFFF  }
0xac: {  	[dreg:$0x1] =	wrdreg $0xFFFFFFFF  }
0xad: {  	[dreg:$0x0] =	wrdreg $0x60  }
0xae: {  	[dreg:$0x2] =	wrdreg s24  }
0xaf: {  	[dreg:$0x3] =	wrdreg s2  }
0xb0: {  	[dreg:$0x4] =	wrdreg $0xE0000  }
0xb1: {  	[dreg:$0x5] =	wrdreg $0x9  }
0xb2: {  	_ =	task.clear_ibuf [dreg:s7], $0x6FFFF;
	_ =	strace $0x9000004C  }
0xb3: {  	s29 =	simm.s32 $0x9;
	_ =	strace $0x8000004E  }
0xb4: {  	_ =	swait.ge [sflag:s29], $0x1  }
0xb5: {  	[sflag:s29] =	ssyncadd.s32 $0xFFFFFFFF  }
0xb6: {  	_ =	strace $0x9000004E  }
0xb7: {  	_ =	sfence  }
0xb8: {  	s30 =	sld [smem:$0x0];
	_ =	sdelay $0x2  }
0xb9: {  	s31 =	sshll.u32 s1, $0xD;
	s1 =	sshrl.u32 s1, $0x2  }
0xba: {  	s3 =	sand.u32 $0x4000, s31;
	s1 =	sadd.s32 s1, s30  }
0xbb: {  	s0 =	sor.u32 s3, s0;
	s1 =	sshll.u32 s1, $0x11  }
0xbc: {  	s0 =	sor.u32 s1, s0  }
0xbd: {  	s0 =	sadd.s32 $0x8F2B, s0  }
0xbe: {  	[sflag:s0] =	ssyncadd.remote.s32 $0x1  }
0xbf: {  	_ =	sfence.sel $0xFFFF  }
0xc0: {  	[dreg:$0x0] =	wrdreg $0xFFFFFFFF;
	(pc) =	sbr.abs _section_cstart, $3  }
0xc1: {  	[dreg:$0x1] =	wrdreg $0xFFFFFFFF  }
0xc2: {  	_ =	task.clear_ibuf [dreg:s7], $0x2FFFF;
	_ =	strace $0x9FFFFFFF  }
0xc3: {  	(tm) =	ssettm $0x7FFFFFFF  }
tec
execute0_lowered:
.L_overlay_start_1:
0x0: {  	(tag) =	ssettag $0x1  }
0x1: {  	s6 =	rddreg [dreg:$0x0]  }
0x2: {  	s7 =	rddreg [dreg:$0x1]  }
0x3: {  	s0 =	srdreg.scid;
	s2 =	rddreg [dreg:$0x2];
	s3 =	simm.s32 $0x0  }
0x4: {  	s14 =	simm.s32 $0x80;
	s15 =	simm.s32 $0x5000;
	s16 =	simm.s32 $0x9800  }
0x5: {  	s17 =	simm.s32 $0x1;
	s18 =	simm.s32 $0x2;
	s19 =	simm.s32 $0x2780  }
0x6: {  	s20 =	simm.s32 $0x4F00;
	s5 =	sand.u32 $0x1, s0;
	s0 =	stileid.u32  }
0x7: {  	s21 =	simm.s32 $0x4F80;
	s22 =	simm.s32 $0x0;
	s9 =	smul.u32 $0x1680, s0  }
0x8: {  	[smem:$0x7FF] =	sst s3;
	s4 =	sadd.s32 $0x8400, s6;
	s10 =	smul.u32 $0x16800, s5  }
0x9: {  	s1 =	sshll.u32 s5, $0x4;
	s28 =	ssub.s32 $0x2, s5;
	s12 =	smul.u32 $0x2D000, s0  }
0xa: {  	s5 =	sadd.s32 $0x3E400, s6;
	s31 =	sshll.u32 s0, $0x6;
	s1 =	sor.u32 s0, s1  }
0xb: {  	s29 =	sshrl.u32 s28, $0x1;
	s8 =	smul.u32 $0x500, s1;
	s1 =	rddreg [dreg:$0x3]  }
0xc: {  	_ =	strace $0x8000004D;
	s9 =	sadd.s32 s9, s10;
	s10 =	ssub.s32 s28, s29  }
0xd: {  	s30 =	sshrl.u32 s12, $0x2;
	s12 =	sor.u32 $0x1C03, s31;
	s9 =	sadd.s32 s9, s6  }
0xe: {  	s13 =	sadd.s32 s30, s2;
	s11 =	sadd.s32 s8, s6;
	s6 =	sadd.s32 s7, s8  }
0xf: {  	s8 =	sadd.s32 $0x41200, s9;
	s9 =	smax.u32 s10, $0x1;
	s10 =	simm.s32 $0x3  }
0x10: {  	s13 =	sshrl.u32 s13, $0x3;
	s7 =	sadd.s32 $0x34400, s11;
	s11 =	simm.s32 $0x2800  }
.LBB2_1:
0x11: {  	[tilespmem:s3], [sflag:$0x3] =	stream.linear.gather [hbm4b:s6+s3], $0x2800, $0x38;
	[tilespmem:$0x19400] =	vst v63  }
0x12: {  	_ =	swait.ge [sflag:s10], $0x2800  }
0x13: {  	[sflag:s10] =	ssyncset.done $0x0  }
0x14: {  	[sflag:s10] =	ssyncadd.s32 $0xFFFFD800  }
0x15: {  	[tilespmem:s11], [sflag:$0x3] =	stream.linear.gather [hbm4b:s7+s3], $0x2800, $0x38;
	[tilespmem:$0x19400] =	vst v63  }
0x16: {  	_ =	swait.ge [sflag:s10], $0x2800  }
0x17: {  	[sflag:s10] =	ssyncset.done $0x0  }
0x18: {  	[sflag:s10] =	ssyncadd.s32 $0xFFFFD800  }
0x19: {  	[spmem:s13], [sflag:s12] =	dma.local [hbm:s5], $0x1680  }
0x1a: {  	_ =	swait.ge [sflag:s10], $0x1680  }
0x1b: {  	[sflag:s10] =	ssyncset.done $0x0  }
0x1c: {  	[sflag:s10] =	ssyncadd.s32 $0xFFFFE980  }
0x1d: {  	[bflag:$0x0] =	sbarrier.arrive $0xFFFF  }
0x1e: {  	[tilespmem:s15], [sflag:$0x1] =	stream.indirect.gather [hbm4b:s4+s14], $0x90, s3, s14, $0xb8;
	[tilespmem:$0x19400] =	vst v63  }
0x1f: {  	s23 =	simm.s32 $0x80  }
0x20: {  	[tilespmem:s16], [sflag:$0x2] =	stream.indirect.gather [hbm4b:s4+s14], $0x90, s23, s14, $0xb8;
	[tilespmem:$0x19400] =	vst v63  }
0x21: {  	_ =	swait.ge [sflag:s17], $0x4800  }
0x22: {  	[sflag:s17] =	ssyncset.done $0x0  }
0x23: {  	s29 =	simm.s32 $0x2800;
	[sflag:s17] =	ssyncadd.s32 $0xFFFFB800  }
0x24: {  	[spmem:s2] =	stream.indirect.scatter.add.f32 [tilespmem:s15], [sflag:$0x3], $0x90, s29, s14, $0xb8;
	[tilespmem:$0x19400] =	vst v63  }
0x25: {  	_ =	swait.ge [sflag:s10], $0x4800  }
0x26: {  	[sflag:s10] =	ssyncset.done $0x0  }
0x27: {  	s30 =	simm.s32 $0x100;
	[sflag:s10] =	ssyncadd.s32 $0xFFFFB800  }
0x28: {  	[tilespmem:s15], [sflag:$0x1] =	stream.indirect.gather [hbm4b:s4+s14], $0x90, s30, s14, $0xb8;
	[tilespmem:$0x19400] =	vst v63  }
0x29: {  	_ =	swait.ge [sflag:s18], $0x4800  }
0x2a: {  	[sflag:s18] =	ssyncset.done $0x0  }
0x2b: {  	s31 =	simm.s32 $0x2880;
	[sflag:s18] =	ssyncadd.s32 $0xFFFFB800  }
0x2c: {  	[spmem:s2] =	stream.indirect.scatter.add.f32 [tilespmem:s16], [sflag:$0x3], $0x90, s31, s14, $0xb8;
	[tilespmem:$0x19400] =	vst v63  }
0x2d: {  	_ =	swait.ge [sflag:s10], $0x4800  }
0x2e: {  	s24 =	simm.s32 $0x800;
	s23 =	simm.s32 $0x100;
	[sflag:s10] =	ssyncset.done $0x0  }
.LBB2_2:
0x2f: {  	s25 =	sadd.s32 $0x80, s23  }
0x30: {  	[sflag:s10] =	ssyncadd.s32 $0xFFFFB800;
	s26 =	smov.u32 s24;
	s28 =	sadd.s32 $0x400, s24  }
0x31: {  	[tilespmem:s16], [sflag:$0x2] =	stream.indirect.gather [hbm4b:s4+s14], $0x90, s25, s14, $0xb8;
	[tilespmem:$0x19400] =	vst v63  }
0x32: {  	p0 =	sne.s32 s24, $0x9800;
	_ =	swait.ge [sflag:s17], $0x4800  }
0x33: {  	[sflag:s17] =	ssyncset.done $0x0  }
0x34: {  	s24 =	sadd.s32 $0x2800, s23;
	[sflag:s17] =	ssyncadd.s32 $0xFFFFB800  }
0x35: {  	[spmem:s2] =	stream.indirect.scatter.add.f32 [tilespmem:s15], [sflag:$0x3], $0x90, s24, s14, $0xb8;
	[tilespmem:$0x19400] =	vst v63  }
0x36: {  	_ =	swait.ge [sflag:s10], $0x4800  }
0x37: {  	[sflag:s10] =	ssyncset.done $0x0  }
0x38: {  	s24 =	sadd.s32 $0x100, s23;
	[sflag:s10] =	ssyncadd.s32 $0xFFFFB800  }
0x39: {  	[tilespmem:s15], [sflag:$0x1] =	stream.indirect.gather [hbm4b:s4+s14], $0x90, s24, s14, $0xb8;
	[tilespmem:$0x19400] =	vst v63  }
0x3a: {  	_ =	swait.ge [sflag:s18], $0x4800  }
.Ltmp0:
0x3b: {  	[sflag:s18] =	ssyncset.done $0x0;
	(pc) =	sbr.rel @p0 .LBB2_2-.Ltmp0, $4  }
0x3c: {  	s23 =	sadd.s32 $0x2880, s23;
	[sflag:s18] =	ssyncadd.s32 $0xFFFFB800  }
0x3d: {  	[spmem:s2] =	stream.indirect.scatter.add.f32 [tilespmem:s16], [sflag:$0x3], $0x90, s23, s14, $0xb8;
	[tilespmem:$0x19400] =	vst v63  }
0x3e: {  	_ =	swait.ge [sflag:s10], $0x4800  }
0x3f: {  	s24 =	smov.u32 s28;
	s23 =	sshra.s32 s26, $0x2;
	[sflag:s10] =	ssyncset.done $0x0  }
0x40: {  	s24 =	sadd.s32 $0x80, s23;
	[sflag:s10] =	ssyncadd.s32 $0xFFFFB800  }
0x41: {  	[tilespmem:s16], [sflag:$0x2] =	stream.indirect.gather [hbm4b:s4+s14], $0x90, s24, s14, $0xb8;
	[tilespmem:$0x19400] =	vst v63  }
0x42: {  	_ =	swait.ge [sflag:s17], $0x4800  }
0x43: {  	[sflag:s17] =	ssyncset.done $0x0  }
0x44: {  	s29 =	sadd.s32 $0x2800, s23;
	[sflag:s17] =	ssyncadd.s32 $0xFFFFB800  }
0x45: {  	[spmem:s2] =	stream.indirect.scatter.add.f32 [tilespmem:s15], [sflag:$0x3], $0x90, s29, s14, $0xb8;
	[tilespmem:$0x19400] =	vst v63  }
0x46: {  	_ =	swait.ge [sflag:s10], $0x4800  }
0x47: {  	[sflag:s10] =	ssyncset.done $0x0  }
0x48: {  	s30 =	sadd.s32 $0x100, s23;
	[sflag:s10] =	ssyncadd.s32 $0xFFFFB800  }
0x49: {  	[tilespmem:s15], [sflag:$0x1] =	stream.indirect.gather [hbm4b:s4+s14], $0x90, s30, s14, $0xb8;
	[tilespmem:$0x19400] =	vst v63  }
0x4a: {  	_ =	swait.ge [sflag:s18], $0x4800  }
0x4b: {  	[sflag:s18] =	ssyncset.done $0x0  }
0x4c: {  	s31 =	sadd.s32 $0x2880, s23;
	[sflag:s18] =	ssyncadd.s32 $0xFFFFB800  }
0x4d: {  	[spmem:s2] =	stream.indirect.scatter.add.f32 [tilespmem:s16], [sflag:$0x3], $0x90, s31, s14, $0xb8;
	[tilespmem:$0x19400] =	vst v63  }
0x4e: {  	_ =	swait.ge [sflag:s10], $0x4800  }
0x4f: {  	[sflag:s10] =	ssyncset.done $0x0  }
0x50: {  	[sflag:s10] =	ssyncadd.s32 $0xFFFFB800  }
0x51: {  	[tilespmem:s16], [sflag:$0x2] =	stream.indirect.gather [hbm4b:s4+s14], $0x90, s19, s14, $0xb8;
	[tilespmem:$0x19400] =	vst v63  }
0x52: {  	_ =	swait.ge [sflag:s17], $0x4800  }
0x53: {  	[sflag:s17] =	ssyncset.done $0x0  }
0x54: {  	[sflag:s17] =	ssyncadd.s32 $0xFFFFB800  }
0x55: {  	[spmem:s2] =	stream.indirect.scatter.add.f32 [tilespmem:s15], [sflag:$0x3], $0x90, s20, s14, $0xb8;
	[tilespmem:$0x19400] =	vst v63  }
0x56: {  	_ =	swait.ge [sflag:s10], $0x4800  }
0x57: {  	[sflag:s10] =	ssyncset.done $0x0  }
0x58: {  	[sflag:s10] =	ssyncadd.s32 $0xFFFFB800  }
0x59: {  	_ =	swait.ge [sflag:s18], $0x4800  }
0x5a: {  	[sflag:s18] =	ssyncset.done $0x0  }
0x5b: {  	[sflag:s18] =	ssyncadd.s32 $0xFFFFB800  }
0x5c: {  	[spmem:s2] =	stream.indirect.scatter.add.f32 [tilespmem:s16], [sflag:$0x3], $0x90, s21, s14, $0xb8;
	[tilespmem:$0x19400] =	vst v63  }
0x5d: {  	_ =	swait.ge [sflag:s10], $0x4800  }
0x5e: {  	s22 =	sadd.s32 $0x1, s22;
	[sflag:s10] =	ssyncset.done $0x0  }
0x5f: {  	p0 =	sne.s32 s22, s9;
	[sflag:s10] =	ssyncadd.s32 $0xFFFFB800  }
.Ltmp1:
0x60: {  	[bflag:$0x0] =	sbarrier.arrive $0xFFFF;
	(pc) =	sbr.rel @p0 .LBB2_1-.Ltmp1, $4  }
0x61: {  	[hbm:s8], [sflag:s12] =	dma.local [spmem:s13], $0x1680  }
0x62: {  	_ =	swait.ge [sflag:s10], $0x1680  }
0x63: {  	[sflag:s10] =	ssyncset.done $0x0  }
0x64: {  	[sflag:s10] =	ssyncadd.s32 $0xFFFFE980  }
0x65: {  	_ =	sfence.sel $0x180000  }
0x66: {  	[bflag:$0x0] =	sbarrier.arrive $0xFFFF  }
0x67: {  	p0 =	sne.s32 s0, $0x0;
	_ =	strace $0x9000004D  }
0x68: {  	s0 =	sadd.s32 @!p0 $0x100000, s1;
	[bflag:$0x2] =	sbarrier.arrive $0xFFFF  }
0x69: {  	[sflag:s0] =	ssyncadd.tile.s32 @!p0 $0x1;
	_ =	shalt  }
.Lfunc_end2:
_tile_overlayer_lowered:
.L_overlay_start_2:
0x6a: {  	(tag) =	ssettag $0x2  }
0x6b: {  	s0 =	rddreg [dreg:$0x0];
	s2 =	stileid.u32  }
0x6c: {  	s1 =	rddreg [dreg:$0x1];
	p0 =	sne.s32 s2, $0x0  }
0x6d: {  	s3 =	rddreg [dreg:$0x2];
	[bflag:$0x3] =	sbarrier.arrive $0xFFFF;
	s2 =	simm.s32 @!p0 $0x1C03  }
0x6e: {  	[timem:s3], [sflag:s2] =	dma.local @!p0 [hbm:s0], s1  }
0x6f: {  	s0 =	simm.s32 @!p0 $0x3  }
0x70: {  	_ =	swait.ge @!p0 [sflag:s0], s1  }
0x71: {  	s1 =	ssub.s32 @!p0 $0x0, s1;
	[sflag:s0] =	ssyncset.done @!p0 $0x0  }
0x72: {  	[sflag:s0] =	ssyncadd.s32 @!p0 s1  }
0x73: {  	[bflag:$0x3] =	sbarrier.arrive $0xFFFF  }
0x74: {  	_ =	shalt  }

// kernel: kernel.20.cloned.1.call-start
scs
__scs_entry_jumppad:
0x0: {  	(pc) =	sbr.rel $0x88, $3  }
0x1: {  	(tag) =	ssettag $0x0;
	lr =	simm.s32 $0x1  }
0x2: {  	[smem:$0x3F72] =	sst lr;
	_ =	strace $0xD0000000  }
0x3: {  	_ = 	snop  }
0x4: {  	_ = 	snop  }
0x5: {  	_ = 	snop  }
0x6: {  	_ = 	snop  }
0x7: {  	_ = 	snop  }
__scs_overlays_trampoline_lowered:
0x8: {  	[smem:$0x3F81] =	sst s0  }
0x9: {  	[smem:$0x3F82] =	sst s1  }
0xa: {  	[smem:$0x3F83] =	sst s2  }
0xb: {  	[smem:$0x3F84] =	sst s3  }
0xc: {  	[smem:$0x3F85] =	sst s4  }
0xd: {  	[smem:$0x3F86] =	sst s5  }
0xe: {  	[smem:$0x3F87] =	sst s6  }
0xf: {  	[smem:$0x3F88] =	sst s7  }
0x10: {  	[smem:$0x3F89] =	sst s8  }
0x11: {  	[smem:$0x3F8A] =	sst s9;
	s0 =	simm.s32 @!p0 $0x0  }
0x12: {  	s1 =	sld [smem:$0x3F70];
	s0 =	simm.s32 @p0 $0x1  }
0x13: {  	[smem:$0x3F8B] =	sst s0;
	s0 =	simm.s32 @!p1 $0x0  }
0x14: {  	s2 =	sld [smem:$0x3F6F];
	s0 =	simm.s32 @p1 $0x1  }
0x15: {  	[smem:$0x3F8C] =	sst s0;
	s0 =	simm.s32 @!p2 $0x0  }
0x16: {  	s3 =	sld [smem:$0x3FDB];
	s0 =	simm.s32 @p2 $0x1  }
0x17: {  	s4 =	simm.s32 $0x1BF5;
	[smem:$0x3F8E] =	sst s0  }
0x18: {  	s0 =	sld [smem:$0x3F71];
	_ =	swait.ge [sflag:s4], $0x0  }
0x19: {  	s7 =	sld [smem:$0x3F72]  }
0x1a: {  	s8 =	sadd.s32 $0xFFFFE003, lr  }
0x1b: {  	s9 =	sadd.s32 $0xFFFFFEF7, lr;
	s5 =	simm.s32 $0xFFFFFFFF;
	p2 =	slt.u32 s8, $0xFFFFF086  }
0x1c: {  	p1 =	slt.u32 s9, $0xF7A;
	s5 =	simm.s32 @!p2 $0x0  }
0x1d: {  	s5 =	simm.s32 @p1 $0x1;
	p0 =	seq.s32 s7, s2  }
0x1e: {  	s7 =	smul.u32 @!p0 $0xF7A, s2;
	p2 =	seq.s32 @!p0 s5, $0x0  }
0x1f: {  	s9 =	smul.u32 $0xF7A, s1;
	s8 =	simm.s32 @!p0 $0x1BF5;
	p2 =	por !p2, p0  }
0x20: {  	[sflag:s8] =	ssyncset.s32 @!p0 $0xFFFFF086;
	s6 =	sadd.s32 @!p0 s3, s7;
	s7 =	simm.s32 @!p0 $0x108  }
0x21: {  	s3 =	sadd.s32 s3, s9;
	s6 =	sadd.s32 @!p0 $0x88, s6;
	s7 =	simm.s32 @p2 $0x1082  }
0x22: {  	[simem:s7], [sflag:s8] =	dma.local @!p0 [hbm:s6], $0xF7A  }
0x23: {  	s9 =	sor.u32 $0xD0000000, s2;
	s6 =	simm.s32 $0x108;
	_ =	swait.ge @!p0 [sflag:s8], $0x0  }
0x24: {  	s3 =	sadd.s32 $0x88, s3;
	s6 =	simm.s32 @!p1 $0x1082;
	[sflag:s4] =	ssyncset.s32 $0xFFFFF086  }
0x25: {  	[simem:s6], [sflag:s4] =	dma.local [hbm:s3], $0xF7A  }
0x26: {  	[smem:$0x3F72] =	sst s1;
	(tag) =	ssettag s2;
	_ =	strace s9  }
0x27: {  	s1 =	sld [smem:$0x3F82]  }
0x28: {  	s2 =	sld [smem:$0x3F83]  }
0x29: {  	s4 =	sld [smem:$0x3F85]  }
0x2a: {  	p0 =	seq.s32 s5, $0x0;
	s5 =	sld [smem:$0x3F86]  }
0x2b: {  	s6 =	sld [smem:$0x3F87]  }
0x2c: {  	s7 =	sld [smem:$0x3F88]  }
0x2d: {  	s3 =	simm.s32 $0x108;
	s8 =	sld [smem:$0x3F89]  }
0x2e: {  	s3 =	simm.s32 @!p0 $0x1082;
	s9 =	sld [smem:$0x3F8A]  }
0x2f: {  	lr =	sadd.s32 s0, s3;
	s0 =	sld [smem:$0x3F81]  }
0x30: {  	s3 =	sld [smem:$0x3F84]  }
0x31: {  	[smem:$0x3F8D] =	sst s10  }
0x32: {  	s10 =	sld [smem:$0x3F8B];
	_ =	sdelay $0x3  }
0x33: {  	p0 =	seq.s32 s10, $0x1;
	s10 =	sld [smem:$0x3F8D];
	_ =	sdelay $0x3  }
0x34: {  	[smem:$0x3F8D] =	sst s10  }
0x35: {  	s10 =	sld [smem:$0x3F8C];
	_ =	sdelay $0x3  }
0x36: {  	p1 =	seq.s32 s10, $0x1;
	s10 =	sld [smem:$0x3F8D];
	_ =	sdelay $0x3  }
0x37: {  	[smem:$0x3F8D] =	sst s10  }
0x38: {  	s10 =	sld [smem:$0x3F8E]  }
0x39: {  	_ = 	snop;
	(pc) =	sbr.ind lr, $3  }
0x3a: {  	_ = 	snop  }
0x3b: {  	_ = 	snop  }
0x3c: {  	p2 =	seq.s32 s10, $0x1;
	s10 =	sld [smem:$0x3F8D]  }
0x3d: {  	_ =	shalt  }
0x3e: {  	_ =	shalt  }
0x3f: {  	_ =	shalt  }
0x40: {  	_ =	shalt  }
0x41: {  	_ =	shalt  }
0x42: {  	_ =	shalt  }
0x43: {  	_ =	shalt  }
0x44: {  	_ =	shalt  }
0x45: {  	_ =	shalt  }
0x46: {  	_ =	shalt  }
0x47: {  	_ =	shalt  }
0x48: {  	_ =	shalt  }
0x49: {  	_ =	shalt  }
0x4a: {  	_ =	shalt  }
0x4b: {  	_ =	shalt  }
0x4c: {  	_ =	shalt  }
0x4d: {  	_ =	shalt  }
0x4e: {  	_ =	shalt  }
0x4f: {  	_ =	shalt  }
0x50: {  	_ =	shalt  }
0x51: {  	_ =	shalt  }
0x52: {  	_ =	shalt  }
0x53: {  	_ =	shalt  }
0x54: {  	_ =	shalt  }
0x55: {  	_ =	shalt  }
0x56: {  	_ =	shalt  }
0x57: {  	_ =	shalt  }
0x58: {  	_ =	shalt  }
0x59: {  	_ =	shalt  }
0x5a: {  	_ =	shalt  }
0x5b: {  	_ =	shalt  }
0x5c: {  	_ =	shalt  }
0x5d: {  	_ =	shalt  }
0x5e: {  	_ =	shalt  }
0x5f: {  	_ =	shalt  }
0x60: {  	_ =	shalt  }
0x61: {  	_ =	shalt  }
0x62: {  	_ =	shalt  }
0x63: {  	_ =	shalt  }
0x64: {  	_ =	shalt  }
0x65: {  	_ =	shalt  }
0x66: {  	_ =	shalt  }
0x67: {  	_ =	shalt  }
0x68: {  	_ =	shalt  }
0x69: {  	_ =	shalt  }
0x6a: {  	_ =	shalt  }
0x6b: {  	_ =	shalt  }
0x6c: {  	_ =	shalt  }
0x6d: {  	_ =	shalt  }
0x6e: {  	_ =	shalt  }
0x6f: {  	_ =	shalt  }
0x70: {  	_ =	shalt  }
0x71: {  	_ =	shalt  }
0x72: {  	_ =	shalt  }
0x73: {  	_ =	shalt  }
0x74: {  	_ =	shalt  }
0x75: {  	_ =	shalt  }
0x76: {  	_ =	shalt  }
0x77: {  	_ =	shalt  }
0x78: {  	_ =	shalt  }
0x79: {  	_ =	shalt  }
0x7a: {  	_ =	shalt  }
0x7b: {  	_ =	shalt  }
0x7c: {  	_ =	shalt  }
0x7d: {  	_ =	shalt  }
0x7e: {  	_ =	shalt  }
0x7f: {  	_ =	shalt  }
0x80: {  	_ =	shalt  }
0x81: {  	_ =	shalt  }
0x82: {  	_ =	shalt  }
0x83: {  	_ =	shalt  }
0x84: {  	_ =	shalt  }
0x85: {  	_ =	shalt  }
0x86: {  	_ =	shalt  }
0x87: {  	_ =	shalt  }
.Lfunc_end0:
.L_simem_size_0:
called_computation.3_lowered:
.L_overlay_start_0:
0x88: {  	s2 =	sld [smem:$0x3FD9]  }
0x89: {  	s3 =	sld [smem:$0x3FFE];
	_ =	sdelay $0x1  }
0x8a: {  	s1 =	srdreg.scid  }
0x8b: {  	s0 =	sand.u32 $0x1, s1  }
0x8c: {  	s16 =	sshll.u32 s0, $0xA;
	s2 =	sadd.s32 s3, s2  }
0x8d: {  	s2 =	sadd.s32 s2, s16  }
0x8e: {  	[smem:$0x3F99] =	sst s2  }
0x8f: {  	_ = 	snop  }
0x90: {  	(tm) =	ssettm $0x1  }
0x91: {  	s17 =	sld [smem:$0x3FFB];
	_ =	sdelay $0x3  }
0x92: {  	_ =	strace s17  }
0x93: {  	s2 =	sld [smem:$0x3FFC];
	_ =	sdelay $0x3  }
0x94: {  	_ =	strace s2  }
0x95: {  	s2 =	sld [smem:$0x3FFD];
	_ =	sdelay $0x3  }
0x96: {  	_ =	strace s2  }
0x97: {  	_ =	strace $0x8FFFFFFF  }
0x98: {  	s18 =	sld [smem:$0x3FDB];
	_ =	sdelay $0x1  }
0x99: {  	s19 =	simm.s32 $_scs_section_size  }
0x9a: {  	s4 =	simm.s32 $_size__tile_overlayer_lowered;
	s5 =	simm.s32 $_tile_overlayer_lowered  }
0x9b: {  	s22 =	simm.s32 $0x1BFF;
	s21 =	sshll.u32 s5, $0x1;
	s2 =	sadd.s32 s19, s18  }
0x9c: {  	s6 =	simm.s32 $0x0;
	s20 =	sshll.u32 s4, $0x1;
	s4 =	sadd.s32 s21, s2  }
0x9d: {  	[timem:s6], [sflag:s22] =	dma.local [hbm:s4], s20  }
0x9e: {  	_ =	swait.ge [sflag:s22], s20  }
0x9f: {  	s3 =	ssub.s32 $0x0, s20;
	[sflag:s22] =	ssyncset.done $0x0  }
0xa0: {  	[sflag:s22] =	ssyncadd.s32 s3;
	_ =	sdelay $0x1  }
0xa1: {  	s23 =	simm.s32 $0x1B8B  }
0xa2: {  	_ =	swait.ge [sflag:s23], $0x1  }
0xa3: {  	[sflag:s23] =	ssyncset.done $0x0  }
0xa4: {  	s25 =	simm.s32 $0x1B8E;
	s24 =	sld [smem:$0x3FFE];
	[sflag:s23] =	ssyncadd.s32 $0xFFFFFFFF  }
0xa5: {  	s26 =	simm.s32 $execute0_lowered;
	[smem:$0x3FD2] =	sst s25  }
0xa6: {  	s4 =	sshll.u32 s26, $0x1;
	_ =	strace $0x8000004F;
	[dreg:$0x1] =	wrdreg $0xFFFFFFFF  }
0xa7: {  	s28 =	simm.s32 $_size_execute0_lowered;
	s2 =	sadd.s32 s2, s4;
	[dreg:$0x0] =	wrdreg $0x0  }
0xa8: {  	s4 =	sshll.u32 s28, $0x1;
	[dreg:$0x2] =	wrdreg s2  }
0xa9: {  	[dreg:$0x3] =	wrdreg s4  }
0xaa: {  	[dreg:$0x4] =	wrdreg $0xC0  }
0xab: {  	_ =	task [dreg:s6], $0x5FFFF  }
0xac: {  	[dreg:$0x1] =	wrdreg $0xFFFFFFFF  }
0xad: {  	[dreg:$0x0] =	wrdreg $0x60  }
0xae: {  	[dreg:$0x2] =	wrdreg s24  }
0xaf: {  	[dreg:$0x3] =	wrdreg $0x97000  }
0xb0: {  	[dreg:$0x4] =	wrdreg $0x9  }
0xb1: {  	_ =	task.clear_ibuf [dreg:s6], $0x5FFFF;
	_ =	strace $0x9000004F  }
0xb2: {  	s29 =	simm.s32 $0x9;
	_ =	strace $0x80000051  }
0xb3: {  	_ =	swait.ge [sflag:s29], $0x1  }
0xb4: {  	[sflag:s29] =	ssyncadd.s32 $0xFFFFFFFF  }
0xb5: {  	_ =	strace $0x90000051  }
0xb6: {  	_ =	sfence  }
0xb7: {  	s30 =	sld [smem:$0x0];
	_ =	sdelay $0x2  }
0xb8: {  	s31 =	sshll.u32 s1, $0xD;
	s1 =	sshrl.u32 s1, $0x2  }
0xb9: {  	s3 =	sand.u32 $0x4000, s31;
	s1 =	sadd.s32 s1, s30  }
0xba: {  	s0 =	sor.u32 s3, s0;
	s1 =	sshll.u32 s1, $0x11  }
0xbb: {  	s0 =	sor.u32 s1, s0  }
0xbc: {  	s0 =	sadd.s32 $0x8F2B, s0  }
0xbd: {  	[sflag:s0] =	ssyncadd.remote.s32 $0x1  }
0xbe: {  	_ =	sfence.sel $0xFFFF  }
0xbf: {  	[dreg:$0x0] =	wrdreg $0xFFFFFFFF;
	(pc) =	sbr.abs _section_cstart, $3  }
0xc0: {  	[dreg:$0x1] =	wrdreg $0xFFFFFFFF  }
0xc1: {  	_ =	task.clear_ibuf [dreg:s6], $0x2FFFF;
	_ =	strace $0x9FFFFFFF  }
0xc2: {  	(tm) =	ssettm $0x7FFFFFFF  }
0xc3: {  	_ =	shalt  }
tec
execute0_lowered:
.L_overlay_start_1:
0x0: {  	(tag) =	ssettag $0x1  }
0x1: {  	s6 =	rddreg [dreg:$0x0]  }
0x2: {  	s0 =	srdreg.scid;
	s2 =	rddreg [dreg:$0x1];
	s3 =	simm.s32 $0x0  }
0x3: {  	s11 =	simm.s32 $0x2780;
	s14 =	simm.s32 $0x40;
	s15 =	simm.s32 $0x4F00  }
0x4: {  	s16 =	simm.s32 $0x7300;
	s17 =	simm.s32 $0x1;
	s18 =	simm.s32 $0x2  }
0x5: {  	s19 =	simm.s32 $0x2740;
	s20 =	simm.s32 $0x4E80;
	s21 =	simm.s32 $0x4EC0  }
0x6: {  	s22 =	simm.s32 $0x0;
	s5 =	sand.u32 $0x1, s0;
	s0 =	stileid.u32  }
0x7: {  	[smem:$0x7FF] =	sst s3;
	s4 =	sadd.s32 $0x41200, s6;
	s8 =	smul.u32 $0x2C70, s0  }
0x8: {  	s1 =	sshll.u32 s5, $0x4;
	s9 =	smul.u32 $0x2C700, s5;
	s30 =	ssub.s32 $0x2, s5  }
0x9: {  	s10 =	smul.u32 $0x58E00, s0;
	s5 =	sadd.s32 $0x3E400, s6;
	s12 =	sshll.u32 s0, $0x6  }
0xa: {  	s1 =	sor.u32 s0, s1;
	s31 =	sshrl.u32 s30, $0x1;
	s12 =	sor.u32 $0x1C03, s12  }
0xb: {  	s7 =	smul.u32 $0x4F0, s1;
	s1 =	rddreg [dreg:$0x2];
	_ =	strace $0x80000050  }
0xc: {  	s8 =	sadd.s32 s8, s9;
	s9 =	ssub.s32 s30, s31;
	s10 =	sshrl.u32 s10, $0x2  }
0xd: {  	s8 =	sadd.s32 s8, s6;
	s13 =	sadd.s32 s10, s2;
	s9 =	smax.u32 s9, $0x1  }
0xe: {  	s10 =	simm.s32 $0x3;
	s7 =	sadd.s32 s7, s6;
	s8 =	sadd.s32 $0x81E00, s8  }
0xf: {  	s13 =	sshrl.u32 s13, $0x3;
	s6 =	sadd.s32 $0x78000, s7;
	s7 =	sadd.s32 $0x6E200, s7  }
.LBB2_1:
0x10: {  	[tilespmem:s3], [sflag:$0x3] =	stream.linear.gather [hbm4b:s6+s3], $0x2780, $0x38;
	[tilespmem:$0x1FA80] =	vst v63  }
0x11: {  	_ =	swait.ge [sflag:s10], $0x2780  }
0x12: {  	[sflag:s10] =	ssyncset.done $0x0  }
0x13: {  	[sflag:s10] =	ssyncadd.s32 $0xFFFFD880  }
0x14: {  	[tilespmem:s11], [sflag:$0x3] =	stream.linear.gather [hbm4b:s7+s3], $0x2780, $0x38;
	[tilespmem:$0x1FA80] =	vst v63  }
0x15: {  	_ =	swait.ge [sflag:s10], $0x2780  }
0x16: {  	[sflag:s10] =	ssyncset.done $0x0  }
0x17: {  	[sflag:s10] =	ssyncadd.s32 $0xFFFFD880  }
0x18: {  	[spmem:s13], [sflag:s12] =	dma.local [hbm:s5], $0x2C70  }
0x19: {  	_ =	swait.ge [sflag:s10], $0x2C70  }
0x1a: {  	[sflag:s10] =	ssyncset.done $0x0  }
0x1b: {  	[sflag:s10] =	ssyncadd.s32 $0xFFFFD390  }
0x1c: {  	[bflag:$0x0] =	sbarrier.arrive $0xFFFF  }
0x1d: {  	[tilespmem:s15], [sflag:$0x1] =	stream.indirect.gather [hbm4b:s4+s14], $0x90, s3, s14, $0xb8;
	[tilespmem:$0x1FA80] =	vst v63  }
0x1e: {  	s23 =	simm.s32 $0x40  }
0x1f: {  	[tilespmem:s16], [sflag:$0x2] =	stream.indirect.gather [hbm4b:s4+s14], $0x90, s23, s14, $0xb8;
	[tilespmem:$0x1FA80] =	vst v63  }
0x20: {  	_ =	swait.ge [sflag:s17], $0x2400  }
0x21: {  	[sflag:s17] =	ssyncset.done $0x0  }
0x22: {  	s29 =	simm.s32 $0x2780;
	[sflag:s17] =	ssyncadd.s32 $0xFFFFDC00  }
0x23: {  	[spmem:s2] =	stream.indirect.scatter.add.f32 [tilespmem:s15], [sflag:$0x3], $0x90, s29, s14, $0xb8;
	[tilespmem:$0x1FA80] =	vst v63  }
0x24: {  	_ =	swait.ge [sflag:s10], $0x2400  }
0x25: {  	[sflag:s10] =	ssyncset.done $0x0  }
0x26: {  	s30 =	simm.s32 $0x80;
	[sflag:s10] =	ssyncadd.s32 $0xFFFFDC00  }
0x27: {  	[tilespmem:s15], [sflag:$0x1] =	stream.indirect.gather [hbm4b:s4+s14], $0x90, s30, s14, $0xb8;
	[tilespmem:$0x1FA80] =	vst v63  }
0x28: {  	_ =	swait.ge [sflag:s18], $0x2400  }
0x29: {  	[sflag:s18] =	ssyncset.done $0x0  }
0x2a: {  	s31 =	simm.s32 $0x27C0;
	[sflag:s18] =	ssyncadd.s32 $0xFFFFDC00  }
0x2b: {  	[spmem:s2] =	stream.indirect.scatter.add.f32 [tilespmem:s16], [sflag:$0x3], $0x90, s31, s14, $0xb8;
	[tilespmem:$0x1FA80] =	vst v63  }
0x2c: {  	_ =	swait.ge [sflag:s10], $0x2400  }
0x2d: {  	s24 =	simm.s32 $0x400;
	s23 =	simm.s32 $0x80;
	[sflag:s10] =	ssyncset.done $0x0  }
.LBB2_2:
0x2e: {  	s25 =	sadd.s32 $0x40, s23  }
0x2f: {  	[sflag:s10] =	ssyncadd.s32 $0xFFFFDC00;
	s26 =	smov.u32 s24;
	s28 =	sadd.s32 $0x200, s24  }
0x30: {  	[tilespmem:s16], [sflag:$0x2] =	stream.indirect.gather [hbm4b:s4+s14], $0x90, s25, s14, $0xb8;
	[tilespmem:$0x1FA80] =	vst v63  }
0x31: {  	p0 =	sne.s32 s24, $0x9A00;
	_ =	swait.ge [sflag:s17], $0x2400  }
0x32: {  	[sflag:s17] =	ssyncset.done $0x0  }
0x33: {  	s24 =	sadd.s32 $0x2780, s23;
	[sflag:s17] =	ssyncadd.s32 $0xFFFFDC00  }
0x34: {  	[spmem:s2] =	stream.indirect.scatter.add.f32 [tilespmem:s15], [sflag:$0x3], $0x90, s24, s14, $0xb8;
	[tilespmem:$0x1FA80] =	vst v63  }
0x35: {  	_ =	swait.ge [sflag:s10], $0x2400  }
0x36: {  	[sflag:s10] =	ssyncset.done $0x0  }
0x37: {  	s24 =	sadd.s32 $0x80, s23;
	[sflag:s10] =	ssyncadd.s32 $0xFFFFDC00  }
0x38: {  	[tilespmem:s15], [sflag:$0x1] =	stream.indirect.gather [hbm4b:s4+s14], $0x90, s24, s14, $0xb8;
	[tilespmem:$0x1FA80] =	vst v63  }
0x39: {  	_ =	swait.ge [sflag:s18], $0x2400  }
.Ltmp0:
0x3a: {  	[sflag:s18] =	ssyncset.done $0x0;
	(pc) =	sbr.rel @p0 .LBB2_2-.Ltmp0, $4  }
0x3b: {  	s23 =	sadd.s32 $0x27C0, s23;
	[sflag:s18] =	ssyncadd.s32 $0xFFFFDC00  }
0x3c: {  	[spmem:s2] =	stream.indirect.scatter.add.f32 [tilespmem:s16], [sflag:$0x3], $0x90, s23, s14, $0xb8;
	[tilespmem:$0x1FA80] =	vst v63  }
0x3d: {  	_ =	swait.ge [sflag:s10], $0x2400  }
0x3e: {  	s24 =	smov.u32 s28;
	s23 =	sshra.s32 s26, $0x2;
	[sflag:s10] =	ssyncset.done $0x0  }
0x3f: {  	s24 =	sadd.s32 $0x40, s23;
	[sflag:s10] =	ssyncadd.s32 $0xFFFFDC00  }
0x40: {  	[tilespmem:s16], [sflag:$0x2] =	stream.indirect.gather [hbm4b:s4+s14], $0x90, s24, s14, $0xb8;
	[tilespmem:$0x1FA80] =	vst v63  }
0x41: {  	_ =	swait.ge [sflag:s17], $0x2400  }
0x42: {  	[sflag:s17] =	ssyncset.done $0x0  }
0x43: {  	s29 =	sadd.s32 $0x2780, s23;
	[sflag:s17] =	ssyncadd.s32 $0xFFFFDC00  }
0x44: {  	[spmem:s2] =	stream.indirect.scatter.add.f32 [tilespmem:s15], [sflag:$0x3], $0x90, s29, s14, $0xb8;
	[tilespmem:$0x1FA80] =	vst v63  }
0x45: {  	_ =	swait.ge [sflag:s10], $0x2400  }
0x46: {  	[sflag:s10] =	ssyncset.done $0x0  }
0x47: {  	s30 =	sadd.s32 $0x80, s23;
	[sflag:s10] =	ssyncadd.s32 $0xFFFFDC00  }
0x48: {  	[tilespmem:s15], [sflag:$0x1] =	stream.indirect.gather [hbm4b:s4+s14], $0x90, s30, s14, $0xb8;
	[tilespmem:$0x1FA80] =	vst v63  }
0x49: {  	_ =	swait.ge [sflag:s18], $0x2400  }
0x4a: {  	[sflag:s18] =	ssyncset.done $0x0  }
0x4b: {  	s31 =	sadd.s32 $0x27C0, s23;
	[sflag:s18] =	ssyncadd.s32 $0xFFFFDC00  }
0x4c: {  	[spmem:s2] =	stream.indirect.scatter.add.f32 [tilespmem:s16], [sflag:$0x3], $0x90, s31, s14, $0xb8;
	[tilespmem:$0x1FA80] =	vst v63  }
0x4d: {  	_ =	swait.ge [sflag:s10], $0x2400  }
0x4e: {  	[sflag:s10] =	ssyncset.done $0x0  }
0x4f: {  	[sflag:s10] =	ssyncadd.s32 $0xFFFFDC00  }
0x50: {  	[tilespmem:s16], [sflag:$0x2] =	stream.indirect.gather [hbm4b:s4+s14], $0x90, s19, s14, $0xb8;
	[tilespmem:$0x1FA80] =	vst v63  }
0x51: {  	_ =	swait.ge [sflag:s17], $0x2400  }
0x52: {  	[sflag:s17] =	ssyncset.done $0x0  }
0x53: {  	[sflag:s17] =	ssyncadd.s32 $0xFFFFDC00  }
0x54: {  	[spmem:s2] =	stream.indirect.scatter.add.f32 [tilespmem:s15], [sflag:$0x3], $0x90, s20, s14, $0xb8;
	[tilespmem:$0x1FA80] =	vst v63  }
0x55: {  	_ =	swait.ge [sflag:s10], $0x2400  }
0x56: {  	[sflag:s10] =	ssyncset.done $0x0  }
0x57: {  	[sflag:s10] =	ssyncadd.s32 $0xFFFFDC00  }
0x58: {  	_ =	swait.ge [sflag:s18], $0x2400  }
0x59: {  	[sflag:s18] =	ssyncset.done $0x0  }
0x5a: {  	[sflag:s18] =	ssyncadd.s32 $0xFFFFDC00  }
0x5b: {  	[spmem:s2] =	stream.indirect.scatter.add.f32 [tilespmem:s16], [sflag:$0x3], $0x90, s21, s14, $0xb8;
	[tilespmem:$0x1FA80] =	vst v63  }
0x5c: {  	_ =	swait.ge [sflag:s10], $0x2400  }
0x5d: {  	s22 =	sadd.s32 $0x1, s22;
	[sflag:s10] =	ssyncset.done $0x0  }
0x5e: {  	p0 =	sne.s32 s22, s9;
	[sflag:s10] =	ssyncadd.s32 $0xFFFFDC00  }
.Ltmp1:
0x5f: {  	[bflag:$0x0] =	sbarrier.arrive $0xFFFF;
	(pc) =	sbr.rel @p0 .LBB2_1-.Ltmp1, $4  }
0x60: {  	[hbm:s8], [sflag:s12] =	dma.local [spmem:s13], $0x2C70  }
0x61: {  	_ =	swait.ge [sflag:s10], $0x2C70  }
0x62: {  	[sflag:s10] =	ssyncset.done $0x0  }
0x63: {  	[sflag:s10] =	ssyncadd.s32 $0xFFFFD390  }
0x64: {  	_ =	sfence.sel $0x180000  }
0x65: {  	[bflag:$0x0] =	sbarrier.arrive $0xFFFF  }
0x66: {  	p0 =	sne.s32 s0, $0x0;
	_ =	strace $0x90000050  }
0x67: {  	s0 =	sadd.s32 @!p0 $0x100000, s1;
	[bflag:$0x2] =	sbarrier.arrive $0xFFFF  }
0x68: {  	[sflag:s0] =	ssyncadd.tile.s32 @!p0 $0x1;
	_ =	shalt  }
.Lfunc_end2:
_tile_overlayer_lowered:
.L_overlay_start_2:
0x69: {  	(tag) =	ssettag $0x2  }
0x6a: {  	s0 =	rddreg [dreg:$0x0];
	s2 =	stileid.u32  }
0x6b: {  	s1 =	rddreg [dreg:$0x1];
	p0 =	sne.s32 s2, $0x0  }
0x6c: {  	s3 =	rddreg [dreg:$0x2];
	[bflag:$0x3] =	sbarrier.arrive $0xFFFF;
	s2 =	simm.s32 @!p0 $0x1C03  }
0x6d: {  	[timem:s3], [sflag:s2] =	dma.local @!p0 [hbm:s0], s1  }
0x6e: {  	s0 =	simm.s32 @!p0 $0x3  }
0x6f: {  	_ =	swait.ge @!p0 [sflag:s0], s1  }
0x70: {  	s1 =	ssub.s32 @!p0 $0x0, s1;
	[sflag:s0] =	ssyncset.done @!p0 $0x0  }
0x71: {  	[sflag:s0] =	ssyncadd.s32 @!p0 s1  }
0x72: {  	[bflag:$0x3] =	sbarrier.arrive $0xFFFF  }
0x73: {  	_ =	shalt  }

</sc_bundles>
